<compile_context>
chip_gen: v7x
topology: tpu7x:2x2x1
jax: 0.10.2.dev20260603
libtpu: 0.0.44.dev20260713+nightly
codegen_flags: <defaults>
</compile_context>

<pallas_src>
import functools

import jax
import jax.numpy as jnp
from jax import lax
from jax.experimental import pallas as pl
from jax.experimental.pallas import tpu as pltpu
from jax.experimental.pallas import tpu_sc as plsc

_B = 16384
_D = 32
_NC, _NS = 2, 16
_NW = _NC * _NS
_BPW = _B // _NW
_CH = 32
_NCHK = _BPW // _CH


@functools.lru_cache(maxsize=None)
def _gather_pairs_kernel():
    mesh = plsc.VectorSubcoreMesh(core_axis_name="c", subcore_axis_name="s",
                                  num_cores=_NC, num_subcores=_NS)

    @functools.partial(
        pl.kernel,
        mesh=mesh,
        out_type=(
            jax.ShapeDtypeStruct((_B, _D), jnp.float32),
            jax.ShapeDtypeStruct((_B, _D), jnp.float32),
        ),
        scratch_types=[
            pltpu.VMEM((_BPW,), jnp.int32),
            pltpu.VMEM((_BPW,), jnp.int32),
            pltpu.VMEM((_CH, _D), jnp.float32),
            pltpu.VMEM((_CH, _D), jnp.float32),
            pltpu.SemaphoreType.DMA,
            pltpu.SemaphoreType.DMA,
        ],
        compiler_params=pltpu.CompilerParams(use_tc_tiling_on_sc=True),
    )
    def _gather_pairs(uidx_hbm, iidx_hbm, utab_hbm, itab_hbm,
                      uout_hbm, iout_hbm,
                      uidx_v, iidx_v, uchunk, ichunk, usem, isem):
        wid = lax.axis_index("s") * _NC + lax.axis_index("c")
        base = wid * _BPW
        pltpu.sync_copy(uidx_hbm.at[pl.ds(base, _BPW)], uidx_v)
        pltpu.sync_copy(iidx_hbm.at[pl.ds(base, _BPW)], iidx_v)

        def body(j, carry):
            uvec = uidx_v[pl.ds(j * _CH, _CH)]
            ivec = iidx_v[pl.ds(j * _CH, _CH)]
            hs = []
            for k in range(_CH):
                hs.append(pltpu.async_copy(
                    utab_hbm.at[pl.ds(uvec[k], 1)],
                    uchunk.at[pl.ds(k, 1)], usem))
                hs.append(pltpu.async_copy(
                    itab_hbm.at[pl.ds(ivec[k], 1)],
                    ichunk.at[pl.ds(k, 1)], isem))
            for h in hs:
                h.wait()
            pltpu.sync_copy(uchunk, uout_hbm.at[pl.ds(base + j * _CH, _CH)])
            pltpu.sync_copy(ichunk, iout_hbm.at[pl.ds(base + j * _CH, _CH)])
            return carry

        lax.fori_loop(0, _NCHK, body, 0)

    return _gather_pairs


_BM = 2048


def _mlp_body(u_ref, v_ref, w1_ref, b1_ref, w2_ref, b2_ref, w3_ref, b3_ref,
              o_ref):
    x1 = (jnp.dot(u_ref[...], w1_ref[0:_D, :],
                  preferred_element_type=jnp.float32)
          + jnp.dot(v_ref[...], w1_ref[_D:2 * _D, :],
                    preferred_element_type=jnp.float32)
          + b1_ref[...])
    h1 = jnp.maximum(x1, 0.0)
    h2 = jnp.maximum(
        jnp.dot(h1, w2_ref[...], preferred_element_type=jnp.float32)
        + b2_ref[...], 0.0)
    o_ref[...] = (jnp.dot(h2, w3_ref[...], preferred_element_type=jnp.float32)
                  + b3_ref[...])


def _mlp(u_vec, i_vec, W1, b1, W2, b2, W3, b3):
    return pl.pallas_call(
        _mlp_body,
        grid=(_B // _BM,),
        in_specs=[
            pl.BlockSpec((_BM, _D), lambda m: (m, 0)),
            pl.BlockSpec((_BM, _D), lambda m: (m, 0)),
            pl.BlockSpec((2 * _D, 64), lambda m: (0, 0)),
            pl.BlockSpec((1, 64), lambda m: (0, 0)),
            pl.BlockSpec((64, 32), lambda m: (0, 0)),
            pl.BlockSpec((1, 32), lambda m: (0, 0)),
            pl.BlockSpec((32, 1), lambda m: (0, 0)),
            pl.BlockSpec((1, 1), lambda m: (0, 0)),
        ],
        out_specs=pl.BlockSpec((_BM, 1), lambda m: (m, 0)),
        out_shape=jax.ShapeDtypeStruct((_B, 1), jnp.float32),
    )(u_vec, i_vec, W1, b1.reshape(1, 64), W2, b2.reshape(1, 32),
      W3, b3.reshape(1, 1))


def kernel(inputs, user_table, item_table, W1, b1, W2, b2, W3, b3):
    idx = inputs.astype(jnp.int32)
    uidx = idx[:, 0]
    iidx = idx[:, 1]
    u_vec, i_vec = _gather_pairs_kernel()(uidx, iidx, user_table, item_table)
    return _mlp(u_vec, i_vec, W1, b1, W2, b2, W3, b3)

# --- scband reference (transcript-rebuilt; emitter-appended) ---
"""Pipeline reference for scband-recommender-model-43550968381911 (READ-ONLY COPY).

The authoritative reference and input builder live on the scoring server;
editing this copy changes nothing except your own understanding.
"""

import jax, jax.numpy as jnp
import numpy as np

NUM_USERS = 1000000
NUM_ITEMS = 1000000
EMBED_DIM = 32
BATCH = 16384


def setup_inputs(seed: int = 0) -> dict:
    key = jax.random.key(seed)
    k_idx, k_ue, k_ie, k_w1, k_b1, k_w2, k_b2, k_w3, k_b3 = jax.random.split(key, 9)
    inputs = jax.random.randint(k_idx, (BATCH, 2), 0, NUM_USERS, dtype=jnp.int64) if jax.config.jax_enable_x64 else jax.random.randint(k_idx, (BATCH, 2), 0, NUM_USERS, dtype=jnp.int32)
    user_table = jax.random.normal(k_ue, (NUM_USERS, EMBED_DIM), dtype=jnp.float32) * 0.05
    item_table = jax.random.normal(k_ie, (NUM_ITEMS, EMBED_DIM), dtype=jnp.float32) * 0.05
    W1 = jax.random.normal(k_w1, (2 * EMBED_DIM, 64), dtype=jnp.float32) * (1.0 / np.sqrt(2 * EMBED_DIM))
    b1 = jnp.zeros((64,), dtype=jnp.float32)
    W2 = jax.random.normal(k_w2, (64, 32), dtype=jnp.float32) * (1.0 / np.sqrt(64))
    b2 = jnp.zeros((32,), dtype=jnp.float32)
    W3 = jax.random.normal(k_w3, (32, 1), dtype=jnp.float32) * (1.0 / np.sqrt(32))
    b3 = jnp.zeros((1,), dtype=jnp.float32)
    return {"inputs": inputs, "user_table": user_table, "item_table": item_table,
            "W1": W1, "b1": b1, "W2": W2, "b2": b2, "W3": W3, "b3": b3}


def reference(inputs, user_table, item_table, W1, b1, W2, b2, W3, b3):
    user_input = inputs[:, 0]
    item_input = inputs[:, 1]
    user_vec = jnp.take(user_table, user_input, axis=0)
    item_vec = jnp.take(item_table, item_input, axis=0)
    x = jnp.concatenate([user_vec, item_vec], axis=-1)
    x = jax.nn.relu(x @ W1 + b1)
    x = jax.nn.relu(x @ W2 + b2)
    out = x @ W3 + b3
    return out

if __name__ == "__main__":
    import jax
    _d = setup_inputs()
    print(jax.jit(kernel)(*tuple(_d.values())))

</pallas_src>

<mosaic_0001>
#map = affine_map<(d0, d1) -> (0)>
#map1 = affine_map<(d0, d1) -> (0, 0)>
module attributes {stable_mosaic.version = 14 : i64} {
  func.func @_gather_pairs(%arg0: i32, %arg1: i32, %arg2: memref<16384xi32, #tpu.memory_space<hbm>>, %arg3: memref<16384xi32, #tpu.memory_space<hbm>>, %arg4: memref<1000000x32xf32, #tpu.memory_space<hbm>>, %arg5: memref<1000000x32xf32, #tpu.memory_space<hbm>>, %arg6: memref<16384x32xf32, #tpu.memory_space<hbm>>, %arg7: memref<16384x32xf32, #tpu.memory_space<hbm>>, %arg8: memref<512xi32, #tpu.memory_space<vmem>>, %arg9: memref<512xi32, #tpu.memory_space<vmem>>, %arg10: memref<32x32xf32, #tpu.memory_space<vmem>>, %arg11: memref<32x32xf32, #tpu.memory_space<vmem>>, %arg12: memref<!tpu.dma_semaphore, #tpu.memory_space<semaphore_mem>>, %arg13: memref<!tpu.dma_semaphore, #tpu.memory_space<semaphore_mem>>) attributes {dimension_semantics = [#tpu.dimension_semantics<core_parallel>, #tpu.dimension_semantics<subcore_parallel>], iteration_bounds = array<i64: 2, 16>, scalar_prefetch = 0 : i64, scratch_operands = 6 : i64, tpu.core_type = #tpu.core_type<sc_vector_subcore>, window_params = [{transform_indices = #map}, {transform_indices = #map}, {transform_indices = #map1}, {transform_indices = #map1}, {transform_indices = #map1}, {transform_indices = #map1}]} {
    %mul3A = arith.constant 2 : i32
    %mul3A_0 = arith.muli %arg1, %mul3A : i32
    %add3A = arith.addi %mul3A_0, %arg0 : i32
    %mul3A_1 = arith.constant 512 : i32
    %mul3A_2 = arith.muli %add3A, %mul3A_1 : i32
    "tpu.region"() ({
      %run_scoped3A = tpu.sem_alloc : memref<!tpu.dma_semaphore, #tpu.memory_space<semaphore_mem>>
      %dma_start3A = tpu.memref_slice %arg2[%mul3A_2] : memref<16384xi32, #tpu.memory_space<hbm>> -> memref<512xi32, #tpu.memory_space<hbm>>
      %dma_start3A_8 = tpu.memref_slice %arg2[%mul3A_2] : memref<16384xi32, #tpu.memory_space<hbm>> -> memref<512xi32, #tpu.memory_space<hbm>>
      tpu.enqueue_dma source(%dma_start3A_8 : memref<512xi32, #tpu.memory_space<hbm>>) target(%arg8 : memref<512xi32, #tpu.memory_space<vmem>>) target_semaphore(%run_scoped3A : memref<!tpu.dma_semaphore, #tpu.memory_space<semaphore_mem>>)
      %dma_wait3A = tpu.memref_slice %arg2[%mul3A_2] : memref<16384xi32, #tpu.memory_space<hbm>> -> memref<512xi32, #tpu.memory_space<hbm>>
      %dma_wait3A_9 = tpu.memref_slice %arg2[%mul3A_2] : memref<16384xi32, #tpu.memory_space<hbm>> -> memref<512xi32, #tpu.memory_space<hbm>>
      tpu.wait_dma2 semaphore(%run_scoped3A : memref<!tpu.dma_semaphore, #tpu.memory_space<semaphore_mem>>) src(%dma_wait3A_9 : memref<512xi32, #tpu.memory_space<hbm>>) dst(%arg8 : memref<512xi32, #tpu.memory_space<vmem>>)
      tpu.yield
    }) : () -> ()
    "tpu.region"() ({
      %run_scoped3A = tpu.sem_alloc : memref<!tpu.dma_semaphore, #tpu.memory_space<semaphore_mem>>
      %dma_start3A = tpu.memref_slice %arg3[%mul3A_2] : memref<16384xi32, #tpu.memory_space<hbm>> -> memref<512xi32, #tpu.memory_space<hbm>>
      %dma_start3A_8 = tpu.memref_slice %arg3[%mul3A_2] : memref<16384xi32, #tpu.memory_space<hbm>> -> memref<512xi32, #tpu.memory_space<hbm>>
      tpu.enqueue_dma source(%dma_start3A_8 : memref<512xi32, #tpu.memory_space<hbm>>) target(%arg9 : memref<512xi32, #tpu.memory_space<vmem>>) target_semaphore(%run_scoped3A : memref<!tpu.dma_semaphore, #tpu.memory_space<semaphore_mem>>)
      %dma_wait3A = tpu.memref_slice %arg3[%mul3A_2] : memref<16384xi32, #tpu.memory_space<hbm>> -> memref<512xi32, #tpu.memory_space<hbm>>
      %dma_wait3A_9 = tpu.memref_slice %arg3[%mul3A_2] : memref<16384xi32, #tpu.memory_space<hbm>> -> memref<512xi32, #tpu.memory_space<hbm>>
      tpu.wait_dma2 semaphore(%run_scoped3A : memref<!tpu.dma_semaphore, #tpu.memory_space<semaphore_mem>>) src(%dma_wait3A_9 : memref<512xi32, #tpu.memory_space<hbm>>) dst(%arg9 : memref<512xi32, #tpu.memory_space<vmem>>)
      tpu.yield
    }) : () -> ()
    %scan3A = arith.constant 0 : i32
    %scan3A_3 = arith.constant 0 : i32
    %scan3A_4 = arith.constant 16 : i32
    %scan3A_5 = arith.addi %scan3A_3, %scan3A_4 : i32
    %scan3A_6 = arith.constant 1 : i32
    scf.for %scan3A_8 = %scan3A_3 to %scan3A_5 step %scan3A_6  : i32 {
      %mul3A_9 = arith.constant 32 : i32
      %mul3A_10 = arith.muli %scan3A_8, %mul3A_9 : i32
      %get3A = arith.index_cast %mul3A_10 : i32 to index
      %get3A_11 = tpu.vector_load %arg8[%get3A] {strides = array<i32>} : memref<512xi32, #tpu.memory_space<vmem>>, vector<32xi32>,
      %get3A_12 = vector.shape_cast %get3A_11 : vector<32xi32> to vector<32xi32>
      %mul3A_13 = arith.constant 32 : i32
      %mul3A_14 = arith.muli %scan3A_8, %mul3A_13 : i32
      %get3A_15 = arith.index_cast %mul3A_14 : i32 to index
      %get3A_16 = tpu.vector_load %arg9[%get3A_15] {strides = array<i32>} : memref<512xi32, #tpu.memory_space<vmem>>, vector<32xi32>,
      %get3A_17 = vector.shape_cast %get3A_16 : vector<32xi32> to vector<32xi32>
      %slice3A = vector.extract_strided_slice %get3A_12 {offsets = [0], sizes = [1], strides = [1]} : vector<32xi32> to vector<1xi32>
      %squeeze3A = vector.extract %slice3A[0] : i32 from vector<1xi32>
      %dma_start3A = arith.constant 0 : i32
      %dma_start3A_18 = arith.constant 0 : i32
      %dma_start3A_19 = tpu.memref_slice %arg10[%dma_start3A, %dma_start3A_18] : memref<32x32xf32, #tpu.memory_space<vmem>> -> memref<1x32xf32, #tpu.memory_space<vmem>>
      %dma_start3A_20 = arith.constant 0 : i32
      %dma_start3A_21 = tpu.memref_slice %arg4[%squeeze3A, %dma_start3A_20] : memref<1000000x32xf32, #tpu.memory_space<hbm>> -> memref<1x32xf32, #tpu.memory_space<hbm>>
      %dma_start3A_22 = arith.constant 0 : i32
      %dma_start3A_23 = arith.constant 0 : i32
      %dma_start3A_24 = tpu.memref_slice %arg10[%dma_start3A_22, %dma_start3A_23] : memref<32x32xf32, #tpu.memory_space<vmem>> -> memref<1x32xf32, #tpu.memory_space<vmem>>
      %dma_start3A_25 = arith.constant 0 : i32
      %dma_start3A_26 = tpu.memref_slice %arg4[%squeeze3A, %dma_start3A_25] : memref<1000000x32xf32, #tpu.memory_space<hbm>> -> memref<1x32xf32, #tpu.memory_space<hbm>>
      tpu.enqueue_dma source(%dma_start3A_26 : memref<1x32xf32, #tpu.memory_space<hbm>>) target(%dma_start3A_24 : memref<1x32xf32, #tpu.memory_space<vmem>>) target_semaphore(%arg12 : memref<!tpu.dma_semaphore, #tpu.memory_space<semaphore_mem>>)
      %slice3A_27 = vector.extract_strided_slice %get3A_17 {offsets = [0], sizes = [1], strides = [1]} : vector<32xi32> to vector<1xi32>
      %squeeze3A_28 = vector.extract %slice3A_27[0] : i32 from vector<1xi32>
      %dma_start3A_29 = arith.constant 0 : i32
      %dma_start3A_30 = arith.constant 0 : i32
      %dma_start3A_31 = tpu.memref_slice %arg11[%dma_start3A_29, %dma_start3A_30] : memref<32x32xf32, #tpu.memory_space<vmem>> -> memref<1x32xf32, #tpu.memory_space<vmem>>
      %dma_start3A_32 = arith.constant 0 : i32
      %dma_start3A_33 = tpu.memref_slice %arg5[%squeeze3A_28, %dma_start3A_32] : memref<1000000x32xf32, #tpu.memory_space<hbm>> -> memref<1x32xf32, #tpu.memory_space<hbm>>
      %dma_start3A_34 = arith.constant 0 : i32
      %dma_start3A_35 = arith.constant 0 : i32
      %dma_start3A_36 = tpu.memref_slice %arg11[%dma_start3A_34, %dma_start3A_35] : memref<32x32xf32, #tpu.memory_space<vmem>> -> memref<1x32xf32, #tpu.memory_space<vmem>>
      %dma_start3A_37 = arith.constant 0 : i32
      %dma_start3A_38 = tpu.memref_slice %arg5[%squeeze3A_28, %dma_start3A_37] : memref<1000000x32xf32, #tpu.memory_space<hbm>> -> memref<1x32xf32, #tpu.memory_space<hbm>>
      tpu.enqueue_dma source(%dma_start3A_38 : memref<1x32xf32, #tpu.memory_space<hbm>>) target(%dma_start3A_36 : memref<1x32xf32, #tpu.memory_space<vmem>>) target_semaphore(%arg13 : memref<!tpu.dma_semaphore, #tpu.memory_space<semaphore_mem>>)
      %slice3A_39 = vector.extract_strided_slice %get3A_12 {offsets = [1], sizes = [1], strides = [1]} : vector<32xi32> to vector<1xi32>
      %squeeze3A_40 = vector.extract %slice3A_39[0] : i32 from vector<1xi32>
      %dma_start3A_41 = arith.constant 1 : i32
      %dma_start3A_42 = arith.constant 0 : i32
      %dma_start3A_43 = tpu.memref_slice %arg10[%dma_start3A_41, %dma_start3A_42] : memref<32x32xf32, #tpu.memory_space<vmem>> -> memref<1x32xf32, #tpu.memory_space<vmem>>
      %dma_start3A_44 = arith.constant 0 : i32
      %dma_start3A_45 = tpu.memref_slice %arg4[%squeeze3A_40, %dma_start3A_44] : memref<1000000x32xf32, #tpu.memory_space<hbm>> -> memref<1x32xf32, #tpu.memory_space<hbm>>
      %dma_start3A_46 = arith.constant 1 : i32
      %dma_start3A_47 = arith.constant 0 : i32
      %dma_start3A_48 = tpu.memref_slice %arg10[%dma_start3A_46, %dma_start3A_47] : memref<32x32xf32, #tpu.memory_space<vmem>> -> memref<1x32xf32, #tpu.memory_space<vmem>>
      %dma_start3A_49 = arith.constant 0 : i32
      %dma_start3A_50 = tpu.memref_slice %arg4[%squeeze3A_40, %dma_start3A_49] : memref<1000000x32xf32, #tpu.memory_space<hbm>> -> memref<1x32xf32, #tpu.memory_space<hbm>>
      tpu.enqueue_dma source(%dma_start3A_50 : memref<1x32xf32, #tpu.memory_space<hbm>>) target(%dma_start3A_48 : memref<1x32xf32, #tpu.memory_space<vmem>>) target_semaphore(%arg12 : memref<!tpu.dma_semaphore, #tpu.memory_space<semaphore_mem>>)
      %slice3A_51 = vector.extract_strided_slice %get3A_17 {offsets = [1], sizes = [1], strides = [1]} : vector<32xi32> to vector<1xi32>
      %squeeze3A_52 = vector.extract %slice3A_51[0] : i32 from vector<1xi32>
      %dma_start3A_53 = arith.constant 1 : i32
      %dma_start3A_54 = arith.constant 0 : i32
      %dma_start3A_55 = tpu.memref_slice %arg11[%dma_start3A_53, %dma_start3A_54] : memref<32x32xf32, #tpu.memory_space<vmem>> -> memref<1x32xf32, #tpu.memory_space<vmem>>
      %dma_start3A_56 = arith.constant 0 : i32
      %dma_start3A_57 = tpu.memref_slice %arg5[%squeeze3A_52, %dma_start3A_56] : memref<1000000x32xf32, #tpu.memory_space<hbm>> -> memref<1x32xf32, #tpu.memory_space<hbm>>
      %dma_start3A_58 = arith.constant 1 : i32
      %dma_start3A_59 = arith.constant 0 : i32
      %dma_start3A_60 = tpu.memref_slice %arg11[%dma_start3A_58, %dma_start3A_59] : memref<32x32xf32, #tpu.memory_space<vmem>> -> memref<1x32xf32, #tpu.memory_space<vmem>>
      %dma_start3A_61 = arith.constant 0 : i32
      %dma_start3A_62 = tpu.memref_slice %arg5[%squeeze3A_52, %dma_start3A_61] : memref<1000000x32xf32, #tpu.memory_space<hbm>> -> memref<1x32xf32, #tpu.memory_space<hbm>>
      tpu.enqueue_dma source(%dma_start3A_62 : memref<1x32xf32, #tpu.memory_space<hbm>>) target(%dma_start3A_60 : memref<1x32xf32, #tpu.memory_space<vmem>>) target_semaphore(%arg13 : memref<!tpu.dma_semaphore, #tpu.memory_space<semaphore_mem>>)
      %slice3A_63 = vector.extract_strided_slice %get3A_12 {offsets = [2], sizes = [1], strides = [1]} : vector<32xi32> to vector<1xi32>
      %squeeze3A_64 = vector.extract %slice3A_63[0] : i32 from vector<1xi32>
      %dma_start3A_65 = arith.constant 2 : i32
      %dma_start3A_66 = arith.constant 0 : i32
      %dma_start3A_67 = tpu.memref_slice %arg10[%dma_start3A_65, %dma_start3A_66] : memref<32x32xf32, #tpu.memory_space<vmem>> -> memref<1x32xf32, #tpu.memory_space<vmem>>
      %dma_start3A_68 = arith.constant 0 : i32
      %dma_start3A_69 = tpu.memref_slice %arg4[%squeeze3A_64, %dma_start3A_68] : memref<1000000x32xf32, #tpu.memory_space<hbm>> -> memref<1x32xf32, #tpu.memory_space<hbm>>
      %dma_start3A_70 = arith.constant 2 : i32
      %dma_start3A_71 = arith.constant 0 : i32
      %dma_start3A_72 = tpu.memref_slice %arg10[%dma_start3A_70, %dma_start3A_71] : memref<32x32xf32, #tpu.memory_space<vmem>> -> memref<1x32xf32, #tpu.memory_space<vmem>>
      %dma_start3A_73 = arith.constant 0 : i32
      %dma_start3A_74 = tpu.memref_slice %arg4[%squeeze3A_64, %dma_start3A_73] : memref<1000000x32xf32, #tpu.memory_space<hbm>> -> memref<1x32xf32, #tpu.memory_space<hbm>>
      tpu.enqueue_dma source(%dma_start3A_74 : memref<1x32xf32, #tpu.memory_space<hbm>>) target(%dma_start3A_72 : memref<1x32xf32, #tpu.memory_space<vmem>>) target_semaphore(%arg12 : memref<!tpu.dma_semaphore, #tpu.memory_space<semaphore_mem>>)
      %slice3A_75 = vector.extract_strided_slice %get3A_17 {offsets = [2], sizes = [1], strides = [1]} : vector<32xi32> to vector<1xi32>
      %squeeze3A_76 = vector.extract %slice3A_75[0] : i32 from vector<1xi32>
      %dma_start3A_77 = arith.constant 2 : i32
      %dma_start3A_78 = arith.constant 0 : i32
      %dma_start3A_79 = tpu.memref_slice %arg11[%dma_start3A_77, %dma_start3A_78] : memref<32x32xf32, #tpu.memory_space<vmem>> -> memref<1x32xf32, #tpu.memory_space<vmem>>
      %dma_start3A_80 = arith.constant 0 : i32
      %dma_start3A_81 = tpu.memref_slice %arg5[%squeeze3A_76, %dma_start3A_80] : memref<1000000x32xf32, #tpu.memory_space<hbm>> -> memref<1x32xf32, #tpu.memory_space<hbm>>
      %dma_start3A_82 = arith.constant 2 : i32
      %dma_start3A_83 = arith.constant 0 : i32
      %dma_start3A_84 = tpu.memref_slice %arg11[%dma_start3A_82, %dma_start3A_83] : memref<32x32xf32, #tpu.memory_space<vmem>> -> memref<1x32xf32, #tpu.memory_space<vmem>>
      %dma_start3A_85 = arith.constant 0 : i32
      %dma_start3A_86 = tpu.memref_slice %arg5[%squeeze3A_76, %dma_start3A_85] : memref<1000000x32xf32, #tpu.memory_space<hbm>> -> memref<1x32xf32, #tpu.memory_space<hbm>>
      tpu.enqueue_dma source(%dma_start3A_86 : memref<1x32xf32, #tpu.memory_space<hbm>>) target(%dma_start3A_84 : memref<1x32xf32, #tpu.memory_space<vmem>>) target_semaphore(%arg13 : memref<!tpu.dma_semaphore, #tpu.memory_space<semaphore_mem>>)
      %slice3A_87 = vector.extract_strided_slice %get3A_12 {offsets = [3], sizes = [1], strides = [1]} : vector<32xi32> to vector<1xi32>
      %squeeze3A_88 = vector.extract %slice3A_87[0] : i32 from vector<1xi32>
      %dma_start3A_89 = arith.constant 3 : i32
      %dma_start3A_90 = arith.constant 0 : i32
      %dma_start3A_91 = tpu.memref_slice %arg10[%dma_start3A_89, %dma_start3A_90] : memref<32x32xf32, #tpu.memory_space<vmem>> -> memref<1x32xf32, #tpu.memory_space<vmem>>
      %dma_start3A_92 = arith.constant 0 : i32
      %dma_start3A_93 = tpu.memref_slice %arg4[%squeeze3A_88, %dma_start3A_92] : memref<1000000x32xf32, #tpu.memory_space<hbm>> -> memref<1x32xf32, #tpu.memory_space<hbm>>
      %dma_start3A_94 = arith.constant 3 : i32
      %dma_start3A_95 = arith.constant 0 : i32
      %dma_start3A_96 = tpu.memref_slice %arg10[%dma_start3A_94, %dma_start3A_95] : memref<32x32xf32, #tpu.memory_space<vmem>> -> memref<1x32xf32, #tpu.memory_space<vmem>>
      %dma_start3A_97 = arith.constant 0 : i32
      %dma_start3A_98 = tpu.memref_slice %arg4[%squeeze3A_88, %dma_start3A_97] : memref<1000000x32xf32, #tpu.memory_space<hbm>> -> memref<1x32xf32, #tpu.memory_space<hbm>>
      tpu.enqueue_dma source(%dma_start3A_98 : memref<1x32xf32, #tpu.memory_space<hbm>>) target(%dma_start3A_96 : memref<1x32xf32, #tpu.memory_space<vmem>>) target_semaphore(%arg12 : memref<!tpu.dma_semaphore, #tpu.memory_space<semaphore_mem>>)
      %slice3A_99 = vector.extract_strided_slice %get3A_17 {offsets = [3], sizes = [1], strides = [1]} : vector<32xi32> to vector<1xi32>
      %squeeze3A_100 = vector.extract %slice3A_99[0] : i32 from vector<1xi32>
      %dma_start3A_101 = arith.constant 3 : i32
      %dma_start3A_102 = arith.constant 0 : i32
      %dma_start3A_103 = tpu.memref_slice %arg11[%dma_start3A_101, %dma_start3A_102] : memref<32x32xf32, #tpu.memory_space<vmem>> -> memref<1x32xf32, #tpu.memory_space<vmem>>
      %dma_start3A_104 = arith.constant 0 : i32
      %dma_start3A_105 = tpu.memref_slice %arg5[%squeeze3A_100, %dma_start3A_104] : memref<1000000x32xf32, #tpu.memory_space<hbm>> -> memref<1x32xf32, #tpu.memory_space<hbm>>
      %dma_start3A_106 = arith.constant 3 : i32
      %dma_start3A_107 = arith.constant 0 : i32
      %dma_start3A_108 = tpu.memref_slice %arg11[%dma_start3A_106, %dma_start3A_107] : memref<32x32xf32, #tpu.memory_space<vmem>> -> memref<1x32xf32, #tpu.memory_space<vmem>>
      %dma_start3A_109 = arith.constant 0 : i32
      %dma_start3A_110 = tpu.memref_slice %arg5[%squeeze3A_100, %dma_start3A_109] : memref<1000000x32xf32, #tpu.memory_space<hbm>> -> memref<1x32xf32, #tpu.memory_space<hbm>>
      tpu.enqueue_dma source(%dma_start3A_110 : memref<1x32xf32, #tpu.memory_space<hbm>>) target(%dma_start3A_108 : memref<1x32xf32, #tpu.memory_space<vmem>>) target_semaphore(%arg13 : memref<!tpu.dma_semaphore, #tpu.memory_space<semaphore_mem>>)
      %slice3A_111 = vector.extract_strided_slice %get3A_12 {offsets = [4], sizes = [1], strides = [1]} : vector<32xi32> to vector<1xi32>
      %squeeze3A_112 = vector.extract %slice3A_111[0] : i32 from vector<1xi32>
      %dma_start3A_113 = arith.constant 4 : i32
      %dma_start3A_114 = arith.constant 0 : i32
      %dma_start3A_115 = tpu.memref_slice %arg10[%dma_start3A_113, %dma_start3A_114] : memref<32x32xf32, #tpu.memory_space<vmem>> -> memref<1x32xf32, #tpu.memory_space<vmem>>
      %dma_start3A_116 = arith.constant 0 : i32
      %dma_start3A_117 = tpu.memref_slice %arg4[%squeeze3A_112, %dma_start3A_116] : memref<1000000x32xf32, #tpu.memory_space<hbm>> -> memref<1x32xf32, #tpu.memory_space<hbm>>
      %dma_start3A_118 = arith.constant 4 : i32
      %dma_start3A_119 = arith.constant 0 : i32
      %dma_start3A_120 = tpu.memref_slice %arg10[%dma_start3A_118, %dma_start3A_119] : memref<32x32xf32, #tpu.memory_space<vmem>> -> memref<1x32xf32, #tpu.memory_space<vmem>>
      %dma_start3A_121 = arith.constant 0 : i32
      %dma_start3A_122 = tpu.memref_slice %arg4[%squeeze3A_112, %dma_start3A_121] : memref<1000000x32xf32, #tpu.memory_space<hbm>> -> memref<1x32xf32, #tpu.memory_space<hbm>>
      tpu.enqueue_dma source(%dma_start3A_122 : memref<1x32xf32, #tpu.memory_space<hbm>>) target(%dma_start3A_120 : memref<1x32xf32, #tpu.memory_space<vmem>>) target_semaphore(%arg12 : memref<!tpu.dma_semaphore, #tpu.memory_space<semaphore_mem>>)
      %slice3A_123 = vector.extract_strided_slice %get3A_17 {offsets = [4], sizes = [1], strides = [1]} : vector<32xi32> to vector<1xi32>
      %squeeze3A_124 = vector.extract %slice3A_123[0] : i32 from vector<1xi32>
      %dma_start3A_125 = arith.constant 4 : i32
      %dma_start3A_126 = arith.constant 0 : i32
      %dma_start3A_127 = tpu.memref_slice %arg11[%dma_start3A_125, %dma_start3A_126] : memref<32x32xf32, #tpu.memory_space<vmem>> -> memref<1x32xf32, #tpu.memory_space<vmem>>
      %dma_start3A_128 = arith.constant 0 : i32
      %dma_start3A_129 = tpu.memref_slice %arg5[%squeeze3A_124, %dma_start3A_128] : memref<1000000x32xf32, #tpu.memory_space<hbm>> -> memref<1x32xf32, #tpu.memory_space<hbm>>
      %dma_start3A_130 = arith.constant 4 : i32
      %dma_start3A_131 = arith.constant 0 : i32
      %dma_start3A_132 = tpu.memref_slice %arg11[%dma_start3A_130, %dma_start3A_131] : memref<32x32xf32, #tpu.memory_space<vmem>> -> memref<1x32xf32, #tpu.memory_space<vmem>>
      %dma_start3A_133 = arith.constant 0 : i32
      %dma_start3A_134 = tpu.memref_slice %arg5[%squeeze3A_124, %dma_start3A_133] : memref<1000000x32xf32, #tpu.memory_space<hbm>> -> memref<1x32xf32, #tpu.memory_space<hbm>>
      tpu.enqueue_dma source(%dma_start3A_134 : memref<1x32xf32, #tpu.memory_space<hbm>>) target(%dma_start3A_132 : memref<1x32xf32, #tpu.memory_space<vmem>>) target_semaphore(%arg13 : memref<!tpu.dma_semaphore, #tpu.memory_space<semaphore_mem>>)
      %slice3A_135 = vector.extract_strided_slice %get3A_12 {offsets = [5], sizes = [1], strides = [1]} : vector<32xi32> to vector<1xi32>
      %squeeze3A_136 = vector.extract %slice3A_135[0] : i32 from vector<1xi32>
      %dma_start3A_137 = arith.constant 5 : i32
      %dma_start3A_138 = arith.constant 0 : i32
      %dma_start3A_139 = tpu.memref_slice %arg10[%dma_start3A_137, %dma_start3A_138] : memref<32x32xf32, #tpu.memory_space<vmem>> -> memref<1x32xf32, #tpu.memory_space<vmem>>
      %dma_start3A_140 = arith.constant 0 : i32
      %dma_start3A_141 = tpu.memref_slice %arg4[%squeeze3A_136, %dma_start3A_140] : memref<1000000x32xf32, #tpu.memory_space<hbm>> -> memref<1x32xf32, #tpu.memory_space<hbm>>
      %dma_start3A_142 = arith.constant 5 : i32
      %dma_start3A_143 = arith.constant 0 : i32
      %dma_start3A_144 = tpu.memref_slice %arg10[%dma_start3A_142, %dma_start3A_143] : memref<32x32xf32, #tpu.memory_space<vmem>> -> memref<1x32xf32, #tpu.memory_space<vmem>>
      %dma_start3A_145 = arith.constant 0 : i32
      %dma_start3A_146 = tpu.memref_slice %arg4[%squeeze3A_136, %dma_start3A_145] : memref<1000000x32xf32, #tpu.memory_space<hbm>> -> memref<1x32xf32, #tpu.memory_space<hbm>>
      tpu.enqueue_dma source(%dma_start3A_146 : memref<1x32xf32, #tpu.memory_space<hbm>>) target(%dma_start3A_144 : memref<1x32xf32, #tpu.memory_space<vmem>>) target_semaphore(%arg12 : memref<!tpu.dma_semaphore, #tpu.memory_space<semaphore_mem>>)
      %slice3A_147 = vector.extract_strided_slice %get3A_17 {offsets = [5], sizes = [1], strides = [1]} : vector<32xi32> to vector<1xi32>
      %squeeze3A_148 = vector.extract %slice3A_147[0] : i32 from vector<1xi32>
      %dma_start3A_149 = arith.constant 5 : i32
      %dma_start3A_150 = arith.constant 0 : i32
      %dma_start3A_151 = tpu.memref_slice %arg11[%dma_start3A_149, %dma_start3A_150] : memref<32x32xf32, #tpu.memory_space<vmem>> -> memref<1x32xf32, #tpu.memory_space<vmem>>
      %dma_start3A_152 = arith.constant 0 : i32
      %dma_start3A_153 = tpu.memref_slice %arg5[%squeeze3A_148, %dma_start3A_152] : memref<1000000x32xf32, #tpu.memory_space<hbm>> -> memref<1x32xf32, #tpu.memory_space<hbm>>
      %dma_start3A_154 = arith.constant 5 : i32
      %dma_start3A_155 = arith.constant 0 : i32
      %dma_start3A_156 = tpu.memref_slice %arg11[%dma_start3A_154, %dma_start3A_155] : memref<32x32xf32, #tpu.memory_space<vmem>> -> memref<1x32xf32, #tpu.memory_space<vmem>>
      %dma_start3A_157 = arith.constant 0 : i32
      %dma_start3A_158 = tpu.memref_slice %arg5[%squeeze3A_148, %dma_start3A_157] : memref<1000000x32xf32, #tpu.memory_space<hbm>> -> memref<1x32xf32, #tpu.memory_space<hbm>>
      tpu.enqueue_dma source(%dma_start3A_158 : memref<1x32xf32, #tpu.memory_space<hbm>>) target(%dma_start3A_156 : memref<1x32xf32, #tpu.memory_space<vmem>>) target_semaphore(%arg13 : memref<!tpu.dma_semaphore, #tpu.memory_space<semaphore_mem>>)
      %slice3A_159 = vector.extract_strided_slice %get3A_12 {offsets = [6], sizes = [1], strides = [1]} : vector<32xi32> to vector<1xi32>
      %squeeze3A_160 = vector.extract %slice3A_159[0] : i32 from vector<1xi32>
      %dma_start3A_161 = arith.constant 6 : i32
      %dma_start3A_162 = arith.constant 0 : i32
      %dma_start3A_163 = tpu.memref_slice %arg10[%dma_start3A_161, %dma_start3A_162] : memref<32x32xf32, #tpu.memory_space<vmem>> -> memref<1x32xf32, #tpu.memory_space<vmem>>
      %dma_start3A_164 = arith.constant 0 : i32
      %dma_start3A_165 = tpu.memref_slice %arg4[%squeeze3A_160, %dma_start3A_164] : memref<1000000x32xf32, #tpu.memory_space<hbm>> -> memref<1x32xf32, #tpu.memory_space<hbm>>
      %dma_start3A_166 = arith.constant 6 : i32
      %dma_start3A_167 = arith.constant 0 : i32
      %dma_start3A_168 = tpu.memref_slice %arg10[%dma_start3A_166, %dma_start3A_167] : memref<32x32xf32, #tpu.memory_space<vmem>> -> memref<1x32xf32, #tpu.memory_space<vmem>>
      %dma_start3A_169 = arith.constant 0 : i32
      %dma_start3A_170 = tpu.memref_slice %arg4[%squeeze3A_160, %dma_start3A_169] : memref<1000000x32xf32, #tpu.memory_space<hbm>> -> memref<1x32xf32, #tpu.memory_space<hbm>>
      tpu.enqueue_dma source(%dma_start3A_170 : memref<1x32xf32, #tpu.memory_space<hbm>>) target(%dma_start3A_168 : memref<1x32xf32, #tpu.memory_space<vmem>>) target_semaphore(%arg12 : memref<!tpu.dma_semaphore, #tpu.memory_space<semaphore_mem>>)
      %slice3A_171 = vector.extract_strided_slice %get3A_17 {offsets = [6], sizes = [1], strides = [1]} : vector<32xi32> to vector<1xi32>
      %squeeze3A_172 = vector.extract %slice3A_171[0] : i32 from vector<1xi32>
      %dma_start3A_173 = arith.constant 6 : i32
      %dma_start3A_174 = arith.constant 0 : i32
      %dma_start3A_175 = tpu.memref_slice %arg11[%dma_start3A_173, %dma_start3A_174] : memref<32x32xf32, #tpu.memory_space<vmem>> -> memref<1x32xf32, #tpu.memory_space<vmem>>
      %dma_start3A_176 = arith.constant 0 : i32
      %dma_start3A_177 = tpu.memref_slice %arg5[%squeeze3A_172, %dma_start3A_176] : memref<1000000x32xf32, #tpu.memory_space<hbm>> -> memref<1x32xf32, #tpu.memory_space<hbm>>
      %dma_start3A_178 = arith.constant 6 : i32
      %dma_start3A_179 = arith.constant 0 : i32
      %dma_start3A_180 = tpu.memref_slice %arg11[%dma_start3A_178, %dma_start3A_179] : memref<32x32xf32, #tpu.memory_space<vmem>> -> memref<1x32xf32, #tpu.memory_space<vmem>>
      %dma_start3A_181 = arith.constant 0 : i32
      %dma_start3A_182 = tpu.memref_slice %arg5[%squeeze3A_172, %dma_start3A_181] : memref<1000000x32xf32, #tpu.memory_space<hbm>> -> memref<1x32xf32, #tpu.memory_space<hbm>>
      tpu.enqueue_dma source(%dma_start3A_182 : memref<1x32xf32, #tpu.memory_space<hbm>>) target(%dma_start3A_180 : memref<1x32xf32, #tpu.memory_space<vmem>>) target_semaphore(%arg13 : memref<!tpu.dma_semaphore, #tpu.memory_space<semaphore_mem>>)
      %slice3A_183 = vector.extract_strided_slice %get3A_12 {offsets = [7], sizes = [1], strides = [1]} : vector<32xi32> to vector<1xi32>
      %squeeze3A_184 = vector.extract %slice3A_183[0] : i32 from vector<1xi32>
      %dma_start3A_185 = arith.constant 7 : i32
      %dma_start3A_186 = arith.constant 0 : i32
      %dma_start3A_187 = tpu.memref_slice %arg10[%dma_start3A_185, %dma_start3A_186] : memref<32x32xf32, #tpu.memory_space<vmem>> -> memref<1x32xf32, #tpu.memory_space<vmem>>
      %dma_start3A_188 = arith.constant 0 : i32
      %dma_start3A_189 = tpu.memref_slice %arg4[%squeeze3A_184, %dma_start3A_188] : memref<1000000x32xf32, #tpu.memory_space<hbm>> -> memref<1x32xf32, #tpu.memory_space<hbm>>
      %dma_start3A_190 = arith.constant 7 : i32
      %dma_start3A_191 = arith.constant 0 : i32
      %dma_start3A_192 = tpu.memref_slice %arg10[%dma_start3A_190, %dma_start3A_191] : memref<32x32xf32, #tpu.memory_space<vmem>> -> memref<1x32xf32, #tpu.memory_space<vmem>>
      %dma_start3A_193 = arith.constant 0 : i32
      %dma_start3A_194 = tpu.memref_slice %arg4[%squeeze3A_184, %dma_start3A_193] : memref<1000000x32xf32, #tpu.memory_space<hbm>> -> memref<1x32xf32, #tpu.memory_space<hbm>>
      tpu.enqueue_dma source(%dma_start3A_194 : memref<1x32xf32, #tpu.memory_space<hbm>>) target(%dma_start3A_192 : memref<1x32xf32, #tpu.memory_space<vmem>>) target_semaphore(%arg12 : memref<!tpu.dma_semaphore, #tpu.memory_space<semaphore_mem>>)
      %slice3A_195 = vector.extract_strided_slice %get3A_17 {offsets = [7], sizes = [1], strides = [1]} : vector<32xi32> to vector<1xi32>
      %squeeze3A_196 = vector.extract %slice3A_195[0] : i32 from vector<1xi32>
      %dma_start3A_197 = arith.constant 7 : i32
      %dma_start3A_198 = arith.constant 0 : i32
      %dma_start3A_199 = tpu.memref_slice %arg11[%dma_start3A_197, %dma_start3A_198] : memref<32x32xf32, #tpu.memory_space<vmem>> -> memref<1x32xf32, #tpu.memory_space<vmem>>
      %dma_start3A_200 = arith.constant 0 : i32
      %dma_start3A_201 = tpu.memref_slice %arg5[%squeeze3A_196, %dma_start3A_200] : memref<1000000x32xf32, #tpu.memory_space<hbm>> -> memref<1x32xf32, #tpu.memory_space<hbm>>
      %dma_start3A_202 = arith.constant 7 : i32
      %dma_start3A_203 = arith.constant 0 : i32
      %dma_start3A_204 = tpu.memref_slice %arg11[%dma_start3A_202, %dma_start3A_203] : memref<32x32xf32, #tpu.memory_space<vmem>> -> memref<1x32xf32, #tpu.memory_space<vmem>>
      %dma_start3A_205 = arith.constant 0 : i32
      %dma_start3A_206 = tpu.memref_slice %arg5[%squeeze3A_196, %dma_start3A_205] : memref<1000000x32xf32, #tpu.memory_space<hbm>> -> memref<1x32xf32, #tpu.memory_space<hbm>>
      tpu.enqueue_dma source(%dma_start3A_206 : memref<1x32xf32, #tpu.memory_space<hbm>>) target(%dma_start3A_204 : memref<1x32xf32, #tpu.memory_space<vmem>>) target_semaphore(%arg13 : memref<!tpu.dma_semaphore, #tpu.memory_space<semaphore_mem>>)
      %slice3A_207 = vector.extract_strided_slice %get3A_12 {offsets = [8], sizes = [1], strides = [1]} : vector<32xi32> to vector<1xi32>
      %squeeze3A_208 = vector.extract %slice3A_207[0] : i32 from vector<1xi32>
      %dma_start3A_209 = arith.constant 8 : i32
      %dma_start3A_210 = arith.constant 0 : i32
      %dma_start3A_211 = tpu.memref_slice %arg10[%dma_start3A_209, %dma_start3A_210] : memref<32x32xf32, #tpu.memory_space<vmem>> -> memref<1x32xf32, #tpu.memory_space<vmem>>
      %dma_start3A_212 = arith.constant 0 : i32
      %dma_start3A_213 = tpu.memref_slice %arg4[%squeeze3A_208, %dma_start3A_212] : memref<1000000x32xf32, #tpu.memory_space<hbm>> -> memref<1x32xf32, #tpu.memory_space<hbm>>
      %dma_start3A_214 = arith.constant 8 : i32
      %dma_start3A_215 = arith.constant 0 : i32
      %dma_start3A_216 = tpu.memref_slice %arg10[%dma_start3A_214, %dma_start3A_215] : memref<32x32xf32, #tpu.memory_space<vmem>> -> memref<1x32xf32, #tpu.memory_space<vmem>>
      %dma_start3A_217 = arith.constant 0 : i32
      %dma_start3A_218 = tpu.memref_slice %arg4[%squeeze3A_208, %dma_start3A_217] : memref<1000000x32xf32, #tpu.memory_space<hbm>> -> memref<1x32xf32, #tpu.memory_space<hbm>>
      tpu.enqueue_dma source(%dma_start3A_218 : memref<1x32xf32, #tpu.memory_space<hbm>>) target(%dma_start3A_216 : memref<1x32xf32, #tpu.memory_space<vmem>>) target_semaphore(%arg12 : memref<!tpu.dma_semaphore, #tpu.memory_space<semaphore_mem>>)
      %slice3A_219 = vector.extract_strided_slice %get3A_17 {offsets = [8], sizes = [1], strides = [1]} : vector<32xi32> to vector<1xi32>
      %squeeze3A_220 = vector.extract %slice3A_219[0] : i32 from vector<1xi32>
      %dma_start3A_221 = arith.constant 8 : i32
      %dma_start3A_222 = arith.constant 0 : i32
      %dma_start3A_223 = tpu.memref_slice %arg11[%dma_start3A_221, %dma_start3A_222] : memref<32x32xf32, #tpu.memory_space<vmem>> -> memref<1x32xf32, #tpu.memory_space<vmem>>
      %dma_start3A_224 = arith.constant 0 : i32
      %dma_start3A_225 = tpu.memref_slice %arg5[%squeeze3A_220, %dma_start3A_224] : memref<1000000x32xf32, #tpu.memory_space<hbm>> -> memref<1x32xf32, #tpu.memory_space<hbm>>
      %dma_start3A_226 = arith.constant 8 : i32
      %dma_start3A_227 = arith.constant 0 : i32
      %dma_start3A_228 = tpu.memref_slice %arg11[%dma_start3A_226, %dma_start3A_227] : memref<32x32xf32, #tpu.memory_space<vmem>> -> memref<1x32xf32, #tpu.memory_space<vmem>>
      %dma_start3A_229 = arith.constant 0 : i32
      %dma_start3A_230 = tpu.memref_slice %arg5[%squeeze3A_220, %dma_start3A_229] : memref<1000000x32xf32, #tpu.memory_space<hbm>> -> memref<1x32xf32, #tpu.memory_space<hbm>>
      tpu.enqueue_dma source(%dma_start3A_230 : memref<1x32xf32, #tpu.memory_space<hbm>>) target(%dma_start3A_228 : memref<1x32xf32, #tpu.memory_space<vmem>>) target_semaphore(%arg13 : memref<!tpu.dma_semaphore, #tpu.memory_space<semaphore_mem>>)
      %slice3A_231 = vector.extract_strided_slice %get3A_12 {offsets = [9], sizes = [1], strides = [1]} : vector<32xi32> to vector<1xi32>
      %squeeze3A_232 = vector.extract %slice3A_231[0] : i32 from vector<1xi32>
      %dma_start3A_233 = arith.constant 9 : i32
      %dma_start3A_234 = arith.constant 0 : i32
      %dma_start3A_235 = tpu.memref_slice %arg10[%dma_start3A_233, %dma_start3A_234] : memref<32x32xf32, #tpu.memory_space<vmem>> -> memref<1x32xf32, #tpu.memory_space<vmem>>
      %dma_start3A_236 = arith.constant 0 : i32
      %dma_start3A_237 = tpu.memref_slice %arg4[%squeeze3A_232, %dma_start3A_236] : memref<1000000x32xf32, #tpu.memory_space<hbm>> -> memref<1x32xf32, #tpu.memory_space<hbm>>
      %dma_start3A_238 = arith.constant 9 : i32
      %dma_start3A_239 = arith.constant 0 : i32
      %dma_start3A_240 = tpu.memref_slice %arg10[%dma_start3A_238, %dma_start3A_239] : memref<32x32xf32, #tpu.memory_space<vmem>> -> memref<1x32xf32, #tpu.memory_space<vmem>>
      %dma_start3A_241 = arith.constant 0 : i32
      %dma_start3A_242 = tpu.memref_slice %arg4[%squeeze3A_232, %dma_start3A_241] : memref<1000000x32xf32, #tpu.memory_space<hbm>> -> memref<1x32xf32, #tpu.memory_space<hbm>>
      tpu.enqueue_dma source(%dma_start3A_242 : memref<1x32xf32, #tpu.memory_space<hbm>>) target(%dma_start3A_240 : memref<1x32xf32, #tpu.memory_space<vmem>>) target_semaphore(%arg12 : memref<!tpu.dma_semaphore, #tpu.memory_space<semaphore_mem>>)
      %slice3A_243 = vector.extract_strided_slice %get3A_17 {offsets = [9], sizes = [1], strides = [1]} : vector<32xi32> to vector<1xi32>
      %squeeze3A_244 = vector.extract %slice3A_243[0] : i32 from vector<1xi32>
      %dma_start3A_245 = arith.constant 9 : i32
      %dma_start3A_246 = arith.constant 0 : i32
      %dma_start3A_247 = tpu.memref_slice %arg11[%dma_start3A_245, %dma_start3A_246] : memref<32x32xf32, #tpu.memory_space<vmem>> -> memref<1x32xf32, #tpu.memory_space<vmem>>
      %dma_start3A_248 = arith.constant 0 : i32
      %dma_start3A_249 = tpu.memref_slice %arg5[%squeeze3A_244, %dma_start3A_248] : memref<1000000x32xf32, #tpu.memory_space<hbm>> -> memref<1x32xf32, #tpu.memory_space<hbm>>
      %dma_start3A_250 = arith.constant 9 : i32
      %dma_start3A_251 = arith.constant 0 : i32
      %dma_start3A_252 = tpu.memref_slice %arg11[%dma_start3A_250, %dma_start3A_251] : memref<32x32xf32, #tpu.memory_space<vmem>> -> memref<1x32xf32, #tpu.memory_space<vmem>>
      %dma_start3A_253 = arith.constant 0 : i32
      %dma_start3A_254 = tpu.memref_slice %arg5[%squeeze3A_244, %dma_start3A_253] : memref<1000000x32xf32, #tpu.memory_space<hbm>> -> memref<1x32xf32, #tpu.memory_space<hbm>>
      tpu.enqueue_dma source(%dma_start3A_254 : memref<1x32xf32, #tpu.memory_space<hbm>>) target(%dma_start3A_252 : memref<1x32xf32, #tpu.memory_space<vmem>>) target_semaphore(%arg13 : memref<!tpu.dma_semaphore, #tpu.memory_space<semaphore_mem>>)
      %slice3A_255 = vector.extract_strided_slice %get3A_12 {offsets = [10], sizes = [1], strides = [1]} : vector<32xi32> to vector<1xi32>
      %squeeze3A_256 = vector.extract %slice3A_255[0] : i32 from vector<1xi32>
      %dma_start3A_257 = arith.constant 10 : i32
      %dma_start3A_258 = arith.constant 0 : i32
      %dma_start3A_259 = tpu.memref_slice %arg10[%dma_start3A_257, %dma_start3A_258] : memref<32x32xf32, #tpu.memory_space<vmem>> -> memref<1x32xf32, #tpu.memory_space<vmem>>
      %dma_start3A_260 = arith.constant 0 : i32
      %dma_start3A_261 = tpu.memref_slice %arg4[%squeeze3A_256, %dma_start3A_260] : memref<1000000x32xf32, #tpu.memory_space<hbm>> -> memref<1x32xf32, #tpu.memory_space<hbm>>
      %dma_start3A_262 = arith.constant 10 : i32
      %dma_start3A_263 = arith.constant 0 : i32
      %dma_start3A_264 = tpu.memref_slice %arg10[%dma_start3A_262, %dma_start3A_263] : memref<32x32xf32, #tpu.memory_space<vmem>> -> memref<1x32xf32, #tpu.memory_space<vmem>>
      %dma_start3A_265 = arith.constant 0 : i32
      %dma_start3A_266 = tpu.memref_slice %arg4[%squeeze3A_256, %dma_start3A_265] : memref<1000000x32xf32, #tpu.memory_space<hbm>> -> memref<1x32xf32, #tpu.memory_space<hbm>>
      tpu.enqueue_dma source(%dma_start3A_266 : memref<1x32xf32, #tpu.memory_space<hbm>>) target(%dma_start3A_264 : memref<1x32xf32, #tpu.memory_space<vmem>>) target_semaphore(%arg12 : memref<!tpu.dma_semaphore, #tpu.memory_space<semaphore_mem>>)
      %slice3A_267 = vector.extract_strided_slice %get3A_17 {offsets = [10], sizes = [1], strides = [1]} : vector<32xi32> to vector<1xi32>
      %squeeze3A_268 = vector.extract %slice3A_267[0] : i32 from vector<1xi32>
      %dma_start3A_269 = arith.constant 10 : i32
      %dma_start3A_270 = arith.constant 0 : i32
      %dma_start3A_271 = tpu.memref_slice %arg11[%dma_start3A_269, %dma_start3A_270] : memref<32x32xf32, #tpu.memory_space<vmem>> -> memref<1x32xf32, #tpu.memory_space<vmem>>
      %dma_start3A_272 = arith.constant 0 : i32
      %dma_start3A_273 = tpu.memref_slice %arg5[%squeeze3A_268, %dma_start3A_272] : memref<1000000x32xf32, #tpu.memory_space<hbm>> -> memref<1x32xf32, #tpu.memory_space<hbm>>
      %dma_start3A_274 = arith.constant 10 : i32
      %dma_start3A_275 = arith.constant 0 : i32
      %dma_start3A_276 = tpu.memref_slice %arg11[%dma_start3A_274, %dma_start3A_275] : memref<32x32xf32, #tpu.memory_space<vmem>> -> memref<1x32xf32, #tpu.memory_space<vmem>>
      %dma_start3A_277 = arith.constant 0 : i32
      %dma_start3A_278 = tpu.memref_slice %arg5[%squeeze3A_268, %dma_start3A_277] : memref<1000000x32xf32, #tpu.memory_space<hbm>> -> memref<1x32xf32, #tpu.memory_space<hbm>>
      tpu.enqueue_dma source(%dma_start3A_278 : memref<1x32xf32, #tpu.memory_space<hbm>>) target(%dma_start3A_276 : memref<1x32xf32, #tpu.memory_space<vmem>>) target_semaphore(%arg13 : memref<!tpu.dma_semaphore, #tpu.memory_space<semaphore_mem>>)
      %slice3A_279 = vector.extract_strided_slice %get3A_12 {offsets = [11], sizes = [1], strides = [1]} : vector<32xi32> to vector<1xi32>
      %squeeze3A_280 = vector.extract %slice3A_279[0] : i32 from vector<1xi32>
      %dma_start3A_281 = arith.constant 11 : i32
      %dma_start3A_282 = arith.constant 0 : i32
      %dma_start3A_283 = tpu.memref_slice %arg10[%dma_start3A_281, %dma_start3A_282] : memref<32x32xf32, #tpu.memory_space<vmem>> -> memref<1x32xf32, #tpu.memory_space<vmem>>
      %dma_start3A_284 = arith.constant 0 : i32
      %dma_start3A_285 = tpu.memref_slice %arg4[%squeeze3A_280, %dma_start3A_284] : memref<1000000x32xf32, #tpu.memory_space<hbm>> -> memref<1x32xf32, #tpu.memory_space<hbm>>
      %dma_start3A_286 = arith.constant 11 : i32
      %dma_start3A_287 = arith.constant 0 : i32
      %dma_start3A_288 = tpu.memref_slice %arg10[%dma_start3A_286, %dma_start3A_287] : memref<32x32xf32, #tpu.memory_space<vmem>> -> memref<1x32xf32, #tpu.memory_space<vmem>>
      %dma_start3A_289 = arith.constant 0 : i32
      %dma_start3A_290 = tpu.memref_slice %arg4[%squeeze3A_280, %dma_start3A_289] : memref<1000000x32xf32, #tpu.memory_space<hbm>> -> memref<1x32xf32, #tpu.memory_space<hbm>>
      tpu.enqueue_dma source(%dma_start3A_290 : memref<1x32xf32, #tpu.memory_space<hbm>>) target(%dma_start3A_288 : memref<1x32xf32, #tpu.memory_space<vmem>>) target_semaphore(%arg12 : memref<!tpu.dma_semaphore, #tpu.memory_space<semaphore_mem>>)
      %slice3A_291 = vector.extract_strided_slice %get3A_17 {offsets = [11], sizes = [1], strides = [1]} : vector<32xi32> to vector<1xi32>
      %squeeze3A_292 = vector.extract %slice3A_291[0] : i32 from vector<1xi32>
      %dma_start3A_293 = arith.constant 11 : i32
      %dma_start3A_294 = arith.constant 0 : i32
      %dma_start3A_295 = tpu.memref_slice %arg11[%dma_start3A_293, %dma_start3A_294] : memref<32x32xf32, #tpu.memory_space<vmem>> -> memref<1x32xf32, #tpu.memory_space<vmem>>
      %dma_start3A_296 = arith.constant 0 : i32
      %dma_start3A_297 = tpu.memref_slice %arg5[%squeeze3A_292, %dma_start3A_296] : memref<1000000x32xf32, #tpu.memory_space<hbm>> -> memref<1x32xf32, #tpu.memory_space<hbm>>
      %dma_start3A_298 = arith.constant 11 : i32
      %dma_start3A_299 = arith.constant 0 : i32
      %dma_start3A_300 = tpu.memref_slice %arg11[%dma_start3A_298, %dma_start3A_299] : memref<32x32xf32, #tpu.memory_space<vmem>> -> memref<1x32xf32, #tpu.memory_space<vmem>>
      %dma_start3A_301 = arith.constant 0 : i32
      %dma_start3A_302 = tpu.memref_slice %arg5[%squeeze3A_292, %dma_start3A_301] : memref<1000000x32xf32, #tpu.memory_space<hbm>> -> memref<1x32xf32, #tpu.memory_space<hbm>>
      tpu.enqueue_dma source(%dma_start3A_302 : memref<1x32xf32, #tpu.memory_space<hbm>>) target(%dma_start3A_300 : memref<1x32xf32, #tpu.memory_space<vmem>>) target_semaphore(%arg13 : memref<!tpu.dma_semaphore, #tpu.memory_space<semaphore_mem>>)
      %slice3A_303 = vector.extract_strided_slice %get3A_12 {offsets = [12], sizes = [1], strides = [1]} : vector<32xi32> to vector<1xi32>
      %squeeze3A_304 = vector.extract %slice3A_303[0] : i32 from vector<1xi32>
      %dma_start3A_305 = arith.constant 12 : i32
      %dma_start3A_306 = arith.constant 0 : i32
      %dma_start3A_307 = tpu.memref_slice %arg10[%dma_start3A_305, %dma_start3A_306] : memref<32x32xf32, #tpu.memory_space<vmem>> -> memref<1x32xf32, #tpu.memory_space<vmem>>
      %dma_start3A_308 = arith.constant 0 : i32
      %dma_start3A_309 = tpu.memref_slice %arg4[%squeeze3A_304, %dma_start3A_308] : memref<1000000x32xf32, #tpu.memory_space<hbm>> -> memref<1x32xf32, #tpu.memory_space<hbm>>
      %dma_start3A_310 = arith.constant 12 : i32
      %dma_start3A_311 = arith.constant 0 : i32
      %dma_start3A_312 = tpu.memref_slice %arg10[%dma_start3A_310, %dma_start3A_311] : memref<32x32xf32, #tpu.memory_space<vmem>> -> memref<1x32xf32, #tpu.memory_space<vmem>>
      %dma_start3A_313 = arith.constant 0 : i32
      %dma_start3A_314 = tpu.memref_slice %arg4[%squeeze3A_304, %dma_start3A_313] : memref<1000000x32xf32, #tpu.memory_space<hbm>> -> memref<1x32xf32, #tpu.memory_space<hbm>>
      tpu.enqueue_dma source(%dma_start3A_314 : memref<1x32xf32, #tpu.memory_space<hbm>>) target(%dma_start3A_312 : memref<1x32xf32, #tpu.memory_space<vmem>>) target_semaphore(%arg12 : memref<!tpu.dma_semaphore, #tpu.memory_space<semaphore_mem>>)
      %slice3A_315 = vector.extract_strided_slice %get3A_17 {offsets = [12], sizes = [1], strides = [1]} : vector<32xi32> to vector<1xi32>
      %squeeze3A_316 = vector.extract %slice3A_315[0] : i32 from vector<1xi32>
      %dma_start3A_317 = arith.constant 12 : i32
      %dma_start3A_318 = arith.constant 0 : i32
      %dma_start3A_319 = tpu.memref_slice %arg11[%dma_start3A_317, %dma_start3A_318] : memref<32x32xf32, #tpu.memory_space<vmem>> -> memref<1x32xf32, #tpu.memory_space<vmem>>
      %dma_start3A_320 = arith.constant 0 : i32
      %dma_start3A_321 = tpu.memref_slice %arg5[%squeeze3A_316, %dma_start3A_320] : memref<1000000x32xf32, #tpu.memory_space<hbm>> -> memref<1x32xf32, #tpu.memory_space<hbm>>
      %dma_start3A_322 = arith.constant 12 : i32
      %dma_start3A_323 = arith.constant 0 : i32
      %dma_start3A_324 = tpu.memref_slice %arg11[%dma_start3A_322, %dma_start3A_323] : memref<32x32xf32, #tpu.memory_space<vmem>> -> memref<1x32xf32, #tpu.memory_space<vmem>>
      %dma_start3A_325 = arith.constant 0 : i32
      %dma_start3A_326 = tpu.memref_slice %arg5[%squeeze3A_316, %dma_start3A_325] : memref<1000000x32xf32, #tpu.memory_space<hbm>> -> memref<1x32xf32, #tpu.memory_space<hbm>>
      tpu.enqueue_dma source(%dma_start3A_326 : memref<1x32xf32, #tpu.memory_space<hbm>>) target(%dma_start3A_324 : memref<1x32xf32, #tpu.memory_space<vmem>>) target_semaphore(%arg13 : memref<!tpu.dma_semaphore, #tpu.memory_space<semaphore_mem>>)
      %slice3A_327 = vector.extract_strided_slice %get3A_12 {offsets = [13], sizes = [1], strides = [1]} : vector<32xi32> to vector<1xi32>
      %squeeze3A_328 = vector.extract %slice3A_327[0] : i32 from vector<1xi32>
      %dma_start3A_329 = arith.constant 13 : i32
      %dma_start3A_330 = arith.constant 0 : i32
      %dma_start3A_331 = tpu.memref_slice %arg10[%dma_start3A_329, %dma_start3A_330] : memref<32x32xf32, #tpu.memory_space<vmem>> -> memref<1x32xf32, #tpu.memory_space<vmem>>
      %dma_start3A_332 = arith.constant 0 : i32
      %dma_start3A_333 = tpu.memref_slice %arg4[%squeeze3A_328, %dma_start3A_332] : memref<1000000x32xf32, #tpu.memory_space<hbm>> -> memref<1x32xf32, #tpu.memory_space<hbm>>
      %dma_start3A_334 = arith.constant 13 : i32
      %dma_start3A_335 = arith.constant 0 : i32
      %dma_start3A_336 = tpu.memref_slice %arg10[%dma_start3A_334, %dma_start3A_335] : memref<32x32xf32, #tpu.memory_space<vmem>> -> memref<1x32xf32, #tpu.memory_space<vmem>>
      %dma_start3A_337 = arith.constant 0 : i32
      %dma_start3A_338 = tpu.memref_slice %arg4[%squeeze3A_328, %dma_start3A_337] : memref<1000000x32xf32, #tpu.memory_space<hbm>> -> memref<1x32xf32, #tpu.memory_space<hbm>>
      tpu.enqueue_dma source(%dma_start3A_338 : memref<1x32xf32, #tpu.memory_space<hbm>>) target(%dma_start3A_336 : memref<1x32xf32, #tpu.memory_space<vmem>>) target_semaphore(%arg12 : memref<!tpu.dma_semaphore, #tpu.memory_space<semaphore_mem>>)
      %slice3A_339 = vector.extract_strided_slice %get3A_17 {offsets = [13], sizes = [1], strides = [1]} : vector<32xi32> to vector<1xi32>
      %squeeze3A_340 = vector.extract %slice3A_339[0] : i32 from vector<1xi32>
      %dma_start3A_341 = arith.constant 13 : i32
      %dma_start3A_342 = arith.constant 0 : i32
      %dma_start3A_343 = tpu.memref_slice %arg11[%dma_start3A_341, %dma_start3A_342] : memref<32x32xf32, #tpu.memory_space<vmem>> -> memref<1x32xf32, #tpu.memory_space<vmem>>
      %dma_start3A_344 = arith.constant 0 : i32
      %dma_start3A_345 = tpu.memref_slice %arg5[%squeeze3A_340, %dma_start3A_344] : memref<1000000x32xf32, #tpu.memory_space<hbm>> -> memref<1x32xf32, #tpu.memory_space<hbm>>
      %dma_start3A_346 = arith.constant 13 : i32
      %dma_start3A_347 = arith.constant 0 : i32
      %dma_start3A_348 = tpu.memref_slice %arg11[%dma_start3A_346, %dma_start3A_347] : memref<32x32xf32, #tpu.memory_space<vmem>> -> memref<1x32xf32, #tpu.memory_space<vmem>>
      %dma_start3A_349 = arith.constant 0 : i32
      %dma_start3A_350 = tpu.memref_slice %arg5[%squeeze3A_340, %dma_start3A_349] : memref<1000000x32xf32, #tpu.memory_space<hbm>> -> memref<1x32xf32, #tpu.memory_space<hbm>>
      tpu.enqueue_dma source(%dma_start3A_350 : memref<1x32xf32, #tpu.memory_space<hbm>>) target(%dma_start3A_348 : memref<1x32xf32, #tpu.memory_space<vmem>>) target_semaphore(%arg13 : memref<!tpu.dma_semaphore, #tpu.memory_space<semaphore_mem>>)
      %slice3A_351 = vector.extract_strided_slice %get3A_12 {offsets = [14], sizes = [1], strides = [1]} : vector<32xi32> to vector<1xi32>
      %squeeze3A_352 = vector.extract %slice3A_351[0] : i32 from vector<1xi32>
      %dma_start3A_353 = arith.constant 14 : i32
      %dma_start3A_354 = arith.constant 0 : i32
      %dma_start3A_355 = tpu.memref_slice %arg10[%dma_start3A_353, %dma_start3A_354] : memref<32x32xf32, #tpu.memory_space<vmem>> -> memref<1x32xf32, #tpu.memory_space<vmem>>
      %dma_start3A_356 = arith.constant 0 : i32
      %dma_start3A_357 = tpu.memref_slice %arg4[%squeeze3A_352, %dma_start3A_356] : memref<1000000x32xf32, #tpu.memory_space<hbm>> -> memref<1x32xf32, #tpu.memory_space<hbm>>
      %dma_start3A_358 = arith.constant 14 : i32
      %dma_start3A_359 = arith.constant 0 : i32
      %dma_start3A_360 = tpu.memref_slice %arg10[%dma_start3A_358, %dma_start3A_359] : memref<32x32xf32, #tpu.memory_space<vmem>> -> memref<1x32xf32, #tpu.memory_space<vmem>>
      %dma_start3A_361 = arith.constant 0 : i32
      %dma_start3A_362 = tpu.memref_slice %arg4[%squeeze3A_352, %dma_start3A_361] : memref<1000000x32xf32, #tpu.memory_space<hbm>> -> memref<1x32xf32, #tpu.memory_space<hbm>>
      tpu.enqueue_dma source(%dma_start3A_362 : memref<1x32xf32, #tpu.memory_space<hbm>>) target(%dma_start3A_360 : memref<1x32xf32, #tpu.memory_space<vmem>>) target_semaphore(%arg12 : memref<!tpu.dma_semaphore, #tpu.memory_space<semaphore_mem>>)
      %slice3A_363 = vector.extract_strided_slice %get3A_17 {offsets = [14], sizes = [1], strides = [1]} : vector<32xi32> to vector<1xi32>
      %squeeze3A_364 = vector.extract %slice3A_363[0] : i32 from vector<1xi32>
      %dma_start3A_365 = arith.constant 14 : i32
      %dma_start3A_366 = arith.constant 0 : i32
      %dma_start3A_367 = tpu.memref_slice %arg11[%dma_start3A_365, %dma_start3A_366] : memref<32x32xf32, #tpu.memory_space<vmem>> -> memref<1x32xf32, #tpu.memory_space<vmem>>
      %dma_start3A_368 = arith.constant 0 : i32
      %dma_start3A_369 = tpu.memref_slice %arg5[%squeeze3A_364, %dma_start3A_368] : memref<1000000x32xf32, #tpu.memory_space<hbm>> -> memref<1x32xf32, #tpu.memory_space<hbm>>
      %dma_start3A_370 = arith.constant 14 : i32
      %dma_start3A_371 = arith.constant 0 : i32
      %dma_start3A_372 = tpu.memref_slice %arg11[%dma_start3A_370, %dma_start3A_371] : memref<32x32xf32, #tpu.memory_space<vmem>> -> memref<1x32xf32, #tpu.memory_space<vmem>>
      %dma_start3A_373 = arith.constant 0 : i32
      %dma_start3A_374 = tpu.memref_slice %arg5[%squeeze3A_364, %dma_start3A_373] : memref<1000000x32xf32, #tpu.memory_space<hbm>> -> memref<1x32xf32, #tpu.memory_space<hbm>>
      tpu.enqueue_dma source(%dma_start3A_374 : memref<1x32xf32, #tpu.memory_space<hbm>>) target(%dma_start3A_372 : memref<1x32xf32, #tpu.memory_space<vmem>>) target_semaphore(%arg13 : memref<!tpu.dma_semaphore, #tpu.memory_space<semaphore_mem>>)
      %slice3A_375 = vector.extract_strided_slice %get3A_12 {offsets = [15], sizes = [1], strides = [1]} : vector<32xi32> to vector<1xi32>
      %squeeze3A_376 = vector.extract %slice3A_375[0] : i32 from vector<1xi32>
      %dma_start3A_377 = arith.constant 15 : i32
      %dma_start3A_378 = arith.constant 0 : i32
      %dma_start3A_379 = tpu.memref_slice %arg10[%dma_start3A_377, %dma_start3A_378] : memref<32x32xf32, #tpu.memory_space<vmem>> -> memref<1x32xf32, #tpu.memory_space<vmem>>
      %dma_start3A_380 = arith.constant 0 : i32
      %dma_start3A_381 = tpu.memref_slice %arg4[%squeeze3A_376, %dma_start3A_380] : memref<1000000x32xf32, #tpu.memory_space<hbm>> -> memref<1x32xf32, #tpu.memory_space<hbm>>
      %dma_start3A_382 = arith.constant 15 : i32
      %dma_start3A_383 = arith.constant 0 : i32
      %dma_start3A_384 = tpu.memref_slice %arg10[%dma_start3A_382, %dma_start3A_383] : memref<32x32xf32, #tpu.memory_space<vmem>> -> memref<1x32xf32, #tpu.memory_space<vmem>>
      %dma_start3A_385 = arith.constant 0 : i32
      %dma_start3A_386 = tpu.memref_slice %arg4[%squeeze3A_376, %dma_start3A_385] : memref<1000000x32xf32, #tpu.memory_space<hbm>> -> memref<1x32xf32, #tpu.memory_space<hbm>>
      tpu.enqueue_dma source(%dma_start3A_386 : memref<1x32xf32, #tpu.memory_space<hbm>>) target(%dma_start3A_384 : memref<1x32xf32, #tpu.memory_space<vmem>>) target_semaphore(%arg12 : memref<!tpu.dma_semaphore, #tpu.memory_space<semaphore_mem>>)
      %slice3A_387 = vector.extract_strided_slice %get3A_17 {offsets = [15], sizes = [1], strides = [1]} : vector<32xi32> to vector<1xi32>
      %squeeze3A_388 = vector.extract %slice3A_387[0] : i32 from vector<1xi32>
      %dma_start3A_389 = arith.constant 15 : i32
      %dma_start3A_390 = arith.constant 0 : i32
      %dma_start3A_391 = tpu.memref_slice %arg11[%dma_start3A_389, %dma_start3A_390] : memref<32x32xf32, #tpu.memory_space<vmem>> -> memref<1x32xf32, #tpu.memory_space<vmem>>
      %dma_start3A_392 = arith.constant 0 : i32
      %dma_start3A_393 = tpu.memref_slice %arg5[%squeeze3A_388, %dma_start3A_392] : memref<1000000x32xf32, #tpu.memory_space<hbm>> -> memref<1x32xf32, #tpu.memory_space<hbm>>
      %dma_start3A_394 = arith.constant 15 : i32
      %dma_start3A_395 = arith.constant 0 : i32
      %dma_start3A_396 = tpu.memref_slice %arg11[%dma_start3A_394, %dma_start3A_395] : memref<32x32xf32, #tpu.memory_space<vmem>> -> memref<1x32xf32, #tpu.memory_space<vmem>>
      %dma_start3A_397 = arith.constant 0 : i32
      %dma_start3A_398 = tpu.memref_slice %arg5[%squeeze3A_388, %dma_start3A_397] : memref<1000000x32xf32, #tpu.memory_space<hbm>> -> memref<1x32xf32, #tpu.memory_space<hbm>>
      tpu.enqueue_dma source(%dma_start3A_398 : memref<1x32xf32, #tpu.memory_space<hbm>>) target(%dma_start3A_396 : memref<1x32xf32, #tpu.memory_space<vmem>>) target_semaphore(%arg13 : memref<!tpu.dma_semaphore, #tpu.memory_space<semaphore_mem>>)
      %slice3A_399 = vector.extract_strided_slice %get3A_12 {offsets = [16], sizes = [1], strides = [1]} : vector<32xi32> to vector<1xi32>
      %squeeze3A_400 = vector.extract %slice3A_399[0] : i32 from vector<1xi32>
      %dma_start3A_401 = arith.constant 16 : i32
      %dma_start3A_402 = arith.constant 0 : i32
      %dma_start3A_403 = tpu.memref_slice %arg10[%dma_start3A_401, %dma_start3A_402] : memref<32x32xf32, #tpu.memory_space<vmem>> -> memref<1x32xf32, #tpu.memory_space<vmem>>
      %dma_start3A_404 = arith.constant 0 : i32
      %dma_start3A_405 = tpu.memref_slice %arg4[%squeeze3A_400, %dma_start3A_404] : memref<1000000x32xf32, #tpu.memory_space<hbm>> -> memref<1x32xf32, #tpu.memory_space<hbm>>
      %dma_start3A_406 = arith.constant 16 : i32
      %dma_start3A_407 = arith.constant 0 : i32
      %dma_start3A_408 = tpu.memref_slice %arg10[%dma_start3A_406, %dma_start3A_407] : memref<32x32xf32, #tpu.memory_space<vmem>> -> memref<1x32xf32, #tpu.memory_space<vmem>>
      %dma_start3A_409 = arith.constant 0 : i32
      %dma_start3A_410 = tpu.memref_slice %arg4[%squeeze3A_400, %dma_start3A_409] : memref<1000000x32xf32, #tpu.memory_space<hbm>> -> memref<1x32xf32, #tpu.memory_space<hbm>>
      tpu.enqueue_dma source(%dma_start3A_410 : memref<1x32xf32, #tpu.memory_space<hbm>>) target(%dma_start3A_408 : memref<1x32xf32, #tpu.memory_space<vmem>>) target_semaphore(%arg12 : memref<!tpu.dma_semaphore, #tpu.memory_space<semaphore_mem>>)
      %slice3A_411 = vector.extract_strided_slice %get3A_17 {offsets = [16], sizes = [1], strides = [1]} : vector<32xi32> to vector<1xi32>
      %squeeze3A_412 = vector.extract %slice3A_411[0] : i32 from vector<1xi32>
      %dma_start3A_413 = arith.constant 16 : i32
      %dma_start3A_414 = arith.constant 0 : i32
      %dma_start3A_415 = tpu.memref_slice %arg11[%dma_start3A_413, %dma_start3A_414] : memref<32x32xf32, #tpu.memory_space<vmem>> -> memref<1x32xf32, #tpu.memory_space<vmem>>
      %dma_start3A_416 = arith.constant 0 : i32
      %dma_start3A_417 = tpu.memref_slice %arg5[%squeeze3A_412, %dma_start3A_416] : memref<1000000x32xf32, #tpu.memory_space<hbm>> -> memref<1x32xf32, #tpu.memory_space<hbm>>
      %dma_start3A_418 = arith.constant 16 : i32
      %dma_start3A_419 = arith.constant 0 : i32
      %dma_start3A_420 = tpu.memref_slice %arg11[%dma_start3A_418, %dma_start3A_419] : memref<32x32xf32, #tpu.memory_space<vmem>> -> memref<1x32xf32, #tpu.memory_space<vmem>>
      %dma_start3A_421 = arith.constant 0 : i32
      %dma_start3A_422 = tpu.memref_slice %arg5[%squeeze3A_412, %dma_start3A_421] : memref<1000000x32xf32, #tpu.memory_space<hbm>> -> memref<1x32xf32, #tpu.memory_space<hbm>>
      tpu.enqueue_dma source(%dma_start3A_422 : memref<1x32xf32, #tpu.memory_space<hbm>>) target(%dma_start3A_420 : memref<1x32xf32, #tpu.memory_space<vmem>>) target_semaphore(%arg13 : memref<!tpu.dma_semaphore, #tpu.memory_space<semaphore_mem>>)
      %slice3A_423 = vector.extract_strided_slice %get3A_12 {offsets = [17], sizes = [1], strides = [1]} : vector<32xi32> to vector<1xi32>
      %squeeze3A_424 = vector.extract %slice3A_423[0] : i32 from vector<1xi32>
      %dma_start3A_425 = arith.constant 17 : i32
      %dma_start3A_426 = arith.constant 0 : i32
      %dma_start3A_427 = tpu.memref_slice %arg10[%dma_start3A_425, %dma_start3A_426] : memref<32x32xf32, #tpu.memory_space<vmem>> -> memref<1x32xf32, #tpu.memory_space<vmem>>
      %dma_start3A_428 = arith.constant 0 : i32
      %dma_start3A_429 = tpu.memref_slice %arg4[%squeeze3A_424, %dma_start3A_428] : memref<1000000x32xf32, #tpu.memory_space<hbm>> -> memref<1x32xf32, #tpu.memory_space<hbm>>
      %dma_start3A_430 = arith.constant 17 : i32
      %dma_start3A_431 = arith.constant 0 : i32
      %dma_start3A_432 = tpu.memref_slice %arg10[%dma_start3A_430, %dma_start3A_431] : memref<32x32xf32, #tpu.memory_space<vmem>> -> memref<1x32xf32, #tpu.memory_space<vmem>>
      %dma_start3A_433 = arith.constant 0 : i32
      %dma_start3A_434 = tpu.memref_slice %arg4[%squeeze3A_424, %dma_start3A_433] : memref<1000000x32xf32, #tpu.memory_space<hbm>> -> memref<1x32xf32, #tpu.memory_space<hbm>>
      tpu.enqueue_dma source(%dma_start3A_434 : memref<1x32xf32, #tpu.memory_space<hbm>>) target(%dma_start3A_432 : memref<1x32xf32, #tpu.memory_space<vmem>>) target_semaphore(%arg12 : memref<!tpu.dma_semaphore, #tpu.memory_space<semaphore_mem>>)
      %slice3A_435 = vector.extract_strided_slice %get3A_17 {offsets = [17], sizes = [1], strides = [1]} : vector<32xi32> to vector<1xi32>
      %squeeze3A_436 = vector.extract %slice3A_435[0] : i32 from vector<1xi32>
      %dma_start3A_437 = arith.constant 17 : i32
      %dma_start3A_438 = arith.constant 0 : i32
      %dma_start3A_439 = tpu.memref_slice %arg11[%dma_start3A_437, %dma_start3A_438] : memref<32x32xf32, #tpu.memory_space<vmem>> -> memref<1x32xf32, #tpu.memory_space<vmem>>
      %dma_start3A_440 = arith.constant 0 : i32
      %dma_start3A_441 = tpu.memref_slice %arg5[%squeeze3A_436, %dma_start3A_440] : memref<1000000x32xf32, #tpu.memory_space<hbm>> -> memref<1x32xf32, #tpu.memory_space<hbm>>
      %dma_start3A_442 = arith.constant 17 : i32
      %dma_start3A_443 = arith.constant 0 : i32
      %dma_start3A_444 = tpu.memref_slice %arg11[%dma_start3A_442, %dma_start3A_443] : memref<32x32xf32, #tpu.memory_space<vmem>> -> memref<1x32xf32, #tpu.memory_space<vmem>>
      %dma_start3A_445 = arith.constant 0 : i32
      %dma_start3A_446 = tpu.memref_slice %arg5[%squeeze3A_436, %dma_start3A_445] : memref<1000000x32xf32, #tpu.memory_space<hbm>> -> memref<1x32xf32, #tpu.memory_space<hbm>>
      tpu.enqueue_dma source(%dma_start3A_446 : memref<1x32xf32, #tpu.memory_space<hbm>>) target(%dma_start3A_444 : memref<1x32xf32, #tpu.memory_space<vmem>>) target_semaphore(%arg13 : memref<!tpu.dma_semaphore, #tpu.memory_space<semaphore_mem>>)
      %slice3A_447 = vector.extract_strided_slice %get3A_12 {offsets = [18], sizes = [1], strides = [1]} : vector<32xi32> to vector<1xi32>
      %squeeze3A_448 = vector.extract %slice3A_447[0] : i32 from vector<1xi32>
      %dma_start3A_449 = arith.constant 18 : i32
      %dma_start3A_450 = arith.constant 0 : i32
      %dma_start3A_451 = tpu.memref_slice %arg10[%dma_start3A_449, %dma_start3A_450] : memref<32x32xf32, #tpu.memory_space<vmem>> -> memref<1x32xf32, #tpu.memory_space<vmem>>
      %dma_start3A_452 = arith.constant 0 : i32
      %dma_start3A_453 = tpu.memref_slice %arg4[%squeeze3A_448, %dma_start3A_452] : memref<1000000x32xf32, #tpu.memory_space<hbm>> -> memref<1x32xf32, #tpu.memory_space<hbm>>
      %dma_start3A_454 = arith.constant 18 : i32
      %dma_start3A_455 = arith.constant 0 : i32
      %dma_start3A_456 = tpu.memref_slice %arg10[%dma_start3A_454, %dma_start3A_455] : memref<32x32xf32, #tpu.memory_space<vmem>> -> memref<1x32xf32, #tpu.memory_space<vmem>>
      %dma_start3A_457 = arith.constant 0 : i32
      %dma_start3A_458 = tpu.memref_slice %arg4[%squeeze3A_448, %dma_start3A_457] : memref<1000000x32xf32, #tpu.memory_space<hbm>> -> memref<1x32xf32, #tpu.memory_space<hbm>>
      tpu.enqueue_dma source(%dma_start3A_458 : memref<1x32xf32, #tpu.memory_space<hbm>>) target(%dma_start3A_456 : memref<1x32xf32, #tpu.memory_space<vmem>>) target_semaphore(%arg12 : memref<!tpu.dma_semaphore, #tpu.memory_space<semaphore_mem>>)
      %slice3A_459 = vector.extract_strided_slice %get3A_17 {offsets = [18], sizes = [1], strides = [1]} : vector<32xi32> to vector<1xi32>
      %squeeze3A_460 = vector.extract %slice3A_459[0] : i32 from vector<1xi32>
      %dma_start3A_461 = arith.constant 18 : i32
      %dma_start3A_462 = arith.constant 0 : i32
      %dma_start3A_463 = tpu.memref_slice %arg11[%dma_start3A_461, %dma_start3A_462] : memref<32x32xf32, #tpu.memory_space<vmem>> -> memref<1x32xf32, #tpu.memory_space<vmem>>
      %dma_start3A_464 = arith.constant 0 : i32
      %dma_start3A_465 = tpu.memref_slice %arg5[%squeeze3A_460, %dma_start3A_464] : memref<1000000x32xf32, #tpu.memory_space<hbm>> -> memref<1x32xf32, #tpu.memory_space<hbm>>
      %dma_start3A_466 = arith.constant 18 : i32
      %dma_start3A_467 = arith.constant 0 : i32
      %dma_start3A_468 = tpu.memref_slice %arg11[%dma_start3A_466, %dma_start3A_467] : memref<32x32xf32, #tpu.memory_space<vmem>> -> memref<1x32xf32, #tpu.memory_space<vmem>>
      %dma_start3A_469 = arith.constant 0 : i32
      %dma_start3A_470 = tpu.memref_slice %arg5[%squeeze3A_460, %dma_start3A_469] : memref<1000000x32xf32, #tpu.memory_space<hbm>> -> memref<1x32xf32, #tpu.memory_space<hbm>>
      tpu.enqueue_dma source(%dma_start3A_470 : memref<1x32xf32, #tpu.memory_space<hbm>>) target(%dma_start3A_468 : memref<1x32xf32, #tpu.memory_space<vmem>>) target_semaphore(%arg13 : memref<!tpu.dma_semaphore, #tpu.memory_space<semaphore_mem>>)
      %slice3A_471 = vector.extract_strided_slice %get3A_12 {offsets = [19], sizes = [1], strides = [1]} : vector<32xi32> to vector<1xi32>
      %squeeze3A_472 = vector.extract %slice3A_471[0] : i32 from vector<1xi32>
      %dma_start3A_473 = arith.constant 19 : i32
      %dma_start3A_474 = arith.constant 0 : i32
      %dma_start3A_475 = tpu.memref_slice %arg10[%dma_start3A_473, %dma_start3A_474] : memref<32x32xf32, #tpu.memory_space<vmem>> -> memref<1x32xf32, #tpu.memory_space<vmem>>
      %dma_start3A_476 = arith.constant 0 : i32
      %dma_start3A_477 = tpu.memref_slice %arg4[%squeeze3A_472, %dma_start3A_476] : memref<1000000x32xf32, #tpu.memory_space<hbm>> -> memref<1x32xf32, #tpu.memory_space<hbm>>
      %dma_start3A_478 = arith.constant 19 : i32
      %dma_start3A_479 = arith.constant 0 : i32
      %dma_start3A_480 = tpu.memref_slice %arg10[%dma_start3A_478, %dma_start3A_479] : memref<32x32xf32, #tpu.memory_space<vmem>> -> memref<1x32xf32, #tpu.memory_space<vmem>>
      %dma_start3A_481 = arith.constant 0 : i32
      %dma_start3A_482 = tpu.memref_slice %arg4[%squeeze3A_472, %dma_start3A_481] : memref<1000000x32xf32, #tpu.memory_space<hbm>> -> memref<1x32xf32, #tpu.memory_space<hbm>>
      tpu.enqueue_dma source(%dma_start3A_482 : memref<1x32xf32, #tpu.memory_space<hbm>>) target(%dma_start3A_480 : memref<1x32xf32, #tpu.memory_space<vmem>>) target_semaphore(%arg12 : memref<!tpu.dma_semaphore, #tpu.memory_space<semaphore_mem>>)
      %slice3A_483 = vector.extract_strided_slice %get3A_17 {offsets = [19], sizes = [1], strides = [1]} : vector<32xi32> to vector<1xi32>
      %squeeze3A_484 = vector.extract %slice3A_483[0] : i32 from vector<1xi32>
      %dma_start3A_485 = arith.constant 19 : i32
      %dma_start3A_486 = arith.constant 0 : i32
      %dma_start3A_487 = tpu.memref_slice %arg11[%dma_start3A_485, %dma_start3A_486] : memref<32x32xf32, #tpu.memory_space<vmem>> -> memref<1x32xf32, #tpu.memory_space<vmem>>
      %dma_start3A_488 = arith.constant 0 : i32
      %dma_start3A_489 = tpu.memref_slice %arg5[%squeeze3A_484, %dma_start3A_488] : memref<1000000x32xf32, #tpu.memory_space<hbm>> -> memref<1x32xf32, #tpu.memory_space<hbm>>
      %dma_start3A_490 = arith.constant 19 : i32
      %dma_start3A_491 = arith.constant 0 : i32
      %dma_start3A_492 = tpu.memref_slice %arg11[%dma_start3A_490, %dma_start3A_491] : memref<32x32xf32, #tpu.memory_space<vmem>> -> memref<1x32xf32, #tpu.memory_space<vmem>>
      %dma_start3A_493 = arith.constant 0 : i32
      %dma_start3A_494 = tpu.memref_slice %arg5[%squeeze3A_484, %dma_start3A_493] : memref<1000000x32xf32, #tpu.memory_space<hbm>> -> memref<1x32xf32, #tpu.memory_space<hbm>>
      tpu.enqueue_dma source(%dma_start3A_494 : memref<1x32xf32, #tpu.memory_space<hbm>>) target(%dma_start3A_492 : memref<1x32xf32, #tpu.memory_space<vmem>>) target_semaphore(%arg13 : memref<!tpu.dma_semaphore, #tpu.memory_space<semaphore_mem>>)
      %slice3A_495 = vector.extract_strided_slice %get3A_12 {offsets = [20], sizes = [1], strides = [1]} : vector<32xi32> to vector<1xi32>
      %squeeze3A_496 = vector.extract %slice3A_495[0] : i32 from vector<1xi32>
      %dma_start3A_497 = arith.constant 20 : i32
      %dma_start3A_498 = arith.constant 0 : i32
      %dma_start3A_499 = tpu.memref_slice %arg10[%dma_start3A_497, %dma_start3A_498] : memref<32x32xf32, #tpu.memory_space<vmem>> -> memref<1x32xf32, #tpu.memory_space<vmem>>
      %dma_start3A_500 = arith.constant 0 : i32
      %dma_start3A_501 = tpu.memref_slice %arg4[%squeeze3A_496, %dma_start3A_500] : memref<1000000x32xf32, #tpu.memory_space<hbm>> -> memref<1x32xf32, #tpu.memory_space<hbm>>
      %dma_start3A_502 = arith.constant 20 : i32
      %dma_start3A_503 = arith.constant 0 : i32
      %dma_start3A_504 = tpu.memref_slice %arg10[%dma_start3A_502, %dma_start3A_503] : memref<32x32xf32, #tpu.memory_space<vmem>> -> memref<1x32xf32, #tpu.memory_space<vmem>>
      %dma_start3A_505 = arith.constant 0 : i32
      %dma_start3A_506 = tpu.memref_slice %arg4[%squeeze3A_496, %dma_start3A_505] : memref<1000000x32xf32, #tpu.memory_space<hbm>> -> memref<1x32xf32, #tpu.memory_space<hbm>>
      tpu.enqueue_dma source(%dma_start3A_506 : memref<1x32xf32, #tpu.memory_space<hbm>>) target(%dma_start3A_504 : memref<1x32xf32, #tpu.memory_space<vmem>>) target_semaphore(%arg12 : memref<!tpu.dma_semaphore, #tpu.memory_space<semaphore_mem>>)
      %slice3A_507 = vector.extract_strided_slice %get3A_17 {offsets = [20], sizes = [1], strides = [1]} : vector<32xi32> to vector<1xi32>
      %squeeze3A_508 = vector.extract %slice3A_507[0] : i32 from vector<1xi32>
      %dma_start3A_509 = arith.constant 20 : i32
      %dma_start3A_510 = arith.constant 0 : i32
      %dma_start3A_511 = tpu.memref_slice %arg11[%dma_start3A_509, %dma_start3A_510] : memref<32x32xf32, #tpu.memory_space<vmem>> -> memref<1x32xf32, #tpu.memory_space<vmem>>
      %dma_start3A_512 = arith.constant 0 : i32
      %dma_start3A_513 = tpu.memref_slice %arg5[%squeeze3A_508, %dma_start3A_512] : memref<1000000x32xf32, #tpu.memory_space<hbm>> -> memref<1x32xf32, #tpu.memory_space<hbm>>
      %dma_start3A_514 = arith.constant 20 : i32
      %dma_start3A_515 = arith.constant 0 : i32
      %dma_start3A_516 = tpu.memref_slice %arg11[%dma_start3A_514, %dma_start3A_515] : memref<32x32xf32, #tpu.memory_space<vmem>> -> memref<1x32xf32, #tpu.memory_space<vmem>>
      %dma_start3A_517 = arith.constant 0 : i32
      %dma_start3A_518 = tpu.memref_slice %arg5[%squeeze3A_508, %dma_start3A_517] : memref<1000000x32xf32, #tpu.memory_space<hbm>> -> memref<1x32xf32, #tpu.memory_space<hbm>>
      tpu.enqueue_dma source(%dma_start3A_518 : memref<1x32xf32, #tpu.memory_space<hbm>>) target(%dma_start3A_516 : memref<1x32xf32, #tpu.memory_space<vmem>>) target_semaphore(%arg13 : memref<!tpu.dma_semaphore, #tpu.memory_space<semaphore_mem>>)
      %slice3A_519 = vector.extract_strided_slice %get3A_12 {offsets = [21], sizes = [1], strides = [1]} : vector<32xi32> to vector<1xi32>
      %squeeze3A_520 = vector.extract %slice3A_519[0] : i32 from vector<1xi32>
      %dma_start3A_521 = arith.constant 21 : i32
      %dma_start3A_522 = arith.constant 0 : i32
      %dma_start3A_523 = tpu.memref_slice %arg10[%dma_start3A_521, %dma_start3A_522] : memref<32x32xf32, #tpu.memory_space<vmem>> -> memref<1x32xf32, #tpu.memory_space<vmem>>
      %dma_start3A_524 = arith.constant 0 : i32
      %dma_start3A_525 = tpu.memref_slice %arg4[%squeeze3A_520, %dma_start3A_524] : memref<1000000x32xf32, #tpu.memory_space<hbm>> -> memref<1x32xf32, #tpu.memory_space<hbm>>
      %dma_start3A_526 = arith.constant 21 : i32
      %dma_start3A_527 = arith.constant 0 : i32
      %dma_start3A_528 = tpu.memref_slice %arg10[%dma_start3A_526, %dma_start3A_527] : memref<32x32xf32, #tpu.memory_space<vmem>> -> memref<1x32xf32, #tpu.memory_space<vmem>>
      %dma_start3A_529 = arith.constant 0 : i32
      %dma_start3A_530 = tpu.memref_slice %arg4[%squeeze3A_520, %dma_start3A_529] : memref<1000000x32xf32, #tpu.memory_space<hbm>> -> memref<1x32xf32, #tpu.memory_space<hbm>>
      tpu.enqueue_dma source(%dma_start3A_530 : memref<1x32xf32, #tpu.memory_space<hbm>>) target(%dma_start3A_528 : memref<1x32xf32, #tpu.memory_space<vmem>>) target_semaphore(%arg12 : memref<!tpu.dma_semaphore, #tpu.memory_space<semaphore_mem>>)
      %slice3A_531 = vector.extract_strided_slice %get3A_17 {offsets = [21], sizes = [1], strides = [1]} : vector<32xi32> to vector<1xi32>
      %squeeze3A_532 = vector.extract %slice3A_531[0] : i32 from vector<1xi32>
      %dma_start3A_533 = arith.constant 21 : i32
      %dma_start3A_534 = arith.constant 0 : i32
      %dma_start3A_535 = tpu.memref_slice %arg11[%dma_start3A_533, %dma_start3A_534] : memref<32x32xf32, #tpu.memory_space<vmem>> -> memref<1x32xf32, #tpu.memory_space<vmem>>
      %dma_start3A_536 = arith.constant 0 : i32
      %dma_start3A_537 = tpu.memref_slice %arg5[%squeeze3A_532, %dma_start3A_536] : memref<1000000x32xf32, #tpu.memory_space<hbm>> -> memref<1x32xf32, #tpu.memory_space<hbm>>
      %dma_start3A_538 = arith.constant 21 : i32
      %dma_start3A_539 = arith.constant 0 : i32
      %dma_start3A_540 = tpu.memref_slice %arg11[%dma_start3A_538, %dma_start3A_539] : memref<32x32xf32, #tpu.memory_space<vmem>> -> memref<1x32xf32, #tpu.memory_space<vmem>>
      %dma_start3A_541 = arith.constant 0 : i32
      %dma_start3A_542 = tpu.memref_slice %arg5[%squeeze3A_532, %dma_start3A_541] : memref<1000000x32xf32, #tpu.memory_space<hbm>> -> memref<1x32xf32, #tpu.memory_space<hbm>>
      tpu.enqueue_dma source(%dma_start3A_542 : memref<1x32xf32, #tpu.memory_space<hbm>>) target(%dma_start3A_540 : memref<1x32xf32, #tpu.memory_space<vmem>>) target_semaphore(%arg13 : memref<!tpu.dma_semaphore, #tpu.memory_space<semaphore_mem>>)
      %slice3A_543 = vector.extract_strided_slice %get3A_12 {offsets = [22], sizes = [1], strides = [1]} : vector<32xi32> to vector<1xi32>
      %squeeze3A_544 = vector.extract %slice3A_543[0] : i32 from vector<1xi32>
      %dma_start3A_545 = arith.constant 22 : i32
      %dma_start3A_546 = arith.constant 0 : i32
      %dma_start3A_547 = tpu.memref_slice %arg10[%dma_start3A_545, %dma_start3A_546] : memref<32x32xf32, #tpu.memory_space<vmem>> -> memref<1x32xf32, #tpu.memory_space<vmem>>
      %dma_start3A_548 = arith.constant 0 : i32
      %dma_start3A_549 = tpu.memref_slice %arg4[%squeeze3A_544, %dma_start3A_548] : memref<1000000x32xf32, #tpu.memory_space<hbm>> -> memref<1x32xf32, #tpu.memory_space<hbm>>
      %dma_start3A_550 = arith.constant 22 : i32
      %dma_start3A_551 = arith.constant 0 : i32
      %dma_start3A_552 = tpu.memref_slice %arg10[%dma_start3A_550, %dma_start3A_551] : memref<32x32xf32, #tpu.memory_space<vmem>> -> memref<1x32xf32, #tpu.memory_space<vmem>>
      %dma_start3A_553 = arith.constant 0 : i32
      %dma_start3A_554 = tpu.memref_slice %arg4[%squeeze3A_544, %dma_start3A_553] : memref<1000000x32xf32, #tpu.memory_space<hbm>> -> memref<1x32xf32, #tpu.memory_space<hbm>>
      tpu.enqueue_dma source(%dma_start3A_554 : memref<1x32xf32, #tpu.memory_space<hbm>>) target(%dma_start3A_552 : memref<1x32xf32, #tpu.memory_space<vmem>>) target_semaphore(%arg12 : memref<!tpu.dma_semaphore, #tpu.memory_space<semaphore_mem>>)
      %slice3A_555 = vector.extract_strided_slice %get3A_17 {offsets = [22], sizes = [1], strides = [1]} : vector<32xi32> to vector<1xi32>
      %squeeze3A_556 = vector.extract %slice3A_555[0] : i32 from vector<1xi32>
      %dma_start3A_557 = arith.constant 22 : i32
      %dma_start3A_558 = arith.constant 0 : i32
      %dma_start3A_559 = tpu.memref_slice %arg11[%dma_start3A_557, %dma_start3A_558] : memref<32x32xf32, #tpu.memory_space<vmem>> -> memref<1x32xf32, #tpu.memory_space<vmem>>
      %dma_start3A_560 = arith.constant 0 : i32
      %dma_start3A_561 = tpu.memref_slice %arg5[%squeeze3A_556, %dma_start3A_560] : memref<1000000x32xf32, #tpu.memory_space<hbm>> -> memref<1x32xf32, #tpu.memory_space<hbm>>
      %dma_start3A_562 = arith.constant 22 : i32
      %dma_start3A_563 = arith.constant 0 : i32
      %dma_start3A_564 = tpu.memref_slice %arg11[%dma_start3A_562, %dma_start3A_563] : memref<32x32xf32, #tpu.memory_space<vmem>> -> memref<1x32xf32, #tpu.memory_space<vmem>>
      %dma_start3A_565 = arith.constant 0 : i32
      %dma_start3A_566 = tpu.memref_slice %arg5[%squeeze3A_556, %dma_start3A_565] : memref<1000000x32xf32, #tpu.memory_space<hbm>> -> memref<1x32xf32, #tpu.memory_space<hbm>>
      tpu.enqueue_dma source(%dma_start3A_566 : memref<1x32xf32, #tpu.memory_space<hbm>>) target(%dma_start3A_564 : memref<1x32xf32, #tpu.memory_space<vmem>>) target_semaphore(%arg13 : memref<!tpu.dma_semaphore, #tpu.memory_space<semaphore_mem>>)
      %slice3A_567 = vector.extract_strided_slice %get3A_12 {offsets = [23], sizes = [1], strides = [1]} : vector<32xi32> to vector<1xi32>
      %squeeze3A_568 = vector.extract %slice3A_567[0] : i32 from vector<1xi32>
      %dma_start3A_569 = arith.constant 23 : i32
      %dma_start3A_570 = arith.constant 0 : i32
      %dma_start3A_571 = tpu.memref_slice %arg10[%dma_start3A_569, %dma_start3A_570] : memref<32x32xf32, #tpu.memory_space<vmem>> -> memref<1x32xf32, #tpu.memory_space<vmem>>
      %dma_start3A_572 = arith.constant 0 : i32
      %dma_start3A_573 = tpu.memref_slice %arg4[%squeeze3A_568, %dma_start3A_572] : memref<1000000x32xf32, #tpu.memory_space<hbm>> -> memref<1x32xf32, #tpu.memory_space<hbm>>
      %dma_start3A_574 = arith.constant 23 : i32
      %dma_start3A_575 = arith.constant 0 : i32
      %dma_start3A_576 = tpu.memref_slice %arg10[%dma_start3A_574, %dma_start3A_575] : memref<32x32xf32, #tpu.memory_space<vmem>> -> memref<1x32xf32, #tpu.memory_space<vmem>>
      %dma_start3A_577 = arith.constant 0 : i32
      %dma_start3A_578 = tpu.memref_slice %arg4[%squeeze3A_568, %dma_start3A_577] : memref<1000000x32xf32, #tpu.memory_space<hbm>> -> memref<1x32xf32, #tpu.memory_space<hbm>>
      tpu.enqueue_dma source(%dma_start3A_578 : memref<1x32xf32, #tpu.memory_space<hbm>>) target(%dma_start3A_576 : memref<1x32xf32, #tpu.memory_space<vmem>>) target_semaphore(%arg12 : memref<!tpu.dma_semaphore, #tpu.memory_space<semaphore_mem>>)
      %slice3A_579 = vector.extract_strided_slice %get3A_17 {offsets = [23], sizes = [1], strides = [1]} : vector<32xi32> to vector<1xi32>
      %squeeze3A_580 = vector.extract %slice3A_579[0] : i32 from vector<1xi32>
      %dma_start3A_581 = arith.constant 23 : i32
      %dma_start3A_582 = arith.constant 0 : i32
      %dma_start3A_583 = tpu.memref_slice %arg11[%dma_start3A_581, %dma_start3A_582] : memref<32x32xf32, #tpu.memory_space<vmem>> -> memref<1x32xf32, #tpu.memory_space<vmem>>
      %dma_start3A_584 = arith.constant 0 : i32
      %dma_start3A_585 = tpu.memref_slice %arg5[%squeeze3A_580, %dma_start3A_584] : memref<1000000x32xf32, #tpu.memory_space<hbm>> -> memref<1x32xf32, #tpu.memory_space<hbm>>
      %dma_start3A_586 = arith.constant 23 : i32
      %dma_start3A_587 = arith.constant 0 : i32
      %dma_start3A_588 = tpu.memref_slice %arg11[%dma_start3A_586, %dma_start3A_587] : memref<32x32xf32, #tpu.memory_space<vmem>> -> memref<1x32xf32, #tpu.memory_space<vmem>>
      %dma_start3A_589 = arith.constant 0 : i32
      %dma_start3A_590 = tpu.memref_slice %arg5[%squeeze3A_580, %dma_start3A_589] : memref<1000000x32xf32, #tpu.memory_space<hbm>> -> memref<1x32xf32, #tpu.memory_space<hbm>>
      tpu.enqueue_dma source(%dma_start3A_590 : memref<1x32xf32, #tpu.memory_space<hbm>>) target(%dma_start3A_588 : memref<1x32xf32, #tpu.memory_space<vmem>>) target_semaphore(%arg13 : memref<!tpu.dma_semaphore, #tpu.memory_space<semaphore_mem>>)
      %slice3A_591 = vector.extract_strided_slice %get3A_12 {offsets = [24], sizes = [1], strides = [1]} : vector<32xi32> to vector<1xi32>
      %squeeze3A_592 = vector.extract %slice3A_591[0] : i32 from vector<1xi32>
      %dma_start3A_593 = arith.constant 24 : i32
      %dma_start3A_594 = arith.constant 0 : i32
      %dma_start3A_595 = tpu.memref_slice %arg10[%dma_start3A_593, %dma_start3A_594] : memref<32x32xf32, #tpu.memory_space<vmem>> -> memref<1x32xf32, #tpu.memory_space<vmem>>
      %dma_start3A_596 = arith.constant 0 : i32
      %dma_start3A_597 = tpu.memref_slice %arg4[%squeeze3A_592, %dma_start3A_596] : memref<1000000x32xf32, #tpu.memory_space<hbm>> -> memref<1x32xf32, #tpu.memory_space<hbm>>
      %dma_start3A_598 = arith.constant 24 : i32
      %dma_start3A_599 = arith.constant 0 : i32
      %dma_start3A_600 = tpu.memref_slice %arg10[%dma_start3A_598, %dma_start3A_599] : memref<32x32xf32, #tpu.memory_space<vmem>> -> memref<1x32xf32, #tpu.memory_space<vmem>>
      %dma_start3A_601 = arith.constant 0 : i32
      %dma_start3A_602 = tpu.memref_slice %arg4[%squeeze3A_592, %dma_start3A_601] : memref<1000000x32xf32, #tpu.memory_space<hbm>> -> memref<1x32xf32, #tpu.memory_space<hbm>>
      tpu.enqueue_dma source(%dma_start3A_602 : memref<1x32xf32, #tpu.memory_space<hbm>>) target(%dma_start3A_600 : memref<1x32xf32, #tpu.memory_space<vmem>>) target_semaphore(%arg12 : memref<!tpu.dma_semaphore, #tpu.memory_space<semaphore_mem>>)
      %slice3A_603 = vector.extract_strided_slice %get3A_17 {offsets = [24], sizes = [1], strides = [1]} : vector<32xi32> to vector<1xi32>
      %squeeze3A_604 = vector.extract %slice3A_603[0] : i32 from vector<1xi32>
      %dma_start3A_605 = arith.constant 24 : i32
      %dma_start3A_606 = arith.constant 0 : i32
      %dma_start3A_607 = tpu.memref_slice %arg11[%dma_start3A_605, %dma_start3A_606] : memref<32x32xf32, #tpu.memory_space<vmem>> -> memref<1x32xf32, #tpu.memory_space<vmem>>
      %dma_start3A_608 = arith.constant 0 : i32
      %dma_start3A_609 = tpu.memref_slice %arg5[%squeeze3A_604, %dma_start3A_608] : memref<1000000x32xf32, #tpu.memory_space<hbm>> -> memref<1x32xf32, #tpu.memory_space<hbm>>
      %dma_start3A_610 = arith.constant 24 : i32
      %dma_start3A_611 = arith.constant 0 : i32
      %dma_start3A_612 = tpu.memref_slice %arg11[%dma_start3A_610, %dma_start3A_611] : memref<32x32xf32, #tpu.memory_space<vmem>> -> memref<1x32xf32, #tpu.memory_space<vmem>>
      %dma_start3A_613 = arith.constant 0 : i32
      %dma_start3A_614 = tpu.memref_slice %arg5[%squeeze3A_604, %dma_start3A_613] : memref<1000000x32xf32, #tpu.memory_space<hbm>> -> memref<1x32xf32, #tpu.memory_space<hbm>>
      tpu.enqueue_dma source(%dma_start3A_614 : memref<1x32xf32, #tpu.memory_space<hbm>>) target(%dma_start3A_612 : memref<1x32xf32, #tpu.memory_space<vmem>>) target_semaphore(%arg13 : memref<!tpu.dma_semaphore, #tpu.memory_space<semaphore_mem>>)
      %slice3A_615 = vector.extract_strided_slice %get3A_12 {offsets = [25], sizes = [1], strides = [1]} : vector<32xi32> to vector<1xi32>
      %squeeze3A_616 = vector.extract %slice3A_615[0] : i32 from vector<1xi32>
      %dma_start3A_617 = arith.constant 25 : i32
      %dma_start3A_618 = arith.constant 0 : i32
      %dma_start3A_619 = tpu.memref_slice %arg10[%dma_start3A_617, %dma_start3A_618] : memref<32x32xf32, #tpu.memory_space<vmem>> -> memref<1x32xf32, #tpu.memory_space<vmem>>
      %dma_start3A_620 = arith.constant 0 : i32
      %dma_start3A_621 = tpu.memref_slice %arg4[%squeeze3A_616, %dma_start3A_620] : memref<1000000x32xf32, #tpu.memory_space<hbm>> -> memref<1x32xf32, #tpu.memory_space<hbm>>
      %dma_start3A_622 = arith.constant 25 : i32
      %dma_start3A_623 = arith.constant 0 : i32
      %dma_start3A_624 = tpu.memref_slice %arg10[%dma_start3A_622, %dma_start3A_623] : memref<32x32xf32, #tpu.memory_space<vmem>> -> memref<1x32xf32, #tpu.memory_space<vmem>>
      %dma_start3A_625 = arith.constant 0 : i32
      %dma_start3A_626 = tpu.memref_slice %arg4[%squeeze3A_616, %dma_start3A_625] : memref<1000000x32xf32, #tpu.memory_space<hbm>> -> memref<1x32xf32, #tpu.memory_space<hbm>>
      tpu.enqueue_dma source(%dma_start3A_626 : memref<1x32xf32, #tpu.memory_space<hbm>>) target(%dma_start3A_624 : memref<1x32xf32, #tpu.memory_space<vmem>>) target_semaphore(%arg12 : memref<!tpu.dma_semaphore, #tpu.memory_space<semaphore_mem>>)
      %slice3A_627 = vector.extract_strided_slice %get3A_17 {offsets = [25], sizes = [1], strides = [1]} : vector<32xi32> to vector<1xi32>
      %squeeze3A_628 = vector.extract %slice3A_627[0] : i32 from vector<1xi32>
      %dma_start3A_629 = arith.constant 25 : i32
      %dma_start3A_630 = arith.constant 0 : i32
      %dma_start3A_631 = tpu.memref_slice %arg11[%dma_start3A_629, %dma_start3A_630] : memref<32x32xf32, #tpu.memory_space<vmem>> -> memref<1x32xf32, #tpu.memory_space<vmem>>
      %dma_start3A_632 = arith.constant 0 : i32
      %dma_start3A_633 = tpu.memref_slice %arg5[%squeeze3A_628, %dma_start3A_632] : memref<1000000x32xf32, #tpu.memory_space<hbm>> -> memref<1x32xf32, #tpu.memory_space<hbm>>
      %dma_start3A_634 = arith.constant 25 : i32
      %dma_start3A_635 = arith.constant 0 : i32
      %dma_start3A_636 = tpu.memref_slice %arg11[%dma_start3A_634, %dma_start3A_635] : memref<32x32xf32, #tpu.memory_space<vmem>> -> memref<1x32xf32, #tpu.memory_space<vmem>>
      %dma_start3A_637 = arith.constant 0 : i32
      %dma_start3A_638 = tpu.memref_slice %arg5[%squeeze3A_628, %dma_start3A_637] : memref<1000000x32xf32, #tpu.memory_space<hbm>> -> memref<1x32xf32, #tpu.memory_space<hbm>>
      tpu.enqueue_dma source(%dma_start3A_638 : memref<1x32xf32, #tpu.memory_space<hbm>>) target(%dma_start3A_636 : memref<1x32xf32, #tpu.memory_space<vmem>>) target_semaphore(%arg13 : memref<!tpu.dma_semaphore, #tpu.memory_space<semaphore_mem>>)
      %slice3A_639 = vector.extract_strided_slice %get3A_12 {offsets = [26], sizes = [1], strides = [1]} : vector<32xi32> to vector<1xi32>
      %squeeze3A_640 = vector.extract %slice3A_639[0] : i32 from vector<1xi32>
      %dma_start3A_641 = arith.constant 26 : i32
      %dma_start3A_642 = arith.constant 0 : i32
      %dma_start3A_643 = tpu.memref_slice %arg10[%dma_start3A_641, %dma_start3A_642] : memref<32x32xf32, #tpu.memory_space<vmem>> -> memref<1x32xf32, #tpu.memory_space<vmem>>
      %dma_start3A_644 = arith.constant 0 : i32
      %dma_start3A_645 = tpu.memref_slice %arg4[%squeeze3A_640, %dma_start3A_644] : memref<1000000x32xf32, #tpu.memory_space<hbm>> -> memref<1x32xf32, #tpu.memory_space<hbm>>
      %dma_start3A_646 = arith.constant 26 : i32
      %dma_start3A_647 = arith.constant 0 : i32
      %dma_start3A_648 = tpu.memref_slice %arg10[%dma_start3A_646, %dma_start3A_647] : memref<32x32xf32, #tpu.memory_space<vmem>> -> memref<1x32xf32, #tpu.memory_space<vmem>>
      %dma_start3A_649 = arith.constant 0 : i32
      %dma_start3A_650 = tpu.memref_slice %arg4[%squeeze3A_640, %dma_start3A_649] : memref<1000000x32xf32, #tpu.memory_space<hbm>> -> memref<1x32xf32, #tpu.memory_space<hbm>>
      tpu.enqueue_dma source(%dma_start3A_650 : memref<1x32xf32, #tpu.memory_space<hbm>>) target(%dma_start3A_648 : memref<1x32xf32, #tpu.memory_space<vmem>>) target_semaphore(%arg12 : memref<!tpu.dma_semaphore, #tpu.memory_space<semaphore_mem>>)
      %slice3A_651 = vector.extract_strided_slice %get3A_17 {offsets = [26], sizes = [1], strides = [1]} : vector<32xi32> to vector<1xi32>
      %squeeze3A_652 = vector.extract %slice3A_651[0] : i32 from vector<1xi32>
      %dma_start3A_653 = arith.constant 26 : i32
      %dma_start3A_654 = arith.constant 0 : i32
      %dma_start3A_655 = tpu.memref_slice %arg11[%dma_start3A_653, %dma_start3A_654] : memref<32x32xf32, #tpu.memory_space<vmem>> -> memref<1x32xf32, #tpu.memory_space<vmem>>
      %dma_start3A_656 = arith.constant 0 : i32
      %dma_start3A_657 = tpu.memref_slice %arg5[%squeeze3A_652, %dma_start3A_656] : memref<1000000x32xf32, #tpu.memory_space<hbm>> -> memref<1x32xf32, #tpu.memory_space<hbm>>
      %dma_start3A_658 = arith.constant 26 : i32
      %dma_start3A_659 = arith.constant 0 : i32
      %dma_start3A_660 = tpu.memref_slice %arg11[%dma_start3A_658, %dma_start3A_659] : memref<32x32xf32, #tpu.memory_space<vmem>> -> memref<1x32xf32, #tpu.memory_space<vmem>>
      %dma_start3A_661 = arith.constant 0 : i32
      %dma_start3A_662 = tpu.memref_slice %arg5[%squeeze3A_652, %dma_start3A_661] : memref<1000000x32xf32, #tpu.memory_space<hbm>> -> memref<1x32xf32, #tpu.memory_space<hbm>>
      tpu.enqueue_dma source(%dma_start3A_662 : memref<1x32xf32, #tpu.memory_space<hbm>>) target(%dma_start3A_660 : memref<1x32xf32, #tpu.memory_space<vmem>>) target_semaphore(%arg13 : memref<!tpu.dma_semaphore, #tpu.memory_space<semaphore_mem>>)
      %slice3A_663 = vector.extract_strided_slice %get3A_12 {offsets = [27], sizes = [1], strides = [1]} : vector<32xi32> to vector<1xi32>
      %squeeze3A_664 = vector.extract %slice3A_663[0] : i32 from vector<1xi32>
      %dma_start3A_665 = arith.constant 27 : i32
      %dma_start3A_666 = arith.constant 0 : i32
      %dma_start3A_667 = tpu.memref_slice %arg10[%dma_start3A_665, %dma_start3A_666] : memref<32x32xf32, #tpu.memory_space<vmem>> -> memref<1x32xf32, #tpu.memory_space<vmem>>
      %dma_start3A_668 = arith.constant 0 : i32
      %dma_start3A_669 = tpu.memref_slice %arg4[%squeeze3A_664, %dma_start3A_668] : memref<1000000x32xf32, #tpu.memory_space<hbm>> -> memref<1x32xf32, #tpu.memory_space<hbm>>
      %dma_start3A_670 = arith.constant 27 : i32
      %dma_start3A_671 = arith.constant 0 : i32
      %dma_start3A_672 = tpu.memref_slice %arg10[%dma_start3A_670, %dma_start3A_671] : memref<32x32xf32, #tpu.memory_space<vmem>> -> memref<1x32xf32, #tpu.memory_space<vmem>>
      %dma_start3A_673 = arith.constant 0 : i32
      %dma_start3A_674 = tpu.memref_slice %arg4[%squeeze3A_664, %dma_start3A_673] : memref<1000000x32xf32, #tpu.memory_space<hbm>> -> memref<1x32xf32, #tpu.memory_space<hbm>>
      tpu.enqueue_dma source(%dma_start3A_674 : memref<1x32xf32, #tpu.memory_space<hbm>>) target(%dma_start3A_672 : memref<1x32xf32, #tpu.memory_space<vmem>>) target_semaphore(%arg12 : memref<!tpu.dma_semaphore, #tpu.memory_space<semaphore_mem>>)
      %slice3A_675 = vector.extract_strided_slice %get3A_17 {offsets = [27], sizes = [1], strides = [1]} : vector<32xi32> to vector<1xi32>
      %squeeze3A_676 = vector.extract %slice3A_675[0] : i32 from vector<1xi32>
      %dma_start3A_677 = arith.constant 27 : i32
      %dma_start3A_678 = arith.constant 0 : i32
      %dma_start3A_679 = tpu.memref_slice %arg11[%dma_start3A_677, %dma_start3A_678] : memref<32x32xf32, #tpu.memory_space<vmem>> -> memref<1x32xf32, #tpu.memory_space<vmem>>
      %dma_start3A_680 = arith.constant 0 : i32
      %dma_start3A_681 = tpu.memref_slice %arg5[%squeeze3A_676, %dma_start3A_680] : memref<1000000x32xf32, #tpu.memory_space<hbm>> -> memref<1x32xf32, #tpu.memory_space<hbm>>
      %dma_start3A_682 = arith.constant 27 : i32
      %dma_start3A_683 = arith.constant 0 : i32
      %dma_start3A_684 = tpu.memref_slice %arg11[%dma_start3A_682, %dma_start3A_683] : memref<32x32xf32, #tpu.memory_space<vmem>> -> memref<1x32xf32, #tpu.memory_space<vmem>>
      %dma_start3A_685 = arith.constant 0 : i32
      %dma_start3A_686 = tpu.memref_slice %arg5[%squeeze3A_676, %dma_start3A_685] : memref<1000000x32xf32, #tpu.memory_space<hbm>> -> memref<1x32xf32, #tpu.memory_space<hbm>>
      tpu.enqueue_dma source(%dma_start3A_686 : memref<1x32xf32, #tpu.memory_space<hbm>>) target(%dma_start3A_684 : memref<1x32xf32, #tpu.memory_space<vmem>>) target_semaphore(%arg13 : memref<!tpu.dma_semaphore, #tpu.memory_space<semaphore_mem>>)
      %slice3A_687 = vector.extract_strided_slice %get3A_12 {offsets = [28], sizes = [1], strides = [1]} : vector<32xi32> to vector<1xi32>
      %squeeze3A_688 = vector.extract %slice3A_687[0] : i32 from vector<1xi32>
      %dma_start3A_689 = arith.constant 28 : i32
      %dma_start3A_690 = arith.constant 0 : i32
      %dma_start3A_691 = tpu.memref_slice %arg10[%dma_start3A_689, %dma_start3A_690] : memref<32x32xf32, #tpu.memory_space<vmem>> -> memref<1x32xf32, #tpu.memory_space<vmem>>
      %dma_start3A_692 = arith.constant 0 : i32
      %dma_start3A_693 = tpu.memref_slice %arg4[%squeeze3A_688, %dma_start3A_692] : memref<1000000x32xf32, #tpu.memory_space<hbm>> -> memref<1x32xf32, #tpu.memory_space<hbm>>
      %dma_start3A_694 = arith.constant 28 : i32
      %dma_start3A_695 = arith.constant 0 : i32
      %dma_start3A_696 = tpu.memref_slice %arg10[%dma_start3A_694, %dma_start3A_695] : memref<32x32xf32, #tpu.memory_space<vmem>> -> memref<1x32xf32, #tpu.memory_space<vmem>>
      %dma_start3A_697 = arith.constant 0 : i32
      %dma_start3A_698 = tpu.memref_slice %arg4[%squeeze3A_688, %dma_start3A_697] : memref<1000000x32xf32, #tpu.memory_space<hbm>> -> memref<1x32xf32, #tpu.memory_space<hbm>>
      tpu.enqueue_dma source(%dma_start3A_698 : memref<1x32xf32, #tpu.memory_space<hbm>>) target(%dma_start3A_696 : memref<1x32xf32, #tpu.memory_space<vmem>>) target_semaphore(%arg12 : memref<!tpu.dma_semaphore, #tpu.memory_space<semaphore_mem>>)
      %slice3A_699 = vector.extract_strided_slice %get3A_17 {offsets = [28], sizes = [1], strides = [1]} : vector<32xi32> to vector<1xi32>
      %squeeze3A_700 = vector.extract %slice3A_699[0] : i32 from vector<1xi32>
      %dma_start3A_701 = arith.constant 28 : i32
      %dma_start3A_702 = arith.constant 0 : i32
      %dma_start3A_703 = tpu.memref_slice %arg11[%dma_start3A_701, %dma_start3A_702] : memref<32x32xf32, #tpu.memory_space<vmem>> -> memref<1x32xf32, #tpu.memory_space<vmem>>
      %dma_start3A_704 = arith.constant 0 : i32
      %dma_start3A_705 = tpu.memref_slice %arg5[%squeeze3A_700, %dma_start3A_704] : memref<1000000x32xf32, #tpu.memory_space<hbm>> -> memref<1x32xf32, #tpu.memory_space<hbm>>
      %dma_start3A_706 = arith.constant 28 : i32
      %dma_start3A_707 = arith.constant 0 : i32
      %dma_start3A_708 = tpu.memref_slice %arg11[%dma_start3A_706, %dma_start3A_707] : memref<32x32xf32, #tpu.memory_space<vmem>> -> memref<1x32xf32, #tpu.memory_space<vmem>>
      %dma_start3A_709 = arith.constant 0 : i32
      %dma_start3A_710 = tpu.memref_slice %arg5[%squeeze3A_700, %dma_start3A_709] : memref<1000000x32xf32, #tpu.memory_space<hbm>> -> memref<1x32xf32, #tpu.memory_space<hbm>>
      tpu.enqueue_dma source(%dma_start3A_710 : memref<1x32xf32, #tpu.memory_space<hbm>>) target(%dma_start3A_708 : memref<1x32xf32, #tpu.memory_space<vmem>>) target_semaphore(%arg13 : memref<!tpu.dma_semaphore, #tpu.memory_space<semaphore_mem>>)
      %slice3A_711 = vector.extract_strided_slice %get3A_12 {offsets = [29], sizes = [1], strides = [1]} : vector<32xi32> to vector<1xi32>
      %squeeze3A_712 = vector.extract %slice3A_711[0] : i32 from vector<1xi32>
      %dma_start3A_713 = arith.constant 29 : i32
      %dma_start3A_714 = arith.constant 0 : i32
      %dma_start3A_715 = tpu.memref_slice %arg10[%dma_start3A_713, %dma_start3A_714] : memref<32x32xf32, #tpu.memory_space<vmem>> -> memref<1x32xf32, #tpu.memory_space<vmem>>
      %dma_start3A_716 = arith.constant 0 : i32
      %dma_start3A_717 = tpu.memref_slice %arg4[%squeeze3A_712, %dma_start3A_716] : memref<1000000x32xf32, #tpu.memory_space<hbm>> -> memref<1x32xf32, #tpu.memory_space<hbm>>
      %dma_start3A_718 = arith.constant 29 : i32
      %dma_start3A_719 = arith.constant 0 : i32
      %dma_start3A_720 = tpu.memref_slice %arg10[%dma_start3A_718, %dma_start3A_719] : memref<32x32xf32, #tpu.memory_space<vmem>> -> memref<1x32xf32, #tpu.memory_space<vmem>>
      %dma_start3A_721 = arith.constant 0 : i32
      %dma_start3A_722 = tpu.memref_slice %arg4[%squeeze3A_712, %dma_start3A_721] : memref<1000000x32xf32, #tpu.memory_space<hbm>> -> memref<1x32xf32, #tpu.memory_space<hbm>>
      tpu.enqueue_dma source(%dma_start3A_722 : memref<1x32xf32, #tpu.memory_space<hbm>>) target(%dma_start3A_720 : memref<1x32xf32, #tpu.memory_space<vmem>>) target_semaphore(%arg12 : memref<!tpu.dma_semaphore, #tpu.memory_space<semaphore_mem>>)
      %slice3A_723 = vector.extract_strided_slice %get3A_17 {offsets = [29], sizes = [1], strides = [1]} : vector<32xi32> to vector<1xi32>
      %squeeze3A_724 = vector.extract %slice3A_723[0] : i32 from vector<1xi32>
      %dma_start3A_725 = arith.constant 29 : i32
      %dma_start3A_726 = arith.constant 0 : i32
      %dma_start3A_727 = tpu.memref_slice %arg11[%dma_start3A_725, %dma_start3A_726] : memref<32x32xf32, #tpu.memory_space<vmem>> -> memref<1x32xf32, #tpu.memory_space<vmem>>
      %dma_start3A_728 = arith.constant 0 : i32
      %dma_start3A_729 = tpu.memref_slice %arg5[%squeeze3A_724, %dma_start3A_728] : memref<1000000x32xf32, #tpu.memory_space<hbm>> -> memref<1x32xf32, #tpu.memory_space<hbm>>
      %dma_start3A_730 = arith.constant 29 : i32
      %dma_start3A_731 = arith.constant 0 : i32
      %dma_start3A_732 = tpu.memref_slice %arg11[%dma_start3A_730, %dma_start3A_731] : memref<32x32xf32, #tpu.memory_space<vmem>> -> memref<1x32xf32, #tpu.memory_space<vmem>>
      %dma_start3A_733 = arith.constant 0 : i32
      %dma_start3A_734 = tpu.memref_slice %arg5[%squeeze3A_724, %dma_start3A_733] : memref<1000000x32xf32, #tpu.memory_space<hbm>> -> memref<1x32xf32, #tpu.memory_space<hbm>>
      tpu.enqueue_dma source(%dma_start3A_734 : memref<1x32xf32, #tpu.memory_space<hbm>>) target(%dma_start3A_732 : memref<1x32xf32, #tpu.memory_space<vmem>>) target_semaphore(%arg13 : memref<!tpu.dma_semaphore, #tpu.memory_space<semaphore_mem>>)
      %slice3A_735 = vector.extract_strided_slice %get3A_12 {offsets = [30], sizes = [1], strides = [1]} : vector<32xi32> to vector<1xi32>
      %squeeze3A_736 = vector.extract %slice3A_735[0] : i32 from vector<1xi32>
      %dma_start3A_737 = arith.constant 30 : i32
      %dma_start3A_738 = arith.constant 0 : i32
      %dma_start3A_739 = tpu.memref_slice %arg10[%dma_start3A_737, %dma_start3A_738] : memref<32x32xf32, #tpu.memory_space<vmem>> -> memref<1x32xf32, #tpu.memory_space<vmem>>
      %dma_start3A_740 = arith.constant 0 : i32
      %dma_start3A_741 = tpu.memref_slice %arg4[%squeeze3A_736, %dma_start3A_740] : memref<1000000x32xf32, #tpu.memory_space<hbm>> -> memref<1x32xf32, #tpu.memory_space<hbm>>
      %dma_start3A_742 = arith.constant 30 : i32
      %dma_start3A_743 = arith.constant 0 : i32
      %dma_start3A_744 = tpu.memref_slice %arg10[%dma_start3A_742, %dma_start3A_743] : memref<32x32xf32, #tpu.memory_space<vmem>> -> memref<1x32xf32, #tpu.memory_space<vmem>>
      %dma_start3A_745 = arith.constant 0 : i32
      %dma_start3A_746 = tpu.memref_slice %arg4[%squeeze3A_736, %dma_start3A_745] : memref<1000000x32xf32, #tpu.memory_space<hbm>> -> memref<1x32xf32, #tpu.memory_space<hbm>>
      tpu.enqueue_dma source(%dma_start3A_746 : memref<1x32xf32, #tpu.memory_space<hbm>>) target(%dma_start3A_744 : memref<1x32xf32, #tpu.memory_space<vmem>>) target_semaphore(%arg12 : memref<!tpu.dma_semaphore, #tpu.memory_space<semaphore_mem>>)
      %slice3A_747 = vector.extract_strided_slice %get3A_17 {offsets = [30], sizes = [1], strides = [1]} : vector<32xi32> to vector<1xi32>
      %squeeze3A_748 = vector.extract %slice3A_747[0] : i32 from vector<1xi32>
      %dma_start3A_749 = arith.constant 30 : i32
      %dma_start3A_750 = arith.constant 0 : i32
      %dma_start3A_751 = tpu.memref_slice %arg11[%dma_start3A_749, %dma_start3A_750] : memref<32x32xf32, #tpu.memory_space<vmem>> -> memref<1x32xf32, #tpu.memory_space<vmem>>
      %dma_start3A_752 = arith.constant 0 : i32
      %dma_start3A_753 = tpu.memref_slice %arg5[%squeeze3A_748, %dma_start3A_752] : memref<1000000x32xf32, #tpu.memory_space<hbm>> -> memref<1x32xf32, #tpu.memory_space<hbm>>
      %dma_start3A_754 = arith.constant 30 : i32
      %dma_start3A_755 = arith.constant 0 : i32
      %dma_start3A_756 = tpu.memref_slice %arg11[%dma_start3A_754, %dma_start3A_755] : memref<32x32xf32, #tpu.memory_space<vmem>> -> memref<1x32xf32, #tpu.memory_space<vmem>>
      %dma_start3A_757 = arith.constant 0 : i32
      %dma_start3A_758 = tpu.memref_slice %arg5[%squeeze3A_748, %dma_start3A_757] : memref<1000000x32xf32, #tpu.memory_space<hbm>> -> memref<1x32xf32, #tpu.memory_space<hbm>>
      tpu.enqueue_dma source(%dma_start3A_758 : memref<1x32xf32, #tpu.memory_space<hbm>>) target(%dma_start3A_756 : memref<1x32xf32, #tpu.memory_space<vmem>>) target_semaphore(%arg13 : memref<!tpu.dma_semaphore, #tpu.memory_space<semaphore_mem>>)
      %slice3A_759 = vector.extract_strided_slice %get3A_12 {offsets = [31], sizes = [1], strides = [1]} : vector<32xi32> to vector<1xi32>
      %squeeze3A_760 = vector.extract %slice3A_759[0] : i32 from vector<1xi32>
      %dma_start3A_761 = arith.constant 31 : i32
      %dma_start3A_762 = arith.constant 0 : i32
      %dma_start3A_763 = tpu.memref_slice %arg10[%dma_start3A_761, %dma_start3A_762] : memref<32x32xf32, #tpu.memory_space<vmem>> -> memref<1x32xf32, #tpu.memory_space<vmem>>
      %dma_start3A_764 = arith.constant 0 : i32
      %dma_start3A_765 = tpu.memref_slice %arg4[%squeeze3A_760, %dma_start3A_764] : memref<1000000x32xf32, #tpu.memory_space<hbm>> -> memref<1x32xf32, #tpu.memory_space<hbm>>
      %dma_start3A_766 = arith.constant 31 : i32
      %dma_start3A_767 = arith.constant 0 : i32
      %dma_start3A_768 = tpu.memref_slice %arg10[%dma_start3A_766, %dma_start3A_767] : memref<32x32xf32, #tpu.memory_space<vmem>> -> memref<1x32xf32, #tpu.memory_space<vmem>>
      %dma_start3A_769 = arith.constant 0 : i32
      %dma_start3A_770 = tpu.memref_slice %arg4[%squeeze3A_760, %dma_start3A_769] : memref<1000000x32xf32, #tpu.memory_space<hbm>> -> memref<1x32xf32, #tpu.memory_space<hbm>>
      tpu.enqueue_dma source(%dma_start3A_770 : memref<1x32xf32, #tpu.memory_space<hbm>>) target(%dma_start3A_768 : memref<1x32xf32, #tpu.memory_space<vmem>>) target_semaphore(%arg12 : memref<!tpu.dma_semaphore, #tpu.memory_space<semaphore_mem>>)
      %slice3A_771 = vector.extract_strided_slice %get3A_17 {offsets = [31], sizes = [1], strides = [1]} : vector<32xi32> to vector<1xi32>
      %squeeze3A_772 = vector.extract %slice3A_771[0] : i32 from vector<1xi32>
      %dma_start3A_773 = arith.constant 31 : i32
      %dma_start3A_774 = arith.constant 0 : i32
      %dma_start3A_775 = tpu.memref_slice %arg11[%dma_start3A_773, %dma_start3A_774] : memref<32x32xf32, #tpu.memory_space<vmem>> -> memref<1x32xf32, #tpu.memory_space<vmem>>
      %dma_start3A_776 = arith.constant 0 : i32
      %dma_start3A_777 = tpu.memref_slice %arg5[%squeeze3A_772, %dma_start3A_776] : memref<1000000x32xf32, #tpu.memory_space<hbm>> -> memref<1x32xf32, #tpu.memory_space<hbm>>
      %dma_start3A_778 = arith.constant 31 : i32
      %dma_start3A_779 = arith.constant 0 : i32
      %dma_start3A_780 = tpu.memref_slice %arg11[%dma_start3A_778, %dma_start3A_779] : memref<32x32xf32, #tpu.memory_space<vmem>> -> memref<1x32xf32, #tpu.memory_space<vmem>>
      %dma_start3A_781 = arith.constant 0 : i32
      %dma_start3A_782 = tpu.memref_slice %arg5[%squeeze3A_772, %dma_start3A_781] : memref<1000000x32xf32, #tpu.memory_space<hbm>> -> memref<1x32xf32, #tpu.memory_space<hbm>>
      tpu.enqueue_dma source(%dma_start3A_782 : memref<1x32xf32, #tpu.memory_space<hbm>>) target(%dma_start3A_780 : memref<1x32xf32, #tpu.memory_space<vmem>>) target_semaphore(%arg13 : memref<!tpu.dma_semaphore, #tpu.memory_space<semaphore_mem>>)
      %dma_wait3A = arith.constant 0 : i32
      %dma_wait3A_783 = arith.constant 0 : i32
      %dma_wait3A_784 = tpu.memref_slice %arg10[%dma_wait3A, %dma_wait3A_783] : memref<32x32xf32, #tpu.memory_space<vmem>> -> memref<1x32xf32, #tpu.memory_space<vmem>>
      %dma_wait3A_785 = arith.constant 0 : i32
      %dma_wait3A_786 = tpu.memref_slice %arg4[%squeeze3A, %dma_wait3A_785] : memref<1000000x32xf32, #tpu.memory_space<hbm>> -> memref<1x32xf32, #tpu.memory_space<hbm>>
      %dma_wait3A_787 = arith.constant 0 : i32
      %dma_wait3A_788 = arith.constant 0 : i32
      %dma_wait3A_789 = tpu.memref_slice %arg10[%dma_wait3A_787, %dma_wait3A_788] : memref<32x32xf32, #tpu.memory_space<vmem>> -> memref<1x32xf32, #tpu.memory_space<vmem>>
      %dma_wait3A_790 = arith.constant 0 : i32
      %dma_wait3A_791 = tpu.memref_slice %arg4[%squeeze3A, %dma_wait3A_790] : memref<1000000x32xf32, #tpu.memory_space<hbm>> -> memref<1x32xf32, #tpu.memory_space<hbm>>
      tpu.wait_dma2 semaphore(%arg12 : memref<!tpu.dma_semaphore, #tpu.memory_space<semaphore_mem>>) src(%dma_wait3A_791 : memref<1x32xf32, #tpu.memory_space<hbm>>) dst(%dma_wait3A_789 : memref<1x32xf32, #tpu.memory_space<vmem>>)
      %dma_wait3A_792 = arith.constant 0 : i32
      %dma_wait3A_793 = arith.constant 0 : i32
      %dma_wait3A_794 = tpu.memref_slice %arg11[%dma_wait3A_792, %dma_wait3A_793] : memref<32x32xf32, #tpu.memory_space<vmem>> -> memref<1x32xf32, #tpu.memory_space<vmem>>
      %dma_wait3A_795 = arith.constant 0 : i32
      %dma_wait3A_796 = tpu.memref_slice %arg5[%squeeze3A_28, %dma_wait3A_795] : memref<1000000x32xf32, #tpu.memory_space<hbm>> -> memref<1x32xf32, #tpu.memory_space<hbm>>
      %dma_wait3A_797 = arith.constant 0 : i32
      %dma_wait3A_798 = arith.constant 0 : i32
      %dma_wait3A_799 = tpu.memref_slice %arg11[%dma_wait3A_797, %dma_wait3A_798] : memref<32x32xf32, #tpu.memory_space<vmem>> -> memref<1x32xf32, #tpu.memory_space<vmem>>
      %dma_wait3A_800 = arith.constant 0 : i32
      %dma_wait3A_801 = tpu.memref_slice %arg5[%squeeze3A_28, %dma_wait3A_800] : memref<1000000x32xf32, #tpu.memory_space<hbm>> -> memref<1x32xf32, #tpu.memory_space<hbm>>
      tpu.wait_dma2 semaphore(%arg13 : memref<!tpu.dma_semaphore, #tpu.memory_space<semaphore_mem>>) src(%dma_wait3A_801 : memref<1x32xf32, #tpu.memory_space<hbm>>) dst(%dma_wait3A_799 : memref<1x32xf32, #tpu.memory_space<vmem>>)
      %dma_wait3A_802 = arith.constant 1 : i32
      %dma_wait3A_803 = arith.constant 0 : i32
      %dma_wait3A_804 = tpu.memref_slice %arg10[%dma_wait3A_802, %dma_wait3A_803] : memref<32x32xf32, #tpu.memory_space<vmem>> -> memref<1x32xf32, #tpu.memory_space<vmem>>
      %dma_wait3A_805 = arith.constant 0 : i32
      %dma_wait3A_806 = tpu.memref_slice %arg4[%squeeze3A_40, %dma_wait3A_805] : memref<1000000x32xf32, #tpu.memory_space<hbm>> -> memref<1x32xf32, #tpu.memory_space<hbm>>
      %dma_wait3A_807 = arith.constant 1 : i32
      %dma_wait3A_808 = arith.constant 0 : i32
      %dma_wait3A_809 = tpu.memref_slice %arg10[%dma_wait3A_807, %dma_wait3A_808] : memref<32x32xf32, #tpu.memory_space<vmem>> -> memref<1x32xf32, #tpu.memory_space<vmem>>
      %dma_wait3A_810 = arith.constant 0 : i32
      %dma_wait3A_811 = tpu.memref_slice %arg4[%squeeze3A_40, %dma_wait3A_810] : memref<1000000x32xf32, #tpu.memory_space<hbm>> -> memref<1x32xf32, #tpu.memory_space<hbm>>
      tpu.wait_dma2 semaphore(%arg12 : memref<!tpu.dma_semaphore, #tpu.memory_space<semaphore_mem>>) src(%dma_wait3A_811 : memref<1x32xf32, #tpu.memory_space<hbm>>) dst(%dma_wait3A_809 : memref<1x32xf32, #tpu.memory_space<vmem>>)
      %dma_wait3A_812 = arith.constant 1 : i32
      %dma_wait3A_813 = arith.constant 0 : i32
      %dma_wait3A_814 = tpu.memref_slice %arg11[%dma_wait3A_812, %dma_wait3A_813] : memref<32x32xf32, #tpu.memory_space<vmem>> -> memref<1x32xf32, #tpu.memory_space<vmem>>
      %dma_wait3A_815 = arith.constant 0 : i32
      %dma_wait3A_816 = tpu.memref_slice %arg5[%squeeze3A_52, %dma_wait3A_815] : memref<1000000x32xf32, #tpu.memory_space<hbm>> -> memref<1x32xf32, #tpu.memory_space<hbm>>
      %dma_wait3A_817 = arith.constant 1 : i32
      %dma_wait3A_818 = arith.constant 0 : i32
      %dma_wait3A_819 = tpu.memref_slice %arg11[%dma_wait3A_817, %dma_wait3A_818] : memref<32x32xf32, #tpu.memory_space<vmem>> -> memref<1x32xf32, #tpu.memory_space<vmem>>
      %dma_wait3A_820 = arith.constant 0 : i32
      %dma_wait3A_821 = tpu.memref_slice %arg5[%squeeze3A_52, %dma_wait3A_820] : memref<1000000x32xf32, #tpu.memory_space<hbm>> -> memref<1x32xf32, #tpu.memory_space<hbm>>
      tpu.wait_dma2 semaphore(%arg13 : memref<!tpu.dma_semaphore, #tpu.memory_space<semaphore_mem>>) src(%dma_wait3A_821 : memref<1x32xf32, #tpu.memory_space<hbm>>) dst(%dma_wait3A_819 : memref<1x32xf32, #tpu.memory_space<vmem>>)
      %dma_wait3A_822 = arith.constant 2 : i32
      %dma_wait3A_823 = arith.constant 0 : i32
      %dma_wait3A_824 = tpu.memref_slice %arg10[%dma_wait3A_822, %dma_wait3A_823] : memref<32x32xf32, #tpu.memory_space<vmem>> -> memref<1x32xf32, #tpu.memory_space<vmem>>
      %dma_wait3A_825 = arith.constant 0 : i32
      %dma_wait3A_826 = tpu.memref_slice %arg4[%squeeze3A_64, %dma_wait3A_825] : memref<1000000x32xf32, #tpu.memory_space<hbm>> -> memref<1x32xf32, #tpu.memory_space<hbm>>
      %dma_wait3A_827 = arith.constant 2 : i32
      %dma_wait3A_828 = arith.constant 0 : i32
      %dma_wait3A_829 = tpu.memref_slice %arg10[%dma_wait3A_827, %dma_wait3A_828] : memref<32x32xf32, #tpu.memory_space<vmem>> -> memref<1x32xf32, #tpu.memory_space<vmem>>
      %dma_wait3A_830 = arith.constant 0 : i32
      %dma_wait3A_831 = tpu.memref_slice %arg4[%squeeze3A_64, %dma_wait3A_830] : memref<1000000x32xf32, #tpu.memory_space<hbm>> -> memref<1x32xf32, #tpu.memory_space<hbm>>
      tpu.wait_dma2 semaphore(%arg12 : memref<!tpu.dma_semaphore, #tpu.memory_space<semaphore_mem>>) src(%dma_wait3A_831 : memref<1x32xf32, #tpu.memory_space<hbm>>) dst(%dma_wait3A_829 : memref<1x32xf32, #tpu.memory_space<vmem>>)
      %dma_wait3A_832 = arith.constant 2 : i32
      %dma_wait3A_833 = arith.constant 0 : i32
      %dma_wait3A_834 = tpu.memref_slice %arg11[%dma_wait3A_832, %dma_wait3A_833] : memref<32x32xf32, #tpu.memory_space<vmem>> -> memref<1x32xf32, #tpu.memory_space<vmem>>
      %dma_wait3A_835 = arith.constant 0 : i32
      %dma_wait3A_836 = tpu.memref_slice %arg5[%squeeze3A_76, %dma_wait3A_835] : memref<1000000x32xf32, #tpu.memory_space<hbm>> -> memref<1x32xf32, #tpu.memory_space<hbm>>
      %dma_wait3A_837 = arith.constant 2 : i32
      %dma_wait3A_838 = arith.constant 0 : i32
      %dma_wait3A_839 = tpu.memref_slice %arg11[%dma_wait3A_837, %dma_wait3A_838] : memref<32x32xf32, #tpu.memory_space<vmem>> -> memref<1x32xf32, #tpu.memory_space<vmem>>
      %dma_wait3A_840 = arith.constant 0 : i32
      %dma_wait3A_841 = tpu.memref_slice %arg5[%squeeze3A_76, %dma_wait3A_840] : memref<1000000x32xf32, #tpu.memory_space<hbm>> -> memref<1x32xf32, #tpu.memory_space<hbm>>
      tpu.wait_dma2 semaphore(%arg13 : memref<!tpu.dma_semaphore, #tpu.memory_space<semaphore_mem>>) src(%dma_wait3A_841 : memref<1x32xf32, #tpu.memory_space<hbm>>) dst(%dma_wait3A_839 : memref<1x32xf32, #tpu.memory_space<vmem>>)
      %dma_wait3A_842 = arith.constant 3 : i32
      %dma_wait3A_843 = arith.constant 0 : i32
      %dma_wait3A_844 = tpu.memref_slice %arg10[%dma_wait3A_842, %dma_wait3A_843] : memref<32x32xf32, #tpu.memory_space<vmem>> -> memref<1x32xf32, #tpu.memory_space<vmem>>
      %dma_wait3A_845 = arith.constant 0 : i32
      %dma_wait3A_846 = tpu.memref_slice %arg4[%squeeze3A_88, %dma_wait3A_845] : memref<1000000x32xf32, #tpu.memory_space<hbm>> -> memref<1x32xf32, #tpu.memory_space<hbm>>
      %dma_wait3A_847 = arith.constant 3 : i32
      %dma_wait3A_848 = arith.constant 0 : i32
      %dma_wait3A_849 = tpu.memref_slice %arg10[%dma_wait3A_847, %dma_wait3A_848] : memref<32x32xf32, #tpu.memory_space<vmem>> -> memref<1x32xf32, #tpu.memory_space<vmem>>
      %dma_wait3A_850 = arith.constant 0 : i32
      %dma_wait3A_851 = tpu.memref_slice %arg4[%squeeze3A_88, %dma_wait3A_850] : memref<1000000x32xf32, #tpu.memory_space<hbm>> -> memref<1x32xf32, #tpu.memory_space<hbm>>
      tpu.wait_dma2 semaphore(%arg12 : memref<!tpu.dma_semaphore, #tpu.memory_space<semaphore_mem>>) src(%dma_wait3A_851 : memref<1x32xf32, #tpu.memory_space<hbm>>) dst(%dma_wait3A_849 : memref<1x32xf32, #tpu.memory_space<vmem>>)
      %dma_wait3A_852 = arith.constant 3 : i32
      %dma_wait3A_853 = arith.constant 0 : i32
      %dma_wait3A_854 = tpu.memref_slice %arg11[%dma_wait3A_852, %dma_wait3A_853] : memref<32x32xf32, #tpu.memory_space<vmem>> -> memref<1x32xf32, #tpu.memory_space<vmem>>
      %dma_wait3A_855 = arith.constant 0 : i32
      %dma_wait3A_856 = tpu.memref_slice %arg5[%squeeze3A_100, %dma_wait3A_855] : memref<1000000x32xf32, #tpu.memory_space<hbm>> -> memref<1x32xf32, #tpu.memory_space<hbm>>
      %dma_wait3A_857 = arith.constant 3 : i32
      %dma_wait3A_858 = arith.constant 0 : i32
      %dma_wait3A_859 = tpu.memref_slice %arg11[%dma_wait3A_857, %dma_wait3A_858] : memref<32x32xf32, #tpu.memory_space<vmem>> -> memref<1x32xf32, #tpu.memory_space<vmem>>
      %dma_wait3A_860 = arith.constant 0 : i32
      %dma_wait3A_861 = tpu.memref_slice %arg5[%squeeze3A_100, %dma_wait3A_860] : memref<1000000x32xf32, #tpu.memory_space<hbm>> -> memref<1x32xf32, #tpu.memory_space<hbm>>
      tpu.wait_dma2 semaphore(%arg13 : memref<!tpu.dma_semaphore, #tpu.memory_space<semaphore_mem>>) src(%dma_wait3A_861 : memref<1x32xf32, #tpu.memory_space<hbm>>) dst(%dma_wait3A_859 : memref<1x32xf32, #tpu.memory_space<vmem>>)
      %dma_wait3A_862 = arith.constant 4 : i32
      %dma_wait3A_863 = arith.constant 0 : i32
      %dma_wait3A_864 = tpu.memref_slice %arg10[%dma_wait3A_862, %dma_wait3A_863] : memref<32x32xf32, #tpu.memory_space<vmem>> -> memref<1x32xf32, #tpu.memory_space<vmem>>
      %dma_wait3A_865 = arith.constant 0 : i32
      %dma_wait3A_866 = tpu.memref_slice %arg4[%squeeze3A_112, %dma_wait3A_865] : memref<1000000x32xf32, #tpu.memory_space<hbm>> -> memref<1x32xf32, #tpu.memory_space<hbm>>
      %dma_wait3A_867 = arith.constant 4 : i32
      %dma_wait3A_868 = arith.constant 0 : i32
      %dma_wait3A_869 = tpu.memref_slice %arg10[%dma_wait3A_867, %dma_wait3A_868] : memref<32x32xf32, #tpu.memory_space<vmem>> -> memref<1x32xf32, #tpu.memory_space<vmem>>
      %dma_wait3A_870 = arith.constant 0 : i32
      %dma_wait3A_871 = tpu.memref_slice %arg4[%squeeze3A_112, %dma_wait3A_870] : memref<1000000x32xf32, #tpu.memory_space<hbm>> -> memref<1x32xf32, #tpu.memory_space<hbm>>
      tpu.wait_dma2 semaphore(%arg12 : memref<!tpu.dma_semaphore, #tpu.memory_space<semaphore_mem>>) src(%dma_wait3A_871 : memref<1x32xf32, #tpu.memory_space<hbm>>) dst(%dma_wait3A_869 : memref<1x32xf32, #tpu.memory_space<vmem>>)
      %dma_wait3A_872 = arith.constant 4 : i32
      %dma_wait3A_873 = arith.constant 0 : i32
      %dma_wait3A_874 = tpu.memref_slice %arg11[%dma_wait3A_872, %dma_wait3A_873] : memref<32x32xf32, #tpu.memory_space<vmem>> -> memref<1x32xf32, #tpu.memory_space<vmem>>
      %dma_wait3A_875 = arith.constant 0 : i32
      %dma_wait3A_876 = tpu.memref_slice %arg5[%squeeze3A_124, %dma_wait3A_875] : memref<1000000x32xf32, #tpu.memory_space<hbm>> -> memref<1x32xf32, #tpu.memory_space<hbm>>
      %dma_wait3A_877 = arith.constant 4 : i32
      %dma_wait3A_878 = arith.constant 0 : i32
      %dma_wait3A_879 = tpu.memref_slice %arg11[%dma_wait3A_877, %dma_wait3A_878] : memref<32x32xf32, #tpu.memory_space<vmem>> -> memref<1x32xf32, #tpu.memory_space<vmem>>
      %dma_wait3A_880 = arith.constant 0 : i32
      %dma_wait3A_881 = tpu.memref_slice %arg5[%squeeze3A_124, %dma_wait3A_880] : memref<1000000x32xf32, #tpu.memory_space<hbm>> -> memref<1x32xf32, #tpu.memory_space<hbm>>
      tpu.wait_dma2 semaphore(%arg13 : memref<!tpu.dma_semaphore, #tpu.memory_space<semaphore_mem>>) src(%dma_wait3A_881 : memref<1x32xf32, #tpu.memory_space<hbm>>) dst(%dma_wait3A_879 : memref<1x32xf32, #tpu.memory_space<vmem>>)
      %dma_wait3A_882 = arith.constant 5 : i32
      %dma_wait3A_883 = arith.constant 0 : i32
      %dma_wait3A_884 = tpu.memref_slice %arg10[%dma_wait3A_882, %dma_wait3A_883] : memref<32x32xf32, #tpu.memory_space<vmem>> -> memref<1x32xf32, #tpu.memory_space<vmem>>
      %dma_wait3A_885 = arith.constant 0 : i32
      %dma_wait3A_886 = tpu.memref_slice %arg4[%squeeze3A_136, %dma_wait3A_885] : memref<1000000x32xf32, #tpu.memory_space<hbm>> -> memref<1x32xf32, #tpu.memory_space<hbm>>
      %dma_wait3A_887 = arith.constant 5 : i32
      %dma_wait3A_888 = arith.constant 0 : i32
      %dma_wait3A_889 = tpu.memref_slice %arg10[%dma_wait3A_887, %dma_wait3A_888] : memref<32x32xf32, #tpu.memory_space<vmem>> -> memref<1x32xf32, #tpu.memory_space<vmem>>
      %dma_wait3A_890 = arith.constant 0 : i32
      %dma_wait3A_891 = tpu.memref_slice %arg4[%squeeze3A_136, %dma_wait3A_890] : memref<1000000x32xf32, #tpu.memory_space<hbm>> -> memref<1x32xf32, #tpu.memory_space<hbm>>
      tpu.wait_dma2 semaphore(%arg12 : memref<!tpu.dma_semaphore, #tpu.memory_space<semaphore_mem>>) src(%dma_wait3A_891 : memref<1x32xf32, #tpu.memory_space<hbm>>) dst(%dma_wait3A_889 : memref<1x32xf32, #tpu.memory_space<vmem>>)
      %dma_wait3A_892 = arith.constant 5 : i32
      %dma_wait3A_893 = arith.constant 0 : i32
      %dma_wait3A_894 = tpu.memref_slice %arg11[%dma_wait3A_892, %dma_wait3A_893] : memref<32x32xf32, #tpu.memory_space<vmem>> -> memref<1x32xf32, #tpu.memory_space<vmem>>
      %dma_wait3A_895 = arith.constant 0 : i32
      %dma_wait3A_896 = tpu.memref_slice %arg5[%squeeze3A_148, %dma_wait3A_895] : memref<1000000x32xf32, #tpu.memory_space<hbm>> -> memref<1x32xf32, #tpu.memory_space<hbm>>
      %dma_wait3A_897 = arith.constant 5 : i32
      %dma_wait3A_898 = arith.constant 0 : i32
      %dma_wait3A_899 = tpu.memref_slice %arg11[%dma_wait3A_897, %dma_wait3A_898] : memref<32x32xf32, #tpu.memory_space<vmem>> -> memref<1x32xf32, #tpu.memory_space<vmem>>
      %dma_wait3A_900 = arith.constant 0 : i32
      %dma_wait3A_901 = tpu.memref_slice %arg5[%squeeze3A_148, %dma_wait3A_900] : memref<1000000x32xf32, #tpu.memory_space<hbm>> -> memref<1x32xf32, #tpu.memory_space<hbm>>
      tpu.wait_dma2 semaphore(%arg13 : memref<!tpu.dma_semaphore, #tpu.memory_space<semaphore_mem>>) src(%dma_wait3A_901 : memref<1x32xf32, #tpu.memory_space<hbm>>) dst(%dma_wait3A_899 : memref<1x32xf32, #tpu.memory_space<vmem>>)
      %dma_wait3A_902 = arith.constant 6 : i32
      %dma_wait3A_903 = arith.constant 0 : i32
      %dma_wait3A_904 = tpu.memref_slice %arg10[%dma_wait3A_902, %dma_wait3A_903] : memref<32x32xf32, #tpu.memory_space<vmem>> -> memref<1x32xf32, #tpu.memory_space<vmem>>
      %dma_wait3A_905 = arith.constant 0 : i32
      %dma_wait3A_906 = tpu.memref_slice %arg4[%squeeze3A_160, %dma_wait3A_905] : memref<1000000x32xf32, #tpu.memory_space<hbm>> -> memref<1x32xf32, #tpu.memory_space<hbm>>
      %dma_wait3A_907 = arith.constant 6 : i32
      %dma_wait3A_908 = arith.constant 0 : i32
      %dma_wait3A_909 = tpu.memref_slice %arg10[%dma_wait3A_907, %dma_wait3A_908] : memref<32x32xf32, #tpu.memory_space<vmem>> -> memref<1x32xf32, #tpu.memory_space<vmem>>
      %dma_wait3A_910 = arith.constant 0 : i32
      %dma_wait3A_911 = tpu.memref_slice %arg4[%squeeze3A_160, %dma_wait3A_910] : memref<1000000x32xf32, #tpu.memory_space<hbm>> -> memref<1x32xf32, #tpu.memory_space<hbm>>
      tpu.wait_dma2 semaphore(%arg12 : memref<!tpu.dma_semaphore, #tpu.memory_space<semaphore_mem>>) src(%dma_wait3A_911 : memref<1x32xf32, #tpu.memory_space<hbm>>) dst(%dma_wait3A_909 : memref<1x32xf32, #tpu.memory_space<vmem>>)
      %dma_wait3A_912 = arith.constant 6 : i32
      %dma_wait3A_913 = arith.constant 0 : i32
      %dma_wait3A_914 = tpu.memref_slice %arg11[%dma_wait3A_912, %dma_wait3A_913] : memref<32x32xf32, #tpu.memory_space<vmem>> -> memref<1x32xf32, #tpu.memory_space<vmem>>
      %dma_wait3A_915 = arith.constant 0 : i32
      %dma_wait3A_916 = tpu.memref_slice %arg5[%squeeze3A_172, %dma_wait3A_915] : memref<1000000x32xf32, #tpu.memory_space<hbm>> -> memref<1x32xf32, #tpu.memory_space<hbm>>
      %dma_wait3A_917 = arith.constant 6 : i32
      %dma_wait3A_918 = arith.constant 0 : i32
      %dma_wait3A_919 = tpu.memref_slice %arg11[%dma_wait3A_917, %dma_wait3A_918] : memref<32x32xf32, #tpu.memory_space<vmem>> -> memref<1x32xf32, #tpu.memory_space<vmem>>
      %dma_wait3A_920 = arith.constant 0 : i32
      %dma_wait3A_921 = tpu.memref_slice %arg5[%squeeze3A_172, %dma_wait3A_920] : memref<1000000x32xf32, #tpu.memory_space<hbm>> -> memref<1x32xf32, #tpu.memory_space<hbm>>
      tpu.wait_dma2 semaphore(%arg13 : memref<!tpu.dma_semaphore, #tpu.memory_space<semaphore_mem>>) src(%dma_wait3A_921 : memref<1x32xf32, #tpu.memory_space<hbm>>) dst(%dma_wait3A_919 : memref<1x32xf32, #tpu.memory_space<vmem>>)
      %dma_wait3A_922 = arith.constant 7 : i32
      %dma_wait3A_923 = arith.constant 0 : i32
      %dma_wait3A_924 = tpu.memref_slice %arg10[%dma_wait3A_922, %dma_wait3A_923] : memref<32x32xf32, #tpu.memory_space<vmem>> -> memref<1x32xf32, #tpu.memory_space<vmem>>
      %dma_wait3A_925 = arith.constant 0 : i32
      %dma_wait3A_926 = tpu.memref_slice %arg4[%squeeze3A_184, %dma_wait3A_925] : memref<1000000x32xf32, #tpu.memory_space<hbm>> -> memref<1x32xf32, #tpu.memory_space<hbm>>
      %dma_wait3A_927 = arith.constant 7 : i32
      %dma_wait3A_928 = arith.constant 0 : i32
      %dma_wait3A_929 = tpu.memref_slice %arg10[%dma_wait3A_927, %dma_wait3A_928] : memref<32x32xf32, #tpu.memory_space<vmem>> -> memref<1x32xf32, #tpu.memory_space<vmem>>
      %dma_wait3A_930 = arith.constant 0 : i32
      %dma_wait3A_931 = tpu.memref_slice %arg4[%squeeze3A_184, %dma_wait3A_930] : memref<1000000x32xf32, #tpu.memory_space<hbm>> -> memref<1x32xf32, #tpu.memory_space<hbm>>
      tpu.wait_dma2 semaphore(%arg12 : memref<!tpu.dma_semaphore, #tpu.memory_space<semaphore_mem>>) src(%dma_wait3A_931 : memref<1x32xf32, #tpu.memory_space<hbm>>) dst(%dma_wait3A_929 : memref<1x32xf32, #tpu.memory_space<vmem>>)
      %dma_wait3A_932 = arith.constant 7 : i32
      %dma_wait3A_933 = arith.constant 0 : i32
      %dma_wait3A_934 = tpu.memref_slice %arg11[%dma_wait3A_932, %dma_wait3A_933] : memref<32x32xf32, #tpu.memory_space<vmem>> -> memref<1x32xf32, #tpu.memory_space<vmem>>
      %dma_wait3A_935 = arith.constant 0 : i32
      %dma_wait3A_936 = tpu.memref_slice %arg5[%squeeze3A_196, %dma_wait3A_935] : memref<1000000x32xf32, #tpu.memory_space<hbm>> -> memref<1x32xf32, #tpu.memory_space<hbm>>
      %dma_wait3A_937 = arith.constant 7 : i32
      %dma_wait3A_938 = arith.constant 0 : i32
      %dma_wait3A_939 = tpu.memref_slice %arg11[%dma_wait3A_937, %dma_wait3A_938] : memref<32x32xf32, #tpu.memory_space<vmem>> -> memref<1x32xf32, #tpu.memory_space<vmem>>
      %dma_wait3A_940 = arith.constant 0 : i32
      %dma_wait3A_941 = tpu.memref_slice %arg5[%squeeze3A_196, %dma_wait3A_940] : memref<1000000x32xf32, #tpu.memory_space<hbm>> -> memref<1x32xf32, #tpu.memory_space<hbm>>
      tpu.wait_dma2 semaphore(%arg13 : memref<!tpu.dma_semaphore, #tpu.memory_space<semaphore_mem>>) src(%dma_wait3A_941 : memref<1x32xf32, #tpu.memory_space<hbm>>) dst(%dma_wait3A_939 : memref<1x32xf32, #tpu.memory_space<vmem>>)
      %dma_wait3A_942 = arith.constant 8 : i32
      %dma_wait3A_943 = arith.constant 0 : i32
      %dma_wait3A_944 = tpu.memref_slice %arg10[%dma_wait3A_942, %dma_wait3A_943] : memref<32x32xf32, #tpu.memory_space<vmem>> -> memref<1x32xf32, #tpu.memory_space<vmem>>
      %dma_wait3A_945 = arith.constant 0 : i32
      %dma_wait3A_946 = tpu.memref_slice %arg4[%squeeze3A_208, %dma_wait3A_945] : memref<1000000x32xf32, #tpu.memory_space<hbm>> -> memref<1x32xf32, #tpu.memory_space<hbm>>
      %dma_wait3A_947 = arith.constant 8 : i32
      %dma_wait3A_948 = arith.constant 0 : i32
      %dma_wait3A_949 = tpu.memref_slice %arg10[%dma_wait3A_947, %dma_wait3A_948] : memref<32x32xf32, #tpu.memory_space<vmem>> -> memref<1x32xf32, #tpu.memory_space<vmem>>
      %dma_wait3A_950 = arith.constant 0 : i32
      %dma_wait3A_951 = tpu.memref_slice %arg4[%squeeze3A_208, %dma_wait3A_950] : memref<1000000x32xf32, #tpu.memory_space<hbm>> -> memref<1x32xf32, #tpu.memory_space<hbm>>
      tpu.wait_dma2 semaphore(%arg12 : memref<!tpu.dma_semaphore, #tpu.memory_space<semaphore_mem>>) src(%dma_wait3A_951 : memref<1x32xf32, #tpu.memory_space<hbm>>) dst(%dma_wait3A_949 : memref<1x32xf32, #tpu.memory_space<vmem>>)
      %dma_wait3A_952 = arith.constant 8 : i32
      %dma_wait3A_953 = arith.constant 0 : i32
      %dma_wait3A_954 = tpu.memref_slice %arg11[%dma_wait3A_952, %dma_wait3A_953] : memref<32x32xf32, #tpu.memory_space<vmem>> -> memref<1x32xf32, #tpu.memory_space<vmem>>
      %dma_wait3A_955 = arith.constant 0 : i32
      %dma_wait3A_956 = tpu.memref_slice %arg5[%squeeze3A_220, %dma_wait3A_955] : memref<1000000x32xf32, #tpu.memory_space<hbm>> -> memref<1x32xf32, #tpu.memory_space<hbm>>
      %dma_wait3A_957 = arith.constant 8 : i32
      %dma_wait3A_958 = arith.constant 0 : i32
      %dma_wait3A_959 = tpu.memref_slice %arg11[%dma_wait3A_957, %dma_wait3A_958] : memref<32x32xf32, #tpu.memory_space<vmem>> -> memref<1x32xf32, #tpu.memory_space<vmem>>
      %dma_wait3A_960 = arith.constant 0 : i32
      %dma_wait3A_961 = tpu.memref_slice %arg5[%squeeze3A_220, %dma_wait3A_960] : memref<1000000x32xf32, #tpu.memory_space<hbm>> -> memref<1x32xf32, #tpu.memory_space<hbm>>
      tpu.wait_dma2 semaphore(%arg13 : memref<!tpu.dma_semaphore, #tpu.memory_space<semaphore_mem>>) src(%dma_wait3A_961 : memref<1x32xf32, #tpu.memory_space<hbm>>) dst(%dma_wait3A_959 : memref<1x32xf32, #tpu.memory_space<vmem>>)
      %dma_wait3A_962 = arith.constant 9 : i32
      %dma_wait3A_963 = arith.constant 0 : i32
      %dma_wait3A_964 = tpu.memref_slice %arg10[%dma_wait3A_962, %dma_wait3A_963] : memref<32x32xf32, #tpu.memory_space<vmem>> -> memref<1x32xf32, #tpu.memory_space<vmem>>
      %dma_wait3A_965 = arith.constant 0 : i32
      %dma_wait3A_966 = tpu.memref_slice %arg4[%squeeze3A_232, %dma_wait3A_965] : memref<1000000x32xf32, #tpu.memory_space<hbm>> -> memref<1x32xf32, #tpu.memory_space<hbm>>
      %dma_wait3A_967 = arith.constant 9 : i32
      %dma_wait3A_968 = arith.constant 0 : i32
      %dma_wait3A_969 = tpu.memref_slice %arg10[%dma_wait3A_967, %dma_wait3A_968] : memref<32x32xf32, #tpu.memory_space<vmem>> -> memref<1x32xf32, #tpu.memory_space<vmem>>
      %dma_wait3A_970 = arith.constant 0 : i32
      %dma_wait3A_971 = tpu.memref_slice %arg4[%squeeze3A_232, %dma_wait3A_970] : memref<1000000x32xf32, #tpu.memory_space<hbm>> -> memref<1x32xf32, #tpu.memory_space<hbm>>
      tpu.wait_dma2 semaphore(%arg12 : memref<!tpu.dma_semaphore, #tpu.memory_space<semaphore_mem>>) src(%dma_wait3A_971 : memref<1x32xf32, #tpu.memory_space<hbm>>) dst(%dma_wait3A_969 : memref<1x32xf32, #tpu.memory_space<vmem>>)
      %dma_wait3A_972 = arith.constant 9 : i32
      %dma_wait3A_973 = arith.constant 0 : i32
      %dma_wait3A_974 = tpu.memref_slice %arg11[%dma_wait3A_972, %dma_wait3A_973] : memref<32x32xf32, #tpu.memory_space<vmem>> -> memref<1x32xf32, #tpu.memory_space<vmem>>
      %dma_wait3A_975 = arith.constant 0 : i32
      %dma_wait3A_976 = tpu.memref_slice %arg5[%squeeze3A_244, %dma_wait3A_975] : memref<1000000x32xf32, #tpu.memory_space<hbm>> -> memref<1x32xf32, #tpu.memory_space<hbm>>
      %dma_wait3A_977 = arith.constant 9 : i32
      %dma_wait3A_978 = arith.constant 0 : i32
      %dma_wait3A_979 = tpu.memref_slice %arg11[%dma_wait3A_977, %dma_wait3A_978] : memref<32x32xf32, #tpu.memory_space<vmem>> -> memref<1x32xf32, #tpu.memory_space<vmem>>
      %dma_wait3A_980 = arith.constant 0 : i32
      %dma_wait3A_981 = tpu.memref_slice %arg5[%squeeze3A_244, %dma_wait3A_980] : memref<1000000x32xf32, #tpu.memory_space<hbm>> -> memref<1x32xf32, #tpu.memory_space<hbm>>
      tpu.wait_dma2 semaphore(%arg13 : memref<!tpu.dma_semaphore, #tpu.memory_space<semaphore_mem>>) src(%dma_wait3A_981 : memref<1x32xf32, #tpu.memory_space<hbm>>) dst(%dma_wait3A_979 : memref<1x32xf32, #tpu.memory_space<vmem>>)
      %dma_wait3A_982 = arith.constant 10 : i32
      %dma_wait3A_983 = arith.constant 0 : i32
      %dma_wait3A_984 = tpu.memref_slice %arg10[%dma_wait3A_982, %dma_wait3A_983] : memref<32x32xf32, #tpu.memory_space<vmem>> -> memref<1x32xf32, #tpu.memory_space<vmem>>
      %dma_wait3A_985 = arith.constant 0 : i32
      %dma_wait3A_986 = tpu.memref_slice %arg4[%squeeze3A_256, %dma_wait3A_985] : memref<1000000x32xf32, #tpu.memory_space<hbm>> -> memref<1x32xf32, #tpu.memory_space<hbm>>
      %dma_wait3A_987 = arith.constant 10 : i32
      %dma_wait3A_988 = arith.constant 0 : i32
      %dma_wait3A_989 = tpu.memref_slice %arg10[%dma_wait3A_987, %dma_wait3A_988] : memref<32x32xf32, #tpu.memory_space<vmem>> -> memref<1x32xf32, #tpu.memory_space<vmem>>
      %dma_wait3A_990 = arith.constant 0 : i32
      %dma_wait3A_991 = tpu.memref_slice %arg4[%squeeze3A_256, %dma_wait3A_990] : memref<1000000x32xf32, #tpu.memory_space<hbm>> -> memref<1x32xf32, #tpu.memory_space<hbm>>
      tpu.wait_dma2 semaphore(%arg12 : memref<!tpu.dma_semaphore, #tpu.memory_space<semaphore_mem>>) src(%dma_wait3A_991 : memref<1x32xf32, #tpu.memory_space<hbm>>) dst(%dma_wait3A_989 : memref<1x32xf32, #tpu.memory_space<vmem>>)
      %dma_wait3A_992 = arith.constant 10 : i32
      %dma_wait3A_993 = arith.constant 0 : i32
      %dma_wait3A_994 = tpu.memref_slice %arg11[%dma_wait3A_992, %dma_wait3A_993] : memref<32x32xf32, #tpu.memory_space<vmem>> -> memref<1x32xf32, #tpu.memory_space<vmem>>
      %dma_wait3A_995 = arith.constant 0 : i32
      %dma_wait3A_996 = tpu.memref_slice %arg5[%squeeze3A_268, %dma_wait3A_995] : memref<1000000x32xf32, #tpu.memory_space<hbm>> -> memref<1x32xf32, #tpu.memory_space<hbm>>
      %dma_wait3A_997 = arith.constant 10 : i32
      %dma_wait3A_998 = arith.constant 0 : i32
      %dma_wait3A_999 = tpu.memref_slice %arg11[%dma_wait3A_997, %dma_wait3A_998] : memref<32x32xf32, #tpu.memory_space<vmem>> -> memref<1x32xf32, #tpu.memory_space<vmem>>
      %dma_wait3A_1000 = arith.constant 0 : i32
      %dma_wait3A_1001 = tpu.memref_slice %arg5[%squeeze3A_268, %dma_wait3A_1000] : memref<1000000x32xf32, #tpu.memory_space<hbm>> -> memref<1x32xf32, #tpu.memory_space<hbm>>
      tpu.wait_dma2 semaphore(%arg13 : memref<!tpu.dma_semaphore, #tpu.memory_space<semaphore_mem>>) src(%dma_wait3A_1001 : memref<1x32xf32, #tpu.memory_space<hbm>>) dst(%dma_wait3A_999 : memref<1x32xf32, #tpu.memory_space<vmem>>)
      %dma_wait3A_1002 = arith.constant 11 : i32
      %dma_wait3A_1003 = arith.constant 0 : i32
      %dma_wait3A_1004 = tpu.memref_slice %arg10[%dma_wait3A_1002, %dma_wait3A_1003] : memref<32x32xf32, #tpu.memory_space<vmem>> -> memref<1x32xf32, #tpu.memory_space<vmem>>
      %dma_wait3A_1005 = arith.constant 0 : i32
      %dma_wait3A_1006 = tpu.memref_slice %arg4[%squeeze3A_280, %dma_wait3A_1005] : memref<1000000x32xf32, #tpu.memory_space<hbm>> -> memref<1x32xf32, #tpu.memory_space<hbm>>
      %dma_wait3A_1007 = arith.constant 11 : i32
      %dma_wait3A_1008 = arith.constant 0 : i32
      %dma_wait3A_1009 = tpu.memref_slice %arg10[%dma_wait3A_1007, %dma_wait3A_1008] : memref<32x32xf32, #tpu.memory_space<vmem>> -> memref<1x32xf32, #tpu.memory_space<vmem>>
      %dma_wait3A_1010 = arith.constant 0 : i32
      %dma_wait3A_1011 = tpu.memref_slice %arg4[%squeeze3A_280, %dma_wait3A_1010] : memref<1000000x32xf32, #tpu.memory_space<hbm>> -> memref<1x32xf32, #tpu.memory_space<hbm>>
      tpu.wait_dma2 semaphore(%arg12 : memref<!tpu.dma_semaphore, #tpu.memory_space<semaphore_mem>>) src(%dma_wait3A_1011 : memref<1x32xf32, #tpu.memory_space<hbm>>) dst(%dma_wait3A_1009 : memref<1x32xf32, #tpu.memory_space<vmem>>)
      %dma_wait3A_1012 = arith.constant 11 : i32
      %dma_wait3A_1013 = arith.constant 0 : i32
      %dma_wait3A_1014 = tpu.memref_slice %arg11[%dma_wait3A_1012, %dma_wait3A_1013] : memref<32x32xf32, #tpu.memory_space<vmem>> -> memref<1x32xf32, #tpu.memory_space<vmem>>
      %dma_wait3A_1015 = arith.constant 0 : i32
      %dma_wait3A_1016 = tpu.memref_slice %arg5[%squeeze3A_292, %dma_wait3A_1015] : memref<1000000x32xf32, #tpu.memory_space<hbm>> -> memref<1x32xf32, #tpu.memory_space<hbm>>
      %dma_wait3A_1017 = arith.constant 11 : i32
      %dma_wait3A_1018 = arith.constant 0 : i32
      %dma_wait3A_1019 = tpu.memref_slice %arg11[%dma_wait3A_1017, %dma_wait3A_1018] : memref<32x32xf32, #tpu.memory_space<vmem>> -> memref<1x32xf32, #tpu.memory_space<vmem>>
      %dma_wait3A_1020 = arith.constant 0 : i32
      %dma_wait3A_1021 = tpu.memref_slice %arg5[%squeeze3A_292, %dma_wait3A_1020] : memref<1000000x32xf32, #tpu.memory_space<hbm>> -> memref<1x32xf32, #tpu.memory_space<hbm>>
      tpu.wait_dma2 semaphore(%arg13 : memref<!tpu.dma_semaphore, #tpu.memory_space<semaphore_mem>>) src(%dma_wait3A_1021 : memref<1x32xf32, #tpu.memory_space<hbm>>) dst(%dma_wait3A_1019 : memref<1x32xf32, #tpu.memory_space<vmem>>)
      %dma_wait3A_1022 = arith.constant 12 : i32
      %dma_wait3A_1023 = arith.constant 0 : i32
      %dma_wait3A_1024 = tpu.memref_slice %arg10[%dma_wait3A_1022, %dma_wait3A_1023] : memref<32x32xf32, #tpu.memory_space<vmem>> -> memref<1x32xf32, #tpu.memory_space<vmem>>
      %dma_wait3A_1025 = arith.constant 0 : i32
      %dma_wait3A_1026 = tpu.memref_slice %arg4[%squeeze3A_304, %dma_wait3A_1025] : memref<1000000x32xf32, #tpu.memory_space<hbm>> -> memref<1x32xf32, #tpu.memory_space<hbm>>
      %dma_wait3A_1027 = arith.constant 12 : i32
      %dma_wait3A_1028 = arith.constant 0 : i32
      %dma_wait3A_1029 = tpu.memref_slice %arg10[%dma_wait3A_1027, %dma_wait3A_1028] : memref<32x32xf32, #tpu.memory_space<vmem>> -> memref<1x32xf32, #tpu.memory_space<vmem>>
      %dma_wait3A_1030 = arith.constant 0 : i32
      %dma_wait3A_1031 = tpu.memref_slice %arg4[%squeeze3A_304, %dma_wait3A_1030] : memref<1000000x32xf32, #tpu.memory_space<hbm>> -> memref<1x32xf32, #tpu.memory_space<hbm>>
      tpu.wait_dma2 semaphore(%arg12 : memref<!tpu.dma_semaphore, #tpu.memory_space<semaphore_mem>>) src(%dma_wait3A_1031 : memref<1x32xf32, #tpu.memory_space<hbm>>) dst(%dma_wait3A_1029 : memref<1x32xf32, #tpu.memory_space<vmem>>)
      %dma_wait3A_1032 = arith.constant 12 : i32
      %dma_wait3A_1033 = arith.constant 0 : i32
      %dma_wait3A_1034 = tpu.memref_slice %arg11[%dma_wait3A_1032, %dma_wait3A_1033] : memref<32x32xf32, #tpu.memory_space<vmem>> -> memref<1x32xf32, #tpu.memory_space<vmem>>
      %dma_wait3A_1035 = arith.constant 0 : i32
      %dma_wait3A_1036 = tpu.memref_slice %arg5[%squeeze3A_316, %dma_wait3A_1035] : memref<1000000x32xf32, #tpu.memory_space<hbm>> -> memref<1x32xf32, #tpu.memory_space<hbm>>
      %dma_wait3A_1037 = arith.constant 12 : i32
      %dma_wait3A_1038 = arith.constant 0 : i32
      %dma_wait3A_1039 = tpu.memref_slice %arg11[%dma_wait3A_1037, %dma_wait3A_1038] : memref<32x32xf32, #tpu.memory_space<vmem>> -> memref<1x32xf32, #tpu.memory_space<vmem>>
      %dma_wait3A_1040 = arith.constant 0 : i32
      %dma_wait3A_1041 = tpu.memref_slice %arg5[%squeeze3A_316, %dma_wait3A_1040] : memref<1000000x32xf32, #tpu.memory_space<hbm>> -> memref<1x32xf32, #tpu.memory_space<hbm>>
      tpu.wait_dma2 semaphore(%arg13 : memref<!tpu.dma_semaphore, #tpu.memory_space<semaphore_mem>>) src(%dma_wait3A_1041 : memref<1x32xf32, #tpu.memory_space<hbm>>) dst(%dma_wait3A_1039 : memref<1x32xf32, #tpu.memory_space<vmem>>)
      %dma_wait3A_1042 = arith.constant 13 : i32
      %dma_wait3A_1043 = arith.constant 0 : i32
      %dma_wait3A_1044 = tpu.memref_slice %arg10[%dma_wait3A_1042, %dma_wait3A_1043] : memref<32x32xf32, #tpu.memory_space<vmem>> -> memref<1x32xf32, #tpu.memory_space<vmem>>
      %dma_wait3A_1045 = arith.constant 0 : i32
      %dma_wait3A_1046 = tpu.memref_slice %arg4[%squeeze3A_328, %dma_wait3A_1045] : memref<1000000x32xf32, #tpu.memory_space<hbm>> -> memref<1x32xf32, #tpu.memory_space<hbm>>
      %dma_wait3A_1047 = arith.constant 13 : i32
      %dma_wait3A_1048 = arith.constant 0 : i32
      %dma_wait3A_1049 = tpu.memref_slice %arg10[%dma_wait3A_1047, %dma_wait3A_1048] : memref<32x32xf32, #tpu.memory_space<vmem>> -> memref<1x32xf32, #tpu.memory_space<vmem>>
      %dma_wait3A_1050 = arith.constant 0 : i32
      %dma_wait3A_1051 = tpu.memref_slice %arg4[%squeeze3A_328, %dma_wait3A_1050] : memref<1000000x32xf32, #tpu.memory_space<hbm>> -> memref<1x32xf32, #tpu.memory_space<hbm>>
      tpu.wait_dma2 semaphore(%arg12 : memref<!tpu.dma_semaphore, #tpu.memory_space<semaphore_mem>>) src(%dma_wait3A_1051 : memref<1x32xf32, #tpu.memory_space<hbm>>) dst(%dma_wait3A_1049 : memref<1x32xf32, #tpu.memory_space<vmem>>)
      %dma_wait3A_1052 = arith.constant 13 : i32
      %dma_wait3A_1053 = arith.constant 0 : i32
      %dma_wait3A_1054 = tpu.memref_slice %arg11[%dma_wait3A_1052, %dma_wait3A_1053] : memref<32x32xf32, #tpu.memory_space<vmem>> -> memref<1x32xf32, #tpu.memory_space<vmem>>
      %dma_wait3A_1055 = arith.constant 0 : i32
      %dma_wait3A_1056 = tpu.memref_slice %arg5[%squeeze3A_340, %dma_wait3A_1055] : memref<1000000x32xf32, #tpu.memory_space<hbm>> -> memref<1x32xf32, #tpu.memory_space<hbm>>
      %dma_wait3A_1057 = arith.constant 13 : i32
      %dma_wait3A_1058 = arith.constant 0 : i32
      %dma_wait3A_1059 = tpu.memref_slice %arg11[%dma_wait3A_1057, %dma_wait3A_1058] : memref<32x32xf32, #tpu.memory_space<vmem>> -> memref<1x32xf32, #tpu.memory_space<vmem>>
      %dma_wait3A_1060 = arith.constant 0 : i32
      %dma_wait3A_1061 = tpu.memref_slice %arg5[%squeeze3A_340, %dma_wait3A_1060] : memref<1000000x32xf32, #tpu.memory_space<hbm>> -> memref<1x32xf32, #tpu.memory_space<hbm>>
      tpu.wait_dma2 semaphore(%arg13 : memref<!tpu.dma_semaphore, #tpu.memory_space<semaphore_mem>>) src(%dma_wait3A_1061 : memref<1x32xf32, #tpu.memory_space<hbm>>) dst(%dma_wait3A_1059 : memref<1x32xf32, #tpu.memory_space<vmem>>)
      %dma_wait3A_1062 = arith.constant 14 : i32
      %dma_wait3A_1063 = arith.constant 0 : i32
      %dma_wait3A_1064 = tpu.memref_slice %arg10[%dma_wait3A_1062, %dma_wait3A_1063] : memref<32x32xf32, #tpu.memory_space<vmem>> -> memref<1x32xf32, #tpu.memory_space<vmem>>
      %dma_wait3A_1065 = arith.constant 0 : i32
      %dma_wait3A_1066 = tpu.memref_slice %arg4[%squeeze3A_352, %dma_wait3A_1065] : memref<1000000x32xf32, #tpu.memory_space<hbm>> -> memref<1x32xf32, #tpu.memory_space<hbm>>
      %dma_wait3A_1067 = arith.constant 14 : i32
      %dma_wait3A_1068 = arith.constant 0 : i32
      %dma_wait3A_1069 = tpu.memref_slice %arg10[%dma_wait3A_1067, %dma_wait3A_1068] : memref<32x32xf32, #tpu.memory_space<vmem>> -> memref<1x32xf32, #tpu.memory_space<vmem>>
      %dma_wait3A_1070 = arith.constant 0 : i32
      %dma_wait3A_1071 = tpu.memref_slice %arg4[%squeeze3A_352, %dma_wait3A_1070] : memref<1000000x32xf32, #tpu.memory_space<hbm>> -> memref<1x32xf32, #tpu.memory_space<hbm>>
      tpu.wait_dma2 semaphore(%arg12 : memref<!tpu.dma_semaphore, #tpu.memory_space<semaphore_mem>>) src(%dma_wait3A_1071 : memref<1x32xf32, #tpu.memory_space<hbm>>) dst(%dma_wait3A_1069 : memref<1x32xf32, #tpu.memory_space<vmem>>)
      %dma_wait3A_1072 = arith.constant 14 : i32
      %dma_wait3A_1073 = arith.constant 0 : i32
      %dma_wait3A_1074 = tpu.memref_slice %arg11[%dma_wait3A_1072, %dma_wait3A_1073] : memref<32x32xf32, #tpu.memory_space<vmem>> -> memref<1x32xf32, #tpu.memory_space<vmem>>
      %dma_wait3A_1075 = arith.constant 0 : i32
      %dma_wait3A_1076 = tpu.memref_slice %arg5[%squeeze3A_364, %dma_wait3A_1075] : memref<1000000x32xf32, #tpu.memory_space<hbm>> -> memref<1x32xf32, #tpu.memory_space<hbm>>
      %dma_wait3A_1077 = arith.constant 14 : i32
      %dma_wait3A_1078 = arith.constant 0 : i32
      %dma_wait3A_1079 = tpu.memref_slice %arg11[%dma_wait3A_1077, %dma_wait3A_1078] : memref<32x32xf32, #tpu.memory_space<vmem>> -> memref<1x32xf32, #tpu.memory_space<vmem>>
      %dma_wait3A_1080 = arith.constant 0 : i32
      %dma_wait3A_1081 = tpu.memref_slice %arg5[%squeeze3A_364, %dma_wait3A_1080] : memref<1000000x32xf32, #tpu.memory_space<hbm>> -> memref<1x32xf32, #tpu.memory_space<hbm>>
      tpu.wait_dma2 semaphore(%arg13 : memref<!tpu.dma_semaphore, #tpu.memory_space<semaphore_mem>>) src(%dma_wait3A_1081 : memref<1x32xf32, #tpu.memory_space<hbm>>) dst(%dma_wait3A_1079 : memref<1x32xf32, #tpu.memory_space<vmem>>)
      %dma_wait3A_1082 = arith.constant 15 : i32
      %dma_wait3A_1083 = arith.constant 0 : i32
      %dma_wait3A_1084 = tpu.memref_slice %arg10[%dma_wait3A_1082, %dma_wait3A_1083] : memref<32x32xf32, #tpu.memory_space<vmem>> -> memref<1x32xf32, #tpu.memory_space<vmem>>
      %dma_wait3A_1085 = arith.constant 0 : i32
      %dma_wait3A_1086 = tpu.memref_slice %arg4[%squeeze3A_376, %dma_wait3A_1085] : memref<1000000x32xf32, #tpu.memory_space<hbm>> -> memref<1x32xf32, #tpu.memory_space<hbm>>
      %dma_wait3A_1087 = arith.constant 15 : i32
      %dma_wait3A_1088 = arith.constant 0 : i32
      %dma_wait3A_1089 = tpu.memref_slice %arg10[%dma_wait3A_1087, %dma_wait3A_1088] : memref<32x32xf32, #tpu.memory_space<vmem>> -> memref<1x32xf32, #tpu.memory_space<vmem>>
      %dma_wait3A_1090 = arith.constant 0 : i32
      %dma_wait3A_1091 = tpu.memref_slice %arg4[%squeeze3A_376, %dma_wait3A_1090] : memref<1000000x32xf32, #tpu.memory_space<hbm>> -> memref<1x32xf32, #tpu.memory_space<hbm>>
      tpu.wait_dma2 semaphore(%arg12 : memref<!tpu.dma_semaphore, #tpu.memory_space<semaphore_mem>>) src(%dma_wait3A_1091 : memref<1x32xf32, #tpu.memory_space<hbm>>) dst(%dma_wait3A_1089 : memref<1x32xf32, #tpu.memory_space<vmem>>)
      %dma_wait3A_1092 = arith.constant 15 : i32
      %dma_wait3A_1093 = arith.constant 0 : i32
      %dma_wait3A_1094 = tpu.memref_slice %arg11[%dma_wait3A_1092, %dma_wait3A_1093] : memref<32x32xf32, #tpu.memory_space<vmem>> -> memref<1x32xf32, #tpu.memory_space<vmem>>
      %dma_wait3A_1095 = arith.constant 0 : i32
      %dma_wait3A_1096 = tpu.memref_slice %arg5[%squeeze3A_388, %dma_wait3A_1095] : memref<1000000x32xf32, #tpu.memory_space<hbm>> -> memref<1x32xf32, #tpu.memory_space<hbm>>
      %dma_wait3A_1097 = arith.constant 15 : i32
      %dma_wait3A_1098 = arith.constant 0 : i32
      %dma_wait3A_1099 = tpu.memref_slice %arg11[%dma_wait3A_1097, %dma_wait3A_1098] : memref<32x32xf32, #tpu.memory_space<vmem>> -> memref<1x32xf32, #tpu.memory_space<vmem>>
      %dma_wait3A_1100 = arith.constant 0 : i32
      %dma_wait3A_1101 = tpu.memref_slice %arg5[%squeeze3A_388, %dma_wait3A_1100] : memref<1000000x32xf32, #tpu.memory_space<hbm>> -> memref<1x32xf32, #tpu.memory_space<hbm>>
      tpu.wait_dma2 semaphore(%arg13 : memref<!tpu.dma_semaphore, #tpu.memory_space<semaphore_mem>>) src(%dma_wait3A_1101 : memref<1x32xf32, #tpu.memory_space<hbm>>) dst(%dma_wait3A_1099 : memref<1x32xf32, #tpu.memory_space<vmem>>)
      %dma_wait3A_1102 = arith.constant 16 : i32
      %dma_wait3A_1103 = arith.constant 0 : i32
      %dma_wait3A_1104 = tpu.memref_slice %arg10[%dma_wait3A_1102, %dma_wait3A_1103] : memref<32x32xf32, #tpu.memory_space<vmem>> -> memref<1x32xf32, #tpu.memory_space<vmem>>
      %dma_wait3A_1105 = arith.constant 0 : i32
      %dma_wait3A_1106 = tpu.memref_slice %arg4[%squeeze3A_400, %dma_wait3A_1105] : memref<1000000x32xf32, #tpu.memory_space<hbm>> -> memref<1x32xf32, #tpu.memory_space<hbm>>
      %dma_wait3A_1107 = arith.constant 16 : i32
      %dma_wait3A_1108 = arith.constant 0 : i32
      %dma_wait3A_1109 = tpu.memref_slice %arg10[%dma_wait3A_1107, %dma_wait3A_1108] : memref<32x32xf32, #tpu.memory_space<vmem>> -> memref<1x32xf32, #tpu.memory_space<vmem>>
      %dma_wait3A_1110 = arith.constant 0 : i32
      %dma_wait3A_1111 = tpu.memref_slice %arg4[%squeeze3A_400, %dma_wait3A_1110] : memref<1000000x32xf32, #tpu.memory_space<hbm>> -> memref<1x32xf32, #tpu.memory_space<hbm>>
      tpu.wait_dma2 semaphore(%arg12 : memref<!tpu.dma_semaphore, #tpu.memory_space<semaphore_mem>>) src(%dma_wait3A_1111 : memref<1x32xf32, #tpu.memory_space<hbm>>) dst(%dma_wait3A_1109 : memref<1x32xf32, #tpu.memory_space<vmem>>)
      %dma_wait3A_1112 = arith.constant 16 : i32
      %dma_wait3A_1113 = arith.constant 0 : i32
      %dma_wait3A_1114 = tpu.memref_slice %arg11[%dma_wait3A_1112, %dma_wait3A_1113] : memref<32x32xf32, #tpu.memory_space<vmem>> -> memref<1x32xf32, #tpu.memory_space<vmem>>
      %dma_wait3A_1115 = arith.constant 0 : i32
      %dma_wait3A_1116 = tpu.memref_slice %arg5[%squeeze3A_412, %dma_wait3A_1115] : memref<1000000x32xf32, #tpu.memory_space<hbm>> -> memref<1x32xf32, #tpu.memory_space<hbm>>
      %dma_wait3A_1117 = arith.constant 16 : i32
      %dma_wait3A_1118 = arith.constant 0 : i32
      %dma_wait3A_1119 = tpu.memref_slice %arg11[%dma_wait3A_1117, %dma_wait3A_1118] : memref<32x32xf32, #tpu.memory_space<vmem>> -> memref<1x32xf32, #tpu.memory_space<vmem>>
      %dma_wait3A_1120 = arith.constant 0 : i32
      %dma_wait3A_1121 = tpu.memref_slice %arg5[%squeeze3A_412, %dma_wait3A_1120] : memref<1000000x32xf32, #tpu.memory_space<hbm>> -> memref<1x32xf32, #tpu.memory_space<hbm>>
      tpu.wait_dma2 semaphore(%arg13 : memref<!tpu.dma_semaphore, #tpu.memory_space<semaphore_mem>>) src(%dma_wait3A_1121 : memref<1x32xf32, #tpu.memory_space<hbm>>) dst(%dma_wait3A_1119 : memref<1x32xf32, #tpu.memory_space<vmem>>)
      %dma_wait3A_1122 = arith.constant 17 : i32
      %dma_wait3A_1123 = arith.constant 0 : i32
      %dma_wait3A_1124 = tpu.memref_slice %arg10[%dma_wait3A_1122, %dma_wait3A_1123] : memref<32x32xf32, #tpu.memory_space<vmem>> -> memref<1x32xf32, #tpu.memory_space<vmem>>
      %dma_wait3A_1125 = arith.constant 0 : i32
      %dma_wait3A_1126 = tpu.memref_slice %arg4[%squeeze3A_424, %dma_wait3A_1125] : memref<1000000x32xf32, #tpu.memory_space<hbm>> -> memref<1x32xf32, #tpu.memory_space<hbm>>
      %dma_wait3A_1127 = arith.constant 17 : i32
      %dma_wait3A_1128 = arith.constant 0 : i32
      %dma_wait3A_1129 = tpu.memref_slice %arg10[%dma_wait3A_1127, %dma_wait3A_1128] : memref<32x32xf32, #tpu.memory_space<vmem>> -> memref<1x32xf32, #tpu.memory_space<vmem>>
      %dma_wait3A_1130 = arith.constant 0 : i32
      %dma_wait3A_1131 = tpu.memref_slice %arg4[%squeeze3A_424, %dma_wait3A_1130] : memref<1000000x32xf32, #tpu.memory_space<hbm>> -> memref<1x32xf32, #tpu.memory_space<hbm>>
      tpu.wait_dma2 semaphore(%arg12 : memref<!tpu.dma_semaphore, #tpu.memory_space<semaphore_mem>>) src(%dma_wait3A_1131 : memref<1x32xf32, #tpu.memory_space<hbm>>) dst(%dma_wait3A_1129 : memref<1x32xf32, #tpu.memory_space<vmem>>)
      %dma_wait3A_1132 = arith.constant 17 : i32
      %dma_wait3A_1133 = arith.constant 0 : i32
      %dma_wait3A_1134 = tpu.memref_slice %arg11[%dma_wait3A_1132, %dma_wait3A_1133] : memref<32x32xf32, #tpu.memory_space<vmem>> -> memref<1x32xf32, #tpu.memory_space<vmem>>
      %dma_wait3A_1135 = arith.constant 0 : i32
      %dma_wait3A_1136 = tpu.memref_slice %arg5[%squeeze3A_436, %dma_wait3A_1135] : memref<1000000x32xf32, #tpu.memory_space<hbm>> -> memref<1x32xf32, #tpu.memory_space<hbm>>
      %dma_wait3A_1137 = arith.constant 17 : i32
      %dma_wait3A_1138 = arith.constant 0 : i32
      %dma_wait3A_1139 = tpu.memref_slice %arg11[%dma_wait3A_1137, %dma_wait3A_1138] : memref<32x32xf32, #tpu.memory_space<vmem>> -> memref<1x32xf32, #tpu.memory_space<vmem>>
      %dma_wait3A_1140 = arith.constant 0 : i32
      %dma_wait3A_1141 = tpu.memref_slice %arg5[%squeeze3A_436, %dma_wait3A_1140] : memref<1000000x32xf32, #tpu.memory_space<hbm>> -> memref<1x32xf32, #tpu.memory_space<hbm>>
      tpu.wait_dma2 semaphore(%arg13 : memref<!tpu.dma_semaphore, #tpu.memory_space<semaphore_mem>>) src(%dma_wait3A_1141 : memref<1x32xf32, #tpu.memory_space<hbm>>) dst(%dma_wait3A_1139 : memref<1x32xf32, #tpu.memory_space<vmem>>)
      %dma_wait3A_1142 = arith.constant 18 : i32
      %dma_wait3A_1143 = arith.constant 0 : i32
      %dma_wait3A_1144 = tpu.memref_slice %arg10[%dma_wait3A_1142, %dma_wait3A_1143] : memref<32x32xf32, #tpu.memory_space<vmem>> -> memref<1x32xf32, #tpu.memory_space<vmem>>
      %dma_wait3A_1145 = arith.constant 0 : i32
      %dma_wait3A_1146 = tpu.memref_slice %arg4[%squeeze3A_448, %dma_wait3A_1145] : memref<1000000x32xf32, #tpu.memory_space<hbm>> -> memref<1x32xf32, #tpu.memory_space<hbm>>
      %dma_wait3A_1147 = arith.constant 18 : i32
      %dma_wait3A_1148 = arith.constant 0 : i32
      %dma_wait3A_1149 = tpu.memref_slice %arg10[%dma_wait3A_1147, %dma_wait3A_1148] : memref<32x32xf32, #tpu.memory_space<vmem>> -> memref<1x32xf32, #tpu.memory_space<vmem>>
      %dma_wait3A_1150 = arith.constant 0 : i32
      %dma_wait3A_1151 = tpu.memref_slice %arg4[%squeeze3A_448, %dma_wait3A_1150] : memref<1000000x32xf32, #tpu.memory_space<hbm>> -> memref<1x32xf32, #tpu.memory_space<hbm>>
      tpu.wait_dma2 semaphore(%arg12 : memref<!tpu.dma_semaphore, #tpu.memory_space<semaphore_mem>>) src(%dma_wait3A_1151 : memref<1x32xf32, #tpu.memory_space<hbm>>) dst(%dma_wait3A_1149 : memref<1x32xf32, #tpu.memory_space<vmem>>)
      %dma_wait3A_1152 = arith.constant 18 : i32
      %dma_wait3A_1153 = arith.constant 0 : i32
      %dma_wait3A_1154 = tpu.memref_slice %arg11[%dma_wait3A_1152, %dma_wait3A_1153] : memref<32x32xf32, #tpu.memory_space<vmem>> -> memref<1x32xf32, #tpu.memory_space<vmem>>
      %dma_wait3A_1155 = arith.constant 0 : i32
      %dma_wait3A_1156 = tpu.memref_slice %arg5[%squeeze3A_460, %dma_wait3A_1155] : memref<1000000x32xf32, #tpu.memory_space<hbm>> -> memref<1x32xf32, #tpu.memory_space<hbm>>
      %dma_wait3A_1157 = arith.constant 18 : i32
      %dma_wait3A_1158 = arith.constant 0 : i32
      %dma_wait3A_1159 = tpu.memref_slice %arg11[%dma_wait3A_1157, %dma_wait3A_1158] : memref<32x32xf32, #tpu.memory_space<vmem>> -> memref<1x32xf32, #tpu.memory_space<vmem>>
      %dma_wait3A_1160 = arith.constant 0 : i32
      %dma_wait3A_1161 = tpu.memref_slice %arg5[%squeeze3A_460, %dma_wait3A_1160] : memref<1000000x32xf32, #tpu.memory_space<hbm>> -> memref<1x32xf32, #tpu.memory_space<hbm>>
      tpu.wait_dma2 semaphore(%arg13 : memref<!tpu.dma_semaphore, #tpu.memory_space<semaphore_mem>>) src(%dma_wait3A_1161 : memref<1x32xf32, #tpu.memory_space<hbm>>) dst(%dma_wait3A_1159 : memref<1x32xf32, #tpu.memory_space<vmem>>)
      %dma_wait3A_1162 = arith.constant 19 : i32
      %dma_wait3A_1163 = arith.constant 0 : i32
      %dma_wait3A_1164 = tpu.memref_slice %arg10[%dma_wait3A_1162, %dma_wait3A_1163] : memref<32x32xf32, #tpu.memory_space<vmem>> -> memref<1x32xf32, #tpu.memory_space<vmem>>
      %dma_wait3A_1165 = arith.constant 0 : i32
      %dma_wait3A_1166 = tpu.memref_slice %arg4[%squeeze3A_472, %dma_wait3A_1165] : memref<1000000x32xf32, #tpu.memory_space<hbm>> -> memref<1x32xf32, #tpu.memory_space<hbm>>
      %dma_wait3A_1167 = arith.constant 19 : i32
      %dma_wait3A_1168 = arith.constant 0 : i32
      %dma_wait3A_1169 = tpu.memref_slice %arg10[%dma_wait3A_1167, %dma_wait3A_1168] : memref<32x32xf32, #tpu.memory_space<vmem>> -> memref<1x32xf32, #tpu.memory_space<vmem>>
      %dma_wait3A_1170 = arith.constant 0 : i32
      %dma_wait3A_1171 = tpu.memref_slice %arg4[%squeeze3A_472, %dma_wait3A_1170] : memref<1000000x32xf32, #tpu.memory_space<hbm>> -> memref<1x32xf32, #tpu.memory_space<hbm>>
      tpu.wait_dma2 semaphore(%arg12 : memref<!tpu.dma_semaphore, #tpu.memory_space<semaphore_mem>>) src(%dma_wait3A_1171 : memref<1x32xf32, #tpu.memory_space<hbm>>) dst(%dma_wait3A_1169 : memref<1x32xf32, #tpu.memory_space<vmem>>)
      %dma_wait3A_1172 = arith.constant 19 : i32
      %dma_wait3A_1173 = arith.constant 0 : i32
      %dma_wait3A_1174 = tpu.memref_slice %arg11[%dma_wait3A_1172, %dma_wait3A_1173] : memref<32x32xf32, #tpu.memory_space<vmem>> -> memref<1x32xf32, #tpu.memory_space<vmem>>
      %dma_wait3A_1175 = arith.constant 0 : i32
      %dma_wait3A_1176 = tpu.memref_slice %arg5[%squeeze3A_484, %dma_wait3A_1175] : memref<1000000x32xf32, #tpu.memory_space<hbm>> -> memref<1x32xf32, #tpu.memory_space<hbm>>
      %dma_wait3A_1177 = arith.constant 19 : i32
      %dma_wait3A_1178 = arith.constant 0 : i32
      %dma_wait3A_1179 = tpu.memref_slice %arg11[%dma_wait3A_1177, %dma_wait3A_1178] : memref<32x32xf32, #tpu.memory_space<vmem>> -> memref<1x32xf32, #tpu.memory_space<vmem>>
      %dma_wait3A_1180 = arith.constant 0 : i32
      %dma_wait3A_1181 = tpu.memref_slice %arg5[%squeeze3A_484, %dma_wait3A_1180] : memref<1000000x32xf32, #tpu.memory_space<hbm>> -> memref<1x32xf32, #tpu.memory_space<hbm>>
      tpu.wait_dma2 semaphore(%arg13 : memref<!tpu.dma_semaphore, #tpu.memory_space<semaphore_mem>>) src(%dma_wait3A_1181 : memref<1x32xf32, #tpu.memory_space<hbm>>) dst(%dma_wait3A_1179 : memref<1x32xf32, #tpu.memory_space<vmem>>)
      %dma_wait3A_1182 = arith.constant 20 : i32
      %dma_wait3A_1183 = arith.constant 0 : i32
      %dma_wait3A_1184 = tpu.memref_slice %arg10[%dma_wait3A_1182, %dma_wait3A_1183] : memref<32x32xf32, #tpu.memory_space<vmem>> -> memref<1x32xf32, #tpu.memory_space<vmem>>
      %dma_wait3A_1185 = arith.constant 0 : i32
      %dma_wait3A_1186 = tpu.memref_slice %arg4[%squeeze3A_496, %dma_wait3A_1185] : memref<1000000x32xf32, #tpu.memory_space<hbm>> -> memref<1x32xf32, #tpu.memory_space<hbm>>
      %dma_wait3A_1187 = arith.constant 20 : i32
      %dma_wait3A_1188 = arith.constant 0 : i32
      %dma_wait3A_1189 = tpu.memref_slice %arg10[%dma_wait3A_1187, %dma_wait3A_1188] : memref<32x32xf32, #tpu.memory_space<vmem>> -> memref<1x32xf32, #tpu.memory_space<vmem>>
      %dma_wait3A_1190 = arith.constant 0 : i32
      %dma_wait3A_1191 = tpu.memref_slice %arg4[%squeeze3A_496, %dma_wait3A_1190] : memref<1000000x32xf32, #tpu.memory_space<hbm>> -> memref<1x32xf32, #tpu.memory_space<hbm>>
      tpu.wait_dma2 semaphore(%arg12 : memref<!tpu.dma_semaphore, #tpu.memory_space<semaphore_mem>>) src(%dma_wait3A_1191 : memref<1x32xf32, #tpu.memory_space<hbm>>) dst(%dma_wait3A_1189 : memref<1x32xf32, #tpu.memory_space<vmem>>)
      %dma_wait3A_1192 = arith.constant 20 : i32
      %dma_wait3A_1193 = arith.constant 0 : i32
      %dma_wait3A_1194 = tpu.memref_slice %arg11[%dma_wait3A_1192, %dma_wait3A_1193] : memref<32x32xf32, #tpu.memory_space<vmem>> -> memref<1x32xf32, #tpu.memory_space<vmem>>
      %dma_wait3A_1195 = arith.constant 0 : i32
      %dma_wait3A_1196 = tpu.memref_slice %arg5[%squeeze3A_508, %dma_wait3A_1195] : memref<1000000x32xf32, #tpu.memory_space<hbm>> -> memref<1x32xf32, #tpu.memory_space<hbm>>
      %dma_wait3A_1197 = arith.constant 20 : i32
      %dma_wait3A_1198 = arith.constant 0 : i32
      %dma_wait3A_1199 = tpu.memref_slice %arg11[%dma_wait3A_1197, %dma_wait3A_1198] : memref<32x32xf32, #tpu.memory_space<vmem>> -> memref<1x32xf32, #tpu.memory_space<vmem>>
      %dma_wait3A_1200 = arith.constant 0 : i32
      %dma_wait3A_1201 = tpu.memref_slice %arg5[%squeeze3A_508, %dma_wait3A_1200] : memref<1000000x32xf32, #tpu.memory_space<hbm>> -> memref<1x32xf32, #tpu.memory_space<hbm>>
      tpu.wait_dma2 semaphore(%arg13 : memref<!tpu.dma_semaphore, #tpu.memory_space<semaphore_mem>>) src(%dma_wait3A_1201 : memref<1x32xf32, #tpu.memory_space<hbm>>) dst(%dma_wait3A_1199 : memref<1x32xf32, #tpu.memory_space<vmem>>)
      %dma_wait3A_1202 = arith.constant 21 : i32
      %dma_wait3A_1203 = arith.constant 0 : i32
      %dma_wait3A_1204 = tpu.memref_slice %arg10[%dma_wait3A_1202, %dma_wait3A_1203] : memref<32x32xf32, #tpu.memory_space<vmem>> -> memref<1x32xf32, #tpu.memory_space<vmem>>
      %dma_wait3A_1205 = arith.constant 0 : i32
      %dma_wait3A_1206 = tpu.memref_slice %arg4[%squeeze3A_520, %dma_wait3A_1205] : memref<1000000x32xf32, #tpu.memory_space<hbm>> -> memref<1x32xf32, #tpu.memory_space<hbm>>
      %dma_wait3A_1207 = arith.constant 21 : i32
      %dma_wait3A_1208 = arith.constant 0 : i32
      %dma_wait3A_1209 = tpu.memref_slice %arg10[%dma_wait3A_1207, %dma_wait3A_1208] : memref<32x32xf32, #tpu.memory_space<vmem>> -> memref<1x32xf32, #tpu.memory_space<vmem>>
      %dma_wait3A_1210 = arith.constant 0 : i32
      %dma_wait3A_1211 = tpu.memref_slice %arg4[%squeeze3A_520, %dma_wait3A_1210] : memref<1000000x32xf32, #tpu.memory_space<hbm>> -> memref<1x32xf32, #tpu.memory_space<hbm>>
      tpu.wait_dma2 semaphore(%arg12 : memref<!tpu.dma_semaphore, #tpu.memory_space<semaphore_mem>>) src(%dma_wait3A_1211 : memref<1x32xf32, #tpu.memory_space<hbm>>) dst(%dma_wait3A_1209 : memref<1x32xf32, #tpu.memory_space<vmem>>)
      %dma_wait3A_1212 = arith.constant 21 : i32
      %dma_wait3A_1213 = arith.constant 0 : i32
      %dma_wait3A_1214 = tpu.memref_slice %arg11[%dma_wait3A_1212, %dma_wait3A_1213] : memref<32x32xf32, #tpu.memory_space<vmem>> -> memref<1x32xf32, #tpu.memory_space<vmem>>
      %dma_wait3A_1215 = arith.constant 0 : i32
      %dma_wait3A_1216 = tpu.memref_slice %arg5[%squeeze3A_532, %dma_wait3A_1215] : memref<1000000x32xf32, #tpu.memory_space<hbm>> -> memref<1x32xf32, #tpu.memory_space<hbm>>
      %dma_wait3A_1217 = arith.constant 21 : i32
      %dma_wait3A_1218 = arith.constant 0 : i32
      %dma_wait3A_1219 = tpu.memref_slice %arg11[%dma_wait3A_1217, %dma_wait3A_1218] : memref<32x32xf32, #tpu.memory_space<vmem>> -> memref<1x32xf32, #tpu.memory_space<vmem>>
      %dma_wait3A_1220 = arith.constant 0 : i32
      %dma_wait3A_1221 = tpu.memref_slice %arg5[%squeeze3A_532, %dma_wait3A_1220] : memref<1000000x32xf32, #tpu.memory_space<hbm>> -> memref<1x32xf32, #tpu.memory_space<hbm>>
      tpu.wait_dma2 semaphore(%arg13 : memref<!tpu.dma_semaphore, #tpu.memory_space<semaphore_mem>>) src(%dma_wait3A_1221 : memref<1x32xf32, #tpu.memory_space<hbm>>) dst(%dma_wait3A_1219 : memref<1x32xf32, #tpu.memory_space<vmem>>)
      %dma_wait3A_1222 = arith.constant 22 : i32
      %dma_wait3A_1223 = arith.constant 0 : i32
      %dma_wait3A_1224 = tpu.memref_slice %arg10[%dma_wait3A_1222, %dma_wait3A_1223] : memref<32x32xf32, #tpu.memory_space<vmem>> -> memref<1x32xf32, #tpu.memory_space<vmem>>
      %dma_wait3A_1225 = arith.constant 0 : i32
      %dma_wait3A_1226 = tpu.memref_slice %arg4[%squeeze3A_544, %dma_wait3A_1225] : memref<1000000x32xf32, #tpu.memory_space<hbm>> -> memref<1x32xf32, #tpu.memory_space<hbm>>
      %dma_wait3A_1227 = arith.constant 22 : i32
      %dma_wait3A_1228 = arith.constant 0 : i32
      %dma_wait3A_1229 = tpu.memref_slice %arg10[%dma_wait3A_1227, %dma_wait3A_1228] : memref<32x32xf32, #tpu.memory_space<vmem>> -> memref<1x32xf32, #tpu.memory_space<vmem>>
      %dma_wait3A_1230 = arith.constant 0 : i32
      %dma_wait3A_1231 = tpu.memref_slice %arg4[%squeeze3A_544, %dma_wait3A_1230] : memref<1000000x32xf32, #tpu.memory_space<hbm>> -> memref<1x32xf32, #tpu.memory_space<hbm>>
      tpu.wait_dma2 semaphore(%arg12 : memref<!tpu.dma_semaphore, #tpu.memory_space<semaphore_mem>>) src(%dma_wait3A_1231 : memref<1x32xf32, #tpu.memory_space<hbm>>) dst(%dma_wait3A_1229 : memref<1x32xf32, #tpu.memory_space<vmem>>)
      %dma_wait3A_1232 = arith.constant 22 : i32
      %dma_wait3A_1233 = arith.constant 0 : i32
      %dma_wait3A_1234 = tpu.memref_slice %arg11[%dma_wait3A_1232, %dma_wait3A_1233] : memref<32x32xf32, #tpu.memory_space<vmem>> -> memref<1x32xf32, #tpu.memory_space<vmem>>
      %dma_wait3A_1235 = arith.constant 0 : i32
      %dma_wait3A_1236 = tpu.memref_slice %arg5[%squeeze3A_556, %dma_wait3A_1235] : memref<1000000x32xf32, #tpu.memory_space<hbm>> -> memref<1x32xf32, #tpu.memory_space<hbm>>
      %dma_wait3A_1237 = arith.constant 22 : i32
      %dma_wait3A_1238 = arith.constant 0 : i32
      %dma_wait3A_1239 = tpu.memref_slice %arg11[%dma_wait3A_1237, %dma_wait3A_1238] : memref<32x32xf32, #tpu.memory_space<vmem>> -> memref<1x32xf32, #tpu.memory_space<vmem>>
      %dma_wait3A_1240 = arith.constant 0 : i32
      %dma_wait3A_1241 = tpu.memref_slice %arg5[%squeeze3A_556, %dma_wait3A_1240] : memref<1000000x32xf32, #tpu.memory_space<hbm>> -> memref<1x32xf32, #tpu.memory_space<hbm>>
      tpu.wait_dma2 semaphore(%arg13 : memref<!tpu.dma_semaphore, #tpu.memory_space<semaphore_mem>>) src(%dma_wait3A_1241 : memref<1x32xf32, #tpu.memory_space<hbm>>) dst(%dma_wait3A_1239 : memref<1x32xf32, #tpu.memory_space<vmem>>)
      %dma_wait3A_1242 = arith.constant 23 : i32
      %dma_wait3A_1243 = arith.constant 0 : i32
      %dma_wait3A_1244 = tpu.memref_slice %arg10[%dma_wait3A_1242, %dma_wait3A_1243] : memref<32x32xf32, #tpu.memory_space<vmem>> -> memref<1x32xf32, #tpu.memory_space<vmem>>
      %dma_wait3A_1245 = arith.constant 0 : i32
      %dma_wait3A_1246 = tpu.memref_slice %arg4[%squeeze3A_568, %dma_wait3A_1245] : memref<1000000x32xf32, #tpu.memory_space<hbm>> -> memref<1x32xf32, #tpu.memory_space<hbm>>
      %dma_wait3A_1247 = arith.constant 23 : i32
      %dma_wait3A_1248 = arith.constant 0 : i32
      %dma_wait3A_1249 = tpu.memref_slice %arg10[%dma_wait3A_1247, %dma_wait3A_1248] : memref<32x32xf32, #tpu.memory_space<vmem>> -> memref<1x32xf32, #tpu.memory_space<vmem>>
      %dma_wait3A_1250 = arith.constant 0 : i32
      %dma_wait3A_1251 = tpu.memref_slice %arg4[%squeeze3A_568, %dma_wait3A_1250] : memref<1000000x32xf32, #tpu.memory_space<hbm>> -> memref<1x32xf32, #tpu.memory_space<hbm>>
      tpu.wait_dma2 semaphore(%arg12 : memref<!tpu.dma_semaphore, #tpu.memory_space<semaphore_mem>>) src(%dma_wait3A_1251 : memref<1x32xf32, #tpu.memory_space<hbm>>) dst(%dma_wait3A_1249 : memref<1x32xf32, #tpu.memory_space<vmem>>)
      %dma_wait3A_1252 = arith.constant 23 : i32
      %dma_wait3A_1253 = arith.constant 0 : i32
      %dma_wait3A_1254 = tpu.memref_slice %arg11[%dma_wait3A_1252, %dma_wait3A_1253] : memref<32x32xf32, #tpu.memory_space<vmem>> -> memref<1x32xf32, #tpu.memory_space<vmem>>
      %dma_wait3A_1255 = arith.constant 0 : i32
      %dma_wait3A_1256 = tpu.memref_slice %arg5[%squeeze3A_580, %dma_wait3A_1255] : memref<1000000x32xf32, #tpu.memory_space<hbm>> -> memref<1x32xf32, #tpu.memory_space<hbm>>
      %dma_wait3A_1257 = arith.constant 23 : i32
      %dma_wait3A_1258 = arith.constant 0 : i32
      %dma_wait3A_1259 = tpu.memref_slice %arg11[%dma_wait3A_1257, %dma_wait3A_1258] : memref<32x32xf32, #tpu.memory_space<vmem>> -> memref<1x32xf32, #tpu.memory_space<vmem>>
      %dma_wait3A_1260 = arith.constant 0 : i32
      %dma_wait3A_1261 = tpu.memref_slice %arg5[%squeeze3A_580, %dma_wait3A_1260] : memref<1000000x32xf32, #tpu.memory_space<hbm>> -> memref<1x32xf32, #tpu.memory_space<hbm>>
      tpu.wait_dma2 semaphore(%arg13 : memref<!tpu.dma_semaphore, #tpu.memory_space<semaphore_mem>>) src(%dma_wait3A_1261 : memref<1x32xf32, #tpu.memory_space<hbm>>) dst(%dma_wait3A_1259 : memref<1x32xf32, #tpu.memory_space<vmem>>)
      %dma_wait3A_1262 = arith.constant 24 : i32
      %dma_wait3A_1263 = arith.constant 0 : i32
      %dma_wait3A_1264 = tpu.memref_slice %arg10[%dma_wait3A_1262, %dma_wait3A_1263] : memref<32x32xf32, #tpu.memory_space<vmem>> -> memref<1x32xf32, #tpu.memory_space<vmem>>
      %dma_wait3A_1265 = arith.constant 0 : i32
      %dma_wait3A_1266 = tpu.memref_slice %arg4[%squeeze3A_592, %dma_wait3A_1265] : memref<1000000x32xf32, #tpu.memory_space<hbm>> -> memref<1x32xf32, #tpu.memory_space<hbm>>
      %dma_wait3A_1267 = arith.constant 24 : i32
      %dma_wait3A_1268 = arith.constant 0 : i32
      %dma_wait3A_1269 = tpu.memref_slice %arg10[%dma_wait3A_1267, %dma_wait3A_1268] : memref<32x32xf32, #tpu.memory_space<vmem>> -> memref<1x32xf32, #tpu.memory_space<vmem>>
      %dma_wait3A_1270 = arith.constant 0 : i32
      %dma_wait3A_1271 = tpu.memref_slice %arg4[%squeeze3A_592, %dma_wait3A_1270] : memref<1000000x32xf32, #tpu.memory_space<hbm>> -> memref<1x32xf32, #tpu.memory_space<hbm>>
      tpu.wait_dma2 semaphore(%arg12 : memref<!tpu.dma_semaphore, #tpu.memory_space<semaphore_mem>>) src(%dma_wait3A_1271 : memref<1x32xf32, #tpu.memory_space<hbm>>) dst(%dma_wait3A_1269 : memref<1x32xf32, #tpu.memory_space<vmem>>)
      %dma_wait3A_1272 = arith.constant 24 : i32
      %dma_wait3A_1273 = arith.constant 0 : i32
      %dma_wait3A_1274 = tpu.memref_slice %arg11[%dma_wait3A_1272, %dma_wait3A_1273] : memref<32x32xf32, #tpu.memory_space<vmem>> -> memref<1x32xf32, #tpu.memory_space<vmem>>
      %dma_wait3A_1275 = arith.constant 0 : i32
      %dma_wait3A_1276 = tpu.memref_slice %arg5[%squeeze3A_604, %dma_wait3A_1275] : memref<1000000x32xf32, #tpu.memory_space<hbm>> -> memref<1x32xf32, #tpu.memory_space<hbm>>
      %dma_wait3A_1277 = arith.constant 24 : i32
      %dma_wait3A_1278 = arith.constant 0 : i32
      %dma_wait3A_1279 = tpu.memref_slice %arg11[%dma_wait3A_1277, %dma_wait3A_1278] : memref<32x32xf32, #tpu.memory_space<vmem>> -> memref<1x32xf32, #tpu.memory_space<vmem>>
      %dma_wait3A_1280 = arith.constant 0 : i32
      %dma_wait3A_1281 = tpu.memref_slice %arg5[%squeeze3A_604, %dma_wait3A_1280] : memref<1000000x32xf32, #tpu.memory_space<hbm>> -> memref<1x32xf32, #tpu.memory_space<hbm>>
      tpu.wait_dma2 semaphore(%arg13 : memref<!tpu.dma_semaphore, #tpu.memory_space<semaphore_mem>>) src(%dma_wait3A_1281 : memref<1x32xf32, #tpu.memory_space<hbm>>) dst(%dma_wait3A_1279 : memref<1x32xf32, #tpu.memory_space<vmem>>)
      %dma_wait3A_1282 = arith.constant 25 : i32
      %dma_wait3A_1283 = arith.constant 0 : i32
      %dma_wait3A_1284 = tpu.memref_slice %arg10[%dma_wait3A_1282, %dma_wait3A_1283] : memref<32x32xf32, #tpu.memory_space<vmem>> -> memref<1x32xf32, #tpu.memory_space<vmem>>
      %dma_wait3A_1285 = arith.constant 0 : i32
      %dma_wait3A_1286 = tpu.memref_slice %arg4[%squeeze3A_616, %dma_wait3A_1285] : memref<1000000x32xf32, #tpu.memory_space<hbm>> -> memref<1x32xf32, #tpu.memory_space<hbm>>
      %dma_wait3A_1287 = arith.constant 25 : i32
      %dma_wait3A_1288 = arith.constant 0 : i32
      %dma_wait3A_1289 = tpu.memref_slice %arg10[%dma_wait3A_1287, %dma_wait3A_1288] : memref<32x32xf32, #tpu.memory_space<vmem>> -> memref<1x32xf32, #tpu.memory_space<vmem>>
      %dma_wait3A_1290 = arith.constant 0 : i32
      %dma_wait3A_1291 = tpu.memref_slice %arg4[%squeeze3A_616, %dma_wait3A_1290] : memref<1000000x32xf32, #tpu.memory_space<hbm>> -> memref<1x32xf32, #tpu.memory_space<hbm>>
      tpu.wait_dma2 semaphore(%arg12 : memref<!tpu.dma_semaphore, #tpu.memory_space<semaphore_mem>>) src(%dma_wait3A_1291 : memref<1x32xf32, #tpu.memory_space<hbm>>) dst(%dma_wait3A_1289 : memref<1x32xf32, #tpu.memory_space<vmem>>)
      %dma_wait3A_1292 = arith.constant 25 : i32
      %dma_wait3A_1293 = arith.constant 0 : i32
      %dma_wait3A_1294 = tpu.memref_slice %arg11[%dma_wait3A_1292, %dma_wait3A_1293] : memref<32x32xf32, #tpu.memory_space<vmem>> -> memref<1x32xf32, #tpu.memory_space<vmem>>
      %dma_wait3A_1295 = arith.constant 0 : i32
      %dma_wait3A_1296 = tpu.memref_slice %arg5[%squeeze3A_628, %dma_wait3A_1295] : memref<1000000x32xf32, #tpu.memory_space<hbm>> -> memref<1x32xf32, #tpu.memory_space<hbm>>
      %dma_wait3A_1297 = arith.constant 25 : i32
      %dma_wait3A_1298 = arith.constant 0 : i32
      %dma_wait3A_1299 = tpu.memref_slice %arg11[%dma_wait3A_1297, %dma_wait3A_1298] : memref<32x32xf32, #tpu.memory_space<vmem>> -> memref<1x32xf32, #tpu.memory_space<vmem>>
      %dma_wait3A_1300 = arith.constant 0 : i32
      %dma_wait3A_1301 = tpu.memref_slice %arg5[%squeeze3A_628, %dma_wait3A_1300] : memref<1000000x32xf32, #tpu.memory_space<hbm>> -> memref<1x32xf32, #tpu.memory_space<hbm>>
      tpu.wait_dma2 semaphore(%arg13 : memref<!tpu.dma_semaphore, #tpu.memory_space<semaphore_mem>>) src(%dma_wait3A_1301 : memref<1x32xf32, #tpu.memory_space<hbm>>) dst(%dma_wait3A_1299 : memref<1x32xf32, #tpu.memory_space<vmem>>)
      %dma_wait3A_1302 = arith.constant 26 : i32
      %dma_wait3A_1303 = arith.constant 0 : i32
      %dma_wait3A_1304 = tpu.memref_slice %arg10[%dma_wait3A_1302, %dma_wait3A_1303] : memref<32x32xf32, #tpu.memory_space<vmem>> -> memref<1x32xf32, #tpu.memory_space<vmem>>
      %dma_wait3A_1305 = arith.constant 0 : i32
      %dma_wait3A_1306 = tpu.memref_slice %arg4[%squeeze3A_640, %dma_wait3A_1305] : memref<1000000x32xf32, #tpu.memory_space<hbm>> -> memref<1x32xf32, #tpu.memory_space<hbm>>
      %dma_wait3A_1307 = arith.constant 26 : i32
      %dma_wait3A_1308 = arith.constant 0 : i32
      %dma_wait3A_1309 = tpu.memref_slice %arg10[%dma_wait3A_1307, %dma_wait3A_1308] : memref<32x32xf32, #tpu.memory_space<vmem>> -> memref<1x32xf32, #tpu.memory_space<vmem>>
      %dma_wait3A_1310 = arith.constant 0 : i32
      %dma_wait3A_1311 = tpu.memref_slice %arg4[%squeeze3A_640, %dma_wait3A_1310] : memref<1000000x32xf32, #tpu.memory_space<hbm>> -> memref<1x32xf32, #tpu.memory_space<hbm>>
      tpu.wait_dma2 semaphore(%arg12 : memref<!tpu.dma_semaphore, #tpu.memory_space<semaphore_mem>>) src(%dma_wait3A_1311 : memref<1x32xf32, #tpu.memory_space<hbm>>) dst(%dma_wait3A_1309 : memref<1x32xf32, #tpu.memory_space<vmem>>)
      %dma_wait3A_1312 = arith.constant 26 : i32
      %dma_wait3A_1313 = arith.constant 0 : i32
      %dma_wait3A_1314 = tpu.memref_slice %arg11[%dma_wait3A_1312, %dma_wait3A_1313] : memref<32x32xf32, #tpu.memory_space<vmem>> -> memref<1x32xf32, #tpu.memory_space<vmem>>
      %dma_wait3A_1315 = arith.constant 0 : i32
      %dma_wait3A_1316 = tpu.memref_slice %arg5[%squeeze3A_652, %dma_wait3A_1315] : memref<1000000x32xf32, #tpu.memory_space<hbm>> -> memref<1x32xf32, #tpu.memory_space<hbm>>
      %dma_wait3A_1317 = arith.constant 26 : i32
      %dma_wait3A_1318 = arith.constant 0 : i32
      %dma_wait3A_1319 = tpu.memref_slice %arg11[%dma_wait3A_1317, %dma_wait3A_1318] : memref<32x32xf32, #tpu.memory_space<vmem>> -> memref<1x32xf32, #tpu.memory_space<vmem>>
      %dma_wait3A_1320 = arith.constant 0 : i32
      %dma_wait3A_1321 = tpu.memref_slice %arg5[%squeeze3A_652, %dma_wait3A_1320] : memref<1000000x32xf32, #tpu.memory_space<hbm>> -> memref<1x32xf32, #tpu.memory_space<hbm>>
      tpu.wait_dma2 semaphore(%arg13 : memref<!tpu.dma_semaphore, #tpu.memory_space<semaphore_mem>>) src(%dma_wait3A_1321 : memref<1x32xf32, #tpu.memory_space<hbm>>) dst(%dma_wait3A_1319 : memref<1x32xf32, #tpu.memory_space<vmem>>)
      %dma_wait3A_1322 = arith.constant 27 : i32
      %dma_wait3A_1323 = arith.constant 0 : i32
      %dma_wait3A_1324 = tpu.memref_slice %arg10[%dma_wait3A_1322, %dma_wait3A_1323] : memref<32x32xf32, #tpu.memory_space<vmem>> -> memref<1x32xf32, #tpu.memory_space<vmem>>
      %dma_wait3A_1325 = arith.constant 0 : i32
      %dma_wait3A_1326 = tpu.memref_slice %arg4[%squeeze3A_664, %dma_wait3A_1325] : memref<1000000x32xf32, #tpu.memory_space<hbm>> -> memref<1x32xf32, #tpu.memory_space<hbm>>
      %dma_wait3A_1327 = arith.constant 27 : i32
      %dma_wait3A_1328 = arith.constant 0 : i32
      %dma_wait3A_1329 = tpu.memref_slice %arg10[%dma_wait3A_1327, %dma_wait3A_1328] : memref<32x32xf32, #tpu.memory_space<vmem>> -> memref<1x32xf32, #tpu.memory_space<vmem>>
      %dma_wait3A_1330 = arith.constant 0 : i32
      %dma_wait3A_1331 = tpu.memref_slice %arg4[%squeeze3A_664, %dma_wait3A_1330] : memref<1000000x32xf32, #tpu.memory_space<hbm>> -> memref<1x32xf32, #tpu.memory_space<hbm>>
      tpu.wait_dma2 semaphore(%arg12 : memref<!tpu.dma_semaphore, #tpu.memory_space<semaphore_mem>>) src(%dma_wait3A_1331 : memref<1x32xf32, #tpu.memory_space<hbm>>) dst(%dma_wait3A_1329 : memref<1x32xf32, #tpu.memory_space<vmem>>)
      %dma_wait3A_1332 = arith.constant 27 : i32
      %dma_wait3A_1333 = arith.constant 0 : i32
      %dma_wait3A_1334 = tpu.memref_slice %arg11[%dma_wait3A_1332, %dma_wait3A_1333] : memref<32x32xf32, #tpu.memory_space<vmem>> -> memref<1x32xf32, #tpu.memory_space<vmem>>
      %dma_wait3A_1335 = arith.constant 0 : i32
      %dma_wait3A_1336 = tpu.memref_slice %arg5[%squeeze3A_676, %dma_wait3A_1335] : memref<1000000x32xf32, #tpu.memory_space<hbm>> -> memref<1x32xf32, #tpu.memory_space<hbm>>
      %dma_wait3A_1337 = arith.constant 27 : i32
      %dma_wait3A_1338 = arith.constant 0 : i32
      %dma_wait3A_1339 = tpu.memref_slice %arg11[%dma_wait3A_1337, %dma_wait3A_1338] : memref<32x32xf32, #tpu.memory_space<vmem>> -> memref<1x32xf32, #tpu.memory_space<vmem>>
      %dma_wait3A_1340 = arith.constant 0 : i32
      %dma_wait3A_1341 = tpu.memref_slice %arg5[%squeeze3A_676, %dma_wait3A_1340] : memref<1000000x32xf32, #tpu.memory_space<hbm>> -> memref<1x32xf32, #tpu.memory_space<hbm>>
      tpu.wait_dma2 semaphore(%arg13 : memref<!tpu.dma_semaphore, #tpu.memory_space<semaphore_mem>>) src(%dma_wait3A_1341 : memref<1x32xf32, #tpu.memory_space<hbm>>) dst(%dma_wait3A_1339 : memref<1x32xf32, #tpu.memory_space<vmem>>)
      %dma_wait3A_1342 = arith.constant 28 : i32
      %dma_wait3A_1343 = arith.constant 0 : i32
      %dma_wait3A_1344 = tpu.memref_slice %arg10[%dma_wait3A_1342, %dma_wait3A_1343] : memref<32x32xf32, #tpu.memory_space<vmem>> -> memref<1x32xf32, #tpu.memory_space<vmem>>
      %dma_wait3A_1345 = arith.constant 0 : i32
      %dma_wait3A_1346 = tpu.memref_slice %arg4[%squeeze3A_688, %dma_wait3A_1345] : memref<1000000x32xf32, #tpu.memory_space<hbm>> -> memref<1x32xf32, #tpu.memory_space<hbm>>
      %dma_wait3A_1347 = arith.constant 28 : i32
      %dma_wait3A_1348 = arith.constant 0 : i32
      %dma_wait3A_1349 = tpu.memref_slice %arg10[%dma_wait3A_1347, %dma_wait3A_1348] : memref<32x32xf32, #tpu.memory_space<vmem>> -> memref<1x32xf32, #tpu.memory_space<vmem>>
      %dma_wait3A_1350 = arith.constant 0 : i32
      %dma_wait3A_1351 = tpu.memref_slice %arg4[%squeeze3A_688, %dma_wait3A_1350] : memref<1000000x32xf32, #tpu.memory_space<hbm>> -> memref<1x32xf32, #tpu.memory_space<hbm>>
      tpu.wait_dma2 semaphore(%arg12 : memref<!tpu.dma_semaphore, #tpu.memory_space<semaphore_mem>>) src(%dma_wait3A_1351 : memref<1x32xf32, #tpu.memory_space<hbm>>) dst(%dma_wait3A_1349 : memref<1x32xf32, #tpu.memory_space<vmem>>)
      %dma_wait3A_1352 = arith.constant 28 : i32
      %dma_wait3A_1353 = arith.constant 0 : i32
      %dma_wait3A_1354 = tpu.memref_slice %arg11[%dma_wait3A_1352, %dma_wait3A_1353] : memref<32x32xf32, #tpu.memory_space<vmem>> -> memref<1x32xf32, #tpu.memory_space<vmem>>
      %dma_wait3A_1355 = arith.constant 0 : i32
      %dma_wait3A_1356 = tpu.memref_slice %arg5[%squeeze3A_700, %dma_wait3A_1355] : memref<1000000x32xf32, #tpu.memory_space<hbm>> -> memref<1x32xf32, #tpu.memory_space<hbm>>
      %dma_wait3A_1357 = arith.constant 28 : i32
      %dma_wait3A_1358 = arith.constant 0 : i32
      %dma_wait3A_1359 = tpu.memref_slice %arg11[%dma_wait3A_1357, %dma_wait3A_1358] : memref<32x32xf32, #tpu.memory_space<vmem>> -> memref<1x32xf32, #tpu.memory_space<vmem>>
      %dma_wait3A_1360 = arith.constant 0 : i32
      %dma_wait3A_1361 = tpu.memref_slice %arg5[%squeeze3A_700, %dma_wait3A_1360] : memref<1000000x32xf32, #tpu.memory_space<hbm>> -> memref<1x32xf32, #tpu.memory_space<hbm>>
      tpu.wait_dma2 semaphore(%arg13 : memref<!tpu.dma_semaphore, #tpu.memory_space<semaphore_mem>>) src(%dma_wait3A_1361 : memref<1x32xf32, #tpu.memory_space<hbm>>) dst(%dma_wait3A_1359 : memref<1x32xf32, #tpu.memory_space<vmem>>)
      %dma_wait3A_1362 = arith.constant 29 : i32
      %dma_wait3A_1363 = arith.constant 0 : i32
      %dma_wait3A_1364 = tpu.memref_slice %arg10[%dma_wait3A_1362, %dma_wait3A_1363] : memref<32x32xf32, #tpu.memory_space<vmem>> -> memref<1x32xf32, #tpu.memory_space<vmem>>
      %dma_wait3A_1365 = arith.constant 0 : i32
      %dma_wait3A_1366 = tpu.memref_slice %arg4[%squeeze3A_712, %dma_wait3A_1365] : memref<1000000x32xf32, #tpu.memory_space<hbm>> -> memref<1x32xf32, #tpu.memory_space<hbm>>
      %dma_wait3A_1367 = arith.constant 29 : i32
      %dma_wait3A_1368 = arith.constant 0 : i32
      %dma_wait3A_1369 = tpu.memref_slice %arg10[%dma_wait3A_1367, %dma_wait3A_1368] : memref<32x32xf32, #tpu.memory_space<vmem>> -> memref<1x32xf32, #tpu.memory_space<vmem>>
      %dma_wait3A_1370 = arith.constant 0 : i32
      %dma_wait3A_1371 = tpu.memref_slice %arg4[%squeeze3A_712, %dma_wait3A_1370] : memref<1000000x32xf32, #tpu.memory_space<hbm>> -> memref<1x32xf32, #tpu.memory_space<hbm>>
      tpu.wait_dma2 semaphore(%arg12 : memref<!tpu.dma_semaphore, #tpu.memory_space<semaphore_mem>>) src(%dma_wait3A_1371 : memref<1x32xf32, #tpu.memory_space<hbm>>) dst(%dma_wait3A_1369 : memref<1x32xf32, #tpu.memory_space<vmem>>)
      %dma_wait3A_1372 = arith.constant 29 : i32
      %dma_wait3A_1373 = arith.constant 0 : i32
      %dma_wait3A_1374 = tpu.memref_slice %arg11[%dma_wait3A_1372, %dma_wait3A_1373] : memref<32x32xf32, #tpu.memory_space<vmem>> -> memref<1x32xf32, #tpu.memory_space<vmem>>
      %dma_wait3A_1375 = arith.constant 0 : i32
      %dma_wait3A_1376 = tpu.memref_slice %arg5[%squeeze3A_724, %dma_wait3A_1375] : memref<1000000x32xf32, #tpu.memory_space<hbm>> -> memref<1x32xf32, #tpu.memory_space<hbm>>
      %dma_wait3A_1377 = arith.constant 29 : i32
      %dma_wait3A_1378 = arith.constant 0 : i32
      %dma_wait3A_1379 = tpu.memref_slice %arg11[%dma_wait3A_1377, %dma_wait3A_1378] : memref<32x32xf32, #tpu.memory_space<vmem>> -> memref<1x32xf32, #tpu.memory_space<vmem>>
      %dma_wait3A_1380 = arith.constant 0 : i32
      %dma_wait3A_1381 = tpu.memref_slice %arg5[%squeeze3A_724, %dma_wait3A_1380] : memref<1000000x32xf32, #tpu.memory_space<hbm>> -> memref<1x32xf32, #tpu.memory_space<hbm>>
      tpu.wait_dma2 semaphore(%arg13 : memref<!tpu.dma_semaphore, #tpu.memory_space<semaphore_mem>>) src(%dma_wait3A_1381 : memref<1x32xf32, #tpu.memory_space<hbm>>) dst(%dma_wait3A_1379 : memref<1x32xf32, #tpu.memory_space<vmem>>)
      %dma_wait3A_1382 = arith.constant 30 : i32
      %dma_wait3A_1383 = arith.constant 0 : i32
      %dma_wait3A_1384 = tpu.memref_slice %arg10[%dma_wait3A_1382, %dma_wait3A_1383] : memref<32x32xf32, #tpu.memory_space<vmem>> -> memref<1x32xf32, #tpu.memory_space<vmem>>
      %dma_wait3A_1385 = arith.constant 0 : i32
      %dma_wait3A_1386 = tpu.memref_slice %arg4[%squeeze3A_736, %dma_wait3A_1385] : memref<1000000x32xf32, #tpu.memory_space<hbm>> -> memref<1x32xf32, #tpu.memory_space<hbm>>
      %dma_wait3A_1387 = arith.constant 30 : i32
      %dma_wait3A_1388 = arith.constant 0 : i32
      %dma_wait3A_1389 = tpu.memref_slice %arg10[%dma_wait3A_1387, %dma_wait3A_1388] : memref<32x32xf32, #tpu.memory_space<vmem>> -> memref<1x32xf32, #tpu.memory_space<vmem>>
      %dma_wait3A_1390 = arith.constant 0 : i32
      %dma_wait3A_1391 = tpu.memref_slice %arg4[%squeeze3A_736, %dma_wait3A_1390] : memref<1000000x32xf32, #tpu.memory_space<hbm>> -> memref<1x32xf32, #tpu.memory_space<hbm>>
      tpu.wait_dma2 semaphore(%arg12 : memref<!tpu.dma_semaphore, #tpu.memory_space<semaphore_mem>>) src(%dma_wait3A_1391 : memref<1x32xf32, #tpu.memory_space<hbm>>) dst(%dma_wait3A_1389 : memref<1x32xf32, #tpu.memory_space<vmem>>)
      %dma_wait3A_1392 = arith.constant 30 : i32
      %dma_wait3A_1393 = arith.constant 0 : i32
      %dma_wait3A_1394 = tpu.memref_slice %arg11[%dma_wait3A_1392, %dma_wait3A_1393] : memref<32x32xf32, #tpu.memory_space<vmem>> -> memref<1x32xf32, #tpu.memory_space<vmem>>
      %dma_wait3A_1395 = arith.constant 0 : i32
      %dma_wait3A_1396 = tpu.memref_slice %arg5[%squeeze3A_748, %dma_wait3A_1395] : memref<1000000x32xf32, #tpu.memory_space<hbm>> -> memref<1x32xf32, #tpu.memory_space<hbm>>
      %dma_wait3A_1397 = arith.constant 30 : i32
      %dma_wait3A_1398 = arith.constant 0 : i32
      %dma_wait3A_1399 = tpu.memref_slice %arg11[%dma_wait3A_1397, %dma_wait3A_1398] : memref<32x32xf32, #tpu.memory_space<vmem>> -> memref<1x32xf32, #tpu.memory_space<vmem>>
      %dma_wait3A_1400 = arith.constant 0 : i32
      %dma_wait3A_1401 = tpu.memref_slice %arg5[%squeeze3A_748, %dma_wait3A_1400] : memref<1000000x32xf32, #tpu.memory_space<hbm>> -> memref<1x32xf32, #tpu.memory_space<hbm>>
      tpu.wait_dma2 semaphore(%arg13 : memref<!tpu.dma_semaphore, #tpu.memory_space<semaphore_mem>>) src(%dma_wait3A_1401 : memref<1x32xf32, #tpu.memory_space<hbm>>) dst(%dma_wait3A_1399 : memref<1x32xf32, #tpu.memory_space<vmem>>)
      %dma_wait3A_1402 = arith.constant 31 : i32
      %dma_wait3A_1403 = arith.constant 0 : i32
      %dma_wait3A_1404 = tpu.memref_slice %arg10[%dma_wait3A_1402, %dma_wait3A_1403] : memref<32x32xf32, #tpu.memory_space<vmem>> -> memref<1x32xf32, #tpu.memory_space<vmem>>
      %dma_wait3A_1405 = arith.constant 0 : i32
      %dma_wait3A_1406 = tpu.memref_slice %arg4[%squeeze3A_760, %dma_wait3A_1405] : memref<1000000x32xf32, #tpu.memory_space<hbm>> -> memref<1x32xf32, #tpu.memory_space<hbm>>
      %dma_wait3A_1407 = arith.constant 31 : i32
      %dma_wait3A_1408 = arith.constant 0 : i32
      %dma_wait3A_1409 = tpu.memref_slice %arg10[%dma_wait3A_1407, %dma_wait3A_1408] : memref<32x32xf32, #tpu.memory_space<vmem>> -> memref<1x32xf32, #tpu.memory_space<vmem>>
      %dma_wait3A_1410 = arith.constant 0 : i32
      %dma_wait3A_1411 = tpu.memref_slice %arg4[%squeeze3A_760, %dma_wait3A_1410] : memref<1000000x32xf32, #tpu.memory_space<hbm>> -> memref<1x32xf32, #tpu.memory_space<hbm>>
      tpu.wait_dma2 semaphore(%arg12 : memref<!tpu.dma_semaphore, #tpu.memory_space<semaphore_mem>>) src(%dma_wait3A_1411 : memref<1x32xf32, #tpu.memory_space<hbm>>) dst(%dma_wait3A_1409 : memref<1x32xf32, #tpu.memory_space<vmem>>)
      %dma_wait3A_1412 = arith.constant 31 : i32
      %dma_wait3A_1413 = arith.constant 0 : i32
      %dma_wait3A_1414 = tpu.memref_slice %arg11[%dma_wait3A_1412, %dma_wait3A_1413] : memref<32x32xf32, #tpu.memory_space<vmem>> -> memref<1x32xf32, #tpu.memory_space<vmem>>
      %dma_wait3A_1415 = arith.constant 0 : i32
      %dma_wait3A_1416 = tpu.memref_slice %arg5[%squeeze3A_772, %dma_wait3A_1415] : memref<1000000x32xf32, #tpu.memory_space<hbm>> -> memref<1x32xf32, #tpu.memory_space<hbm>>
      %dma_wait3A_1417 = arith.constant 31 : i32
      %dma_wait3A_1418 = arith.constant 0 : i32
      %dma_wait3A_1419 = tpu.memref_slice %arg11[%dma_wait3A_1417, %dma_wait3A_1418] : memref<32x32xf32, #tpu.memory_space<vmem>> -> memref<1x32xf32, #tpu.memory_space<vmem>>
      %dma_wait3A_1420 = arith.constant 0 : i32
      %dma_wait3A_1421 = tpu.memref_slice %arg5[%squeeze3A_772, %dma_wait3A_1420] : memref<1000000x32xf32, #tpu.memory_space<hbm>> -> memref<1x32xf32, #tpu.memory_space<hbm>>
      tpu.wait_dma2 semaphore(%arg13 : memref<!tpu.dma_semaphore, #tpu.memory_space<semaphore_mem>>) src(%dma_wait3A_1421 : memref<1x32xf32, #tpu.memory_space<hbm>>) dst(%dma_wait3A_1419 : memref<1x32xf32, #tpu.memory_space<vmem>>)
      %mul3A_1422 = arith.constant 32 : i32
      %mul3A_1423 = arith.muli %scan3A_8, %mul3A_1422 : i32
      %add3A_1424 = arith.addi %mul3A_2, %mul3A_1423 : i32
      "tpu.region"() ({
        %run_scoped3A = tpu.sem_alloc : memref<!tpu.dma_semaphore, #tpu.memory_space<semaphore_mem>>
        %dma_start3A_1428 = arith.constant 0 : i32
        %dma_start3A_1429 = tpu.memref_slice %arg6[%add3A_1424, %dma_start3A_1428] : memref<16384x32xf32, #tpu.memory_space<hbm>> -> memref<32x32xf32, #tpu.memory_space<hbm>>
        %dma_start3A_1430 = arith.constant 0 : i32
        %dma_start3A_1431 = tpu.memref_slice %arg6[%add3A_1424, %dma_start3A_1430] : memref<16384x32xf32, #tpu.memory_space<hbm>> -> memref<32x32xf32, #tpu.memory_space<hbm>>
        tpu.enqueue_dma source(%arg10 : memref<32x32xf32, #tpu.memory_space<vmem>>) target(%dma_start3A_1431 : memref<32x32xf32, #tpu.memory_space<hbm>>) target_semaphore(%run_scoped3A : memref<!tpu.dma_semaphore, #tpu.memory_space<semaphore_mem>>)
        %dma_wait3A_1432 = arith.constant 0 : i32
        %dma_wait3A_1433 = tpu.memref_slice %arg6[%add3A_1424, %dma_wait3A_1432] : memref<16384x32xf32, #tpu.memory_space<hbm>> -> memref<32x32xf32, #tpu.memory_space<hbm>>
        %dma_wait3A_1434 = arith.constant 0 : i32
        %dma_wait3A_1435 = tpu.memref_slice %arg6[%add3A_1424, %dma_wait3A_1434] : memref<16384x32xf32, #tpu.memory_space<hbm>> -> memref<32x32xf32, #tpu.memory_space<hbm>>
        tpu.wait_dma2 semaphore(%run_scoped3A : memref<!tpu.dma_semaphore, #tpu.memory_space<semaphore_mem>>) src(%arg10 : memref<32x32xf32, #tpu.memory_space<vmem>>) dst(%dma_wait3A_1435 : memref<32x32xf32, #tpu.memory_space<hbm>>)
        tpu.yield
      }) : () -> ()
      %mul3A_1425 = arith.constant 32 : i32
      %mul3A_1426 = arith.muli %scan3A_8, %mul3A_1425 : i32
      %add3A_1427 = arith.addi %mul3A_2, %mul3A_1426 : i32
      "tpu.region"() ({
        %run_scoped3A = tpu.sem_alloc : memref<!tpu.dma_semaphore, #tpu.memory_space<semaphore_mem>>
        %dma_start3A_1428 = arith.constant 0 : i32
        %dma_start3A_1429 = tpu.memref_slice %arg7[%add3A_1427, %dma_start3A_1428] : memref<16384x32xf32, #tpu.memory_space<hbm>> -> memref<32x32xf32, #tpu.memory_space<hbm>>
        %dma_start3A_1430 = arith.constant 0 : i32
        %dma_start3A_1431 = tpu.memref_slice %arg7[%add3A_1427, %dma_start3A_1430] : memref<16384x32xf32, #tpu.memory_space<hbm>> -> memref<32x32xf32, #tpu.memory_space<hbm>>
        tpu.enqueue_dma source(%arg11 : memref<32x32xf32, #tpu.memory_space<vmem>>) target(%dma_start3A_1431 : memref<32x32xf32, #tpu.memory_space<hbm>>) target_semaphore(%run_scoped3A : memref<!tpu.dma_semaphore, #tpu.memory_space<semaphore_mem>>)
        %dma_wait3A_1432 = arith.constant 0 : i32
        %dma_wait3A_1433 = tpu.memref_slice %arg7[%add3A_1427, %dma_wait3A_1432] : memref<16384x32xf32, #tpu.memory_space<hbm>> -> memref<32x32xf32, #tpu.memory_space<hbm>>
        %dma_wait3A_1434 = arith.constant 0 : i32
        %dma_wait3A_1435 = tpu.memref_slice %arg7[%add3A_1427, %dma_wait3A_1434] : memref<16384x32xf32, #tpu.memory_space<hbm>> -> memref<32x32xf32, #tpu.memory_space<hbm>>
        tpu.wait_dma2 semaphore(%run_scoped3A : memref<!tpu.dma_semaphore, #tpu.memory_space<semaphore_mem>>) src(%arg11 : memref<32x32xf32, #tpu.memory_space<vmem>>) dst(%dma_wait3A_1435 : memref<32x32xf32, #tpu.memory_space<hbm>>)
        tpu.yield
      }) : () -> ()
    }
    %scan3A_7 = arith.constant 16 : i32
    return
  }
}

module attributes {stable_mosaic.version = 14 : i64} {
  func.func @_mlp_body(%arg0: i32, %arg1: memref<2048x32xf32, #tpu.memory_space<vmem>>, %arg2: memref<2048x32xf32, #tpu.memory_space<vmem>>, %arg3: memref<64x64xf32, #tpu.memory_space<vmem>>, %arg4: memref<1x64xf32, #tpu.memory_space<vmem>>, %arg5: memref<64x32xf32, #tpu.memory_space<vmem>>, %arg6: memref<1x32xf32, #tpu.memory_space<vmem>>, %arg7: memref<32x1xf32, #tpu.memory_space<vmem>>, %arg8: memref<1x1xf32, #tpu.memory_space<vmem>>, %arg9: memref<2048x1xf32, #tpu.memory_space<vmem>>) attributes {dimension_semantics = [#tpu.dimension_semantics<arbitrary>], iteration_bounds = array<i64: 8>, scalar_prefetch = 0 : i64, scratch_operands = 0 : i64, tpu.core_type = #tpu.core_type<tc>, window_params = [{transform_indices = @transform_0, window_bounds = array<i64: 2048, 32>}, {transform_indices = @transform_1, window_bounds = array<i64: 2048, 32>}, {pipeline_mode = #tpu.pipeline_mode<synchronous>, transform_indices = @transform_2, window_bounds = array<i64: 64, 64>}, {pipeline_mode = #tpu.pipeline_mode<synchronous>, transform_indices = @transform_3, window_bounds = array<i64: 1, 64>}, {pipeline_mode = #tpu.pipeline_mode<synchronous>, transform_indices = @transform_4, window_bounds = array<i64: 64, 32>}, {pipeline_mode = #tpu.pipeline_mode<synchronous>, transform_indices = @transform_5, window_bounds = array<i64: 1, 32>}, {pipeline_mode = #tpu.pipeline_mode<synchronous>, transform_indices = @transform_6, window_bounds = array<i64: 32, 1>}, {pipeline_mode = #tpu.pipeline_mode<synchronous>, transform_indices = @transform_7, window_bounds = array<i64: 1, 1>}, {transform_indices = @transform_8, window_bounds = array<i64: 2048, 1>}]} {
    %get3A = arith.constant 0 : index
    %get3A_0 = arith.constant 0 : index
    %get3A_1 = vector.load %arg1[%get3A, %get3A_0] : memref<2048x32xf32, #tpu.memory_space<vmem>>, vector<2048x32xf32>
    %get3A_2 = arith.constant 0 : index
    %get3A_3 = arith.constant 0 : index
    %get3A_4 = vector.load %arg3[%get3A_2, %get3A_3] : memref<64x64xf32, #tpu.memory_space<vmem>>, vector<32x64xf32>
    %dot_general3A = arith.constant dense<0.000000e+00> : vector<2048x64xf32>
    %dot_general3A_5 = tpu.matmul %get3A_1, %get3A_4, %dot_general3A {dimension_numbers = #tpu.dot_dimension_numbers<[1], [0], [0], [1], [0, 0, 1, 1], [], []>, transpose_lhs_hint = false} : vector<2048x32xf32>, vector<32x64xf32>, vector<2048x64xf32> -> vector<2048x64xf32>
    %get3A_6 = arith.constant 0 : index
    %get3A_7 = arith.constant 0 : index
    %get3A_8 = vector.load %arg2[%get3A_6, %get3A_7] : memref<2048x32xf32, #tpu.memory_space<vmem>>, vector<2048x32xf32>
    %get3A_9 = arith.constant 32 : index
    %get3A_10 = arith.constant 0 : index
    %get3A_11 = vector.load %arg3[%get3A_9, %get3A_10] : memref<64x64xf32, #tpu.memory_space<vmem>>, vector<32x64xf32>
    %dot_general3A_12 = arith.constant dense<0.000000e+00> : vector<2048x64xf32>
    %dot_general3A_13 = tpu.matmul %get3A_8, %get3A_11, %dot_general3A_12 {dimension_numbers = #tpu.dot_dimension_numbers<[1], [0], [0], [1], [0, 0, 1, 1], [], []>, transpose_lhs_hint = false} : vector<2048x32xf32>, vector<32x64xf32>, vector<2048x64xf32> -> vector<2048x64xf32>
    %add3A = arith.addf %dot_general3A_5, %dot_general3A_13 : vector<2048x64xf32>
    %get3A_14 = arith.constant 0 : index
    %get3A_15 = arith.constant 0 : index
    %get3A_16 = vector.load %arg4[%get3A_14, %get3A_15] : memref<1x64xf32, #tpu.memory_space<vmem>>, vector<1x64xf32>
    %add3A_17 = vector.broadcast %get3A_16 : vector<1x64xf32> to vector<2048x64xf32>
    %add3A_18 = arith.addf %add3A, %add3A_17 : vector<2048x64xf32>
    %max3A = arith.constant 0.000000e+00 : f32
    %max3A_19 = vector.broadcast %max3A : f32 to vector<2048x64xf32>
    %max3A_20 = arith.maximumf %add3A_18, %max3A_19 : vector<2048x64xf32>
    %get3A_21 = arith.constant 0 : index
    %get3A_22 = arith.constant 0 : index
    %get3A_23 = vector.load %arg5[%get3A_21, %get3A_22] : memref<64x32xf32, #tpu.memory_space<vmem>>, vector<64x32xf32>
    %dot_general3A_24 = arith.constant dense<0.000000e+00> : vector<2048x32xf32>
    %dot_general3A_25 = tpu.matmul %max3A_20, %get3A_23, %dot_general3A_24 {dimension_numbers = #tpu.dot_dimension_numbers<[1], [0], [0], [1], [0, 0, 1, 1], [], []>, transpose_lhs_hint = false} : vector<2048x64xf32>, vector<64x32xf32>, vector<2048x32xf32> -> vector<2048x32xf32>
    %get3A_26 = arith.constant 0 : index
    %get3A_27 = arith.constant 0 : index
    %get3A_28 = vector.load %arg6[%get3A_26, %get3A_27] : memref<1x32xf32, #tpu.memory_space<vmem>>, vector<1x32xf32>
    %add3A_29 = vector.broadcast %get3A_28 : vector<1x32xf32> to vector<2048x32xf32>
    %add3A_30 = arith.addf %dot_general3A_25, %add3A_29 : vector<2048x32xf32>
    %max3A_31 = arith.constant 0.000000e+00 : f32
    %max3A_32 = vector.broadcast %max3A_31 : f32 to vector<2048x32xf32>
    %max3A_33 = arith.maximumf %add3A_30, %max3A_32 : vector<2048x32xf32>
    %get3A_34 = arith.constant 0 : index
    %get3A_35 = arith.constant 0 : index
    %get3A_36 = vector.load %arg7[%get3A_34, %get3A_35] : memref<32x1xf32, #tpu.memory_space<vmem>>, vector<32x1xf32>
    %dot_general3A_37 = arith.constant dense<0.000000e+00> : vector<2048x1xf32>
    %dot_general3A_38 = tpu.matmul %max3A_33, %get3A_36, %dot_general3A_37 {dimension_numbers = #tpu.dot_dimension_numbers<[1], [0], [0], [1], [0, 0, 1, 1], [], []>, transpose_lhs_hint = false} : vector<2048x32xf32>, vector<32x1xf32>, vector<2048x1xf32> -> vector<2048x1xf32>
    %get3A_39 = arith.constant 0 : index
    %get3A_40 = arith.constant 0 : index
    %get3A_41 = vector.load %arg8[%get3A_39, %get3A_40] : memref<1x1xf32, #tpu.memory_space<vmem>>, vector<1x1xf32>
    %add3A_42 = vector.broadcast %get3A_41 : vector<1x1xf32> to vector<2048x1xf32>
    %add3A_43 = arith.addf %dot_general3A_38, %add3A_42 : vector<2048x1xf32>
    %swap3A = arith.constant 0 : index
    %swap3A_44 = arith.constant 0 : index
    %swap3A_45 = vector.load %arg9[%swap3A, %swap3A_44] : memref<2048x1xf32, #tpu.memory_space<vmem>>, vector<2048x1xf32>
    tpu.vector_store %arg9[%swap3A, %swap3A_44], %add3A_43 {strides = array<i32>} : memref<2048x1xf32, #tpu.memory_space<vmem>>, vector<2048x1xf32>,
    return
  }
  func.func @transform_0(%arg0: i32) -> (i32, i32) {
    %c0_i32 = arith.constant 0 : i32
    %c0_i32_0 = arith.constant 0 : i32
    return %arg0, %c0_i32 : i32, i32
  }
  func.func @transform_1(%arg0: i32) -> (i32, i32) {
    %c0_i32 = arith.constant 0 : i32
    %c0_i32_0 = arith.constant 0 : i32
    return %arg0, %c0_i32 : i32, i32
  }
  func.func @transform_2(%arg0: i32) -> (i32, i32) {
    %c0_i32 = arith.constant 0 : i32
    %c0_i32_0 = arith.constant 0 : i32
    %c0_i32_1 = arith.constant 0 : i32
    return %c0_i32, %c0_i32_0 : i32, i32
  }
  func.func @transform_3(%arg0: i32) -> (i32, i32) {
    %c0_i32 = arith.constant 0 : i32
    %c0_i32_0 = arith.constant 0 : i32
    %c0_i32_1 = arith.constant 0 : i32
    return %c0_i32, %c0_i32_0 : i32, i32
  }
  func.func @transform_4(%arg0: i32) -> (i32, i32) {
    %c0_i32 = arith.constant 0 : i32
    %c0_i32_0 = arith.constant 0 : i32
    %c0_i32_1 = arith.constant 0 : i32
    return %c0_i32, %c0_i32_0 : i32, i32
  }
  func.func @transform_5(%arg0: i32) -> (i32, i32) {
    %c0_i32 = arith.constant 0 : i32
    %c0_i32_0 = arith.constant 0 : i32
    %c0_i32_1 = arith.constant 0 : i32
    return %c0_i32, %c0_i32_0 : i32, i32
  }
  func.func @transform_6(%arg0: i32) -> (i32, i32) {
    %c0_i32 = arith.constant 0 : i32
    %c0_i32_0 = arith.constant 0 : i32
    %c0_i32_1 = arith.constant 0 : i32
    return %c0_i32, %c0_i32_0 : i32, i32
  }
  func.func @transform_7(%arg0: i32) -> (i32, i32) {
    %c0_i32 = arith.constant 0 : i32
    %c0_i32_0 = arith.constant 0 : i32
    %c0_i32_1 = arith.constant 0 : i32
    return %c0_i32, %c0_i32_0 : i32, i32
  }
  func.func @transform_8(%arg0: i32) -> (i32, i32) {
    %c0_i32 = arith.constant 0 : i32
    %c0_i32_0 = arith.constant 0 : i32
    return %arg0, %c0_i32 : i32, i32
  }
}

</mosaic_0001>

<sc_bundles>
// kernel: kernel.4.cloned.1.call-start
scs
__scs_entry_jumppad:
0x0: {  	(pc) =	sbr.rel $0x88, $3  }
0x1: {  	(tag) =	ssettag $0x0;
	lr =	simm.s32 $0x1  }
0x2: {  	[smem:$0x3F98] =	sst lr;
	_ =	strace $0xD0000000  }
0x3: {  	_ = 	snop  }
0x4: {  	_ = 	snop  }
0x5: {  	_ = 	snop  }
0x6: {  	_ = 	snop  }
0x7: {  	_ = 	snop  }
__scs_overlays_trampoline_lowered:
0x8: {  	[smem:$0x3FA7] =	sst s0  }
0x9: {  	[smem:$0x3FA8] =	sst s1  }
0xa: {  	[smem:$0x3FA9] =	sst s2  }
0xb: {  	[smem:$0x3FAA] =	sst s3  }
0xc: {  	[smem:$0x3FAB] =	sst s4  }
0xd: {  	[smem:$0x3FAC] =	sst s5  }
0xe: {  	[smem:$0x3FAD] =	sst s6  }
0xf: {  	[smem:$0x3FAE] =	sst s7  }
0x10: {  	[smem:$0x3FAF] =	sst s8  }
0x11: {  	[smem:$0x3FB0] =	sst s9;
	s0 =	simm.s32 @!p0 $0x0  }
0x12: {  	s1 =	sld [smem:$0x3F96];
	s0 =	simm.s32 @p0 $0x1  }
0x13: {  	[smem:$0x3FB1] =	sst s0;
	s0 =	simm.s32 @!p1 $0x0  }
0x14: {  	s2 =	sld [smem:$0x3F95];
	s0 =	simm.s32 @p1 $0x1  }
0x15: {  	[smem:$0x3FB2] =	sst s0;
	s0 =	simm.s32 @!p2 $0x0  }
0x16: {  	s3 =	sld [smem:$0x3FDB];
	s0 =	simm.s32 @p2 $0x1  }
0x17: {  	s4 =	simm.s32 $0x1BF5;
	[smem:$0x3FB4] =	sst s0  }
0x18: {  	s0 =	sld [smem:$0x3F97];
	_ =	swait.ge [sflag:s4], $0x0  }
0x19: {  	s7 =	sld [smem:$0x3F98]  }
0x1a: {  	s8 =	sadd.s32 $0xFFFFE003, lr  }
0x1b: {  	s9 =	sadd.s32 $0xFFFFFEF7, lr;
	s5 =	simm.s32 $0xFFFFFFFF;
	p2 =	slt.u32 s8, $0xFFFFF086  }
0x1c: {  	p1 =	slt.u32 s9, $0xF7A;
	s5 =	simm.s32 @!p2 $0x0  }
0x1d: {  	s5 =	simm.s32 @p1 $0x1;
	p0 =	seq.s32 s7, s2  }
0x1e: {  	s7 =	smul.u32 @!p0 $0xF7A, s2;
	p2 =	seq.s32 @!p0 s5, $0x0  }
0x1f: {  	s9 =	smul.u32 $0xF7A, s1;
	s8 =	simm.s32 @!p0 $0x1BF5;
	p2 =	por !p2, p0  }
0x20: {  	[sflag:s8] =	ssyncset.s32 @!p0 $0xFFFFF086;
	s6 =	sadd.s32 @!p0 s3, s7;
	s7 =	simm.s32 @!p0 $0x108  }
0x21: {  	s3 =	sadd.s32 s3, s9;
	s6 =	sadd.s32 @!p0 $0x88, s6;
	s7 =	simm.s32 @p2 $0x1082  }
0x22: {  	[simem:s7], [sflag:s8] =	dma.local @!p0 [hbm:s6], $0xF7A  }
0x23: {  	s9 =	sor.u32 $0xD0000000, s2;
	s6 =	simm.s32 $0x108;
	_ =	swait.ge @!p0 [sflag:s8], $0x0  }
0x24: {  	s3 =	sadd.s32 $0x88, s3;
	s6 =	simm.s32 @!p1 $0x1082;
	[sflag:s4] =	ssyncset.s32 $0xFFFFF086  }
0x25: {  	[simem:s6], [sflag:s4] =	dma.local [hbm:s3], $0xF7A  }
0x26: {  	[smem:$0x3F98] =	sst s1;
	(tag) =	ssettag s2;
	_ =	strace s9  }
0x27: {  	s1 =	sld [smem:$0x3FA8]  }
0x28: {  	s2 =	sld [smem:$0x3FA9]  }
0x29: {  	s4 =	sld [smem:$0x3FAB]  }
0x2a: {  	p0 =	seq.s32 s5, $0x0;
	s5 =	sld [smem:$0x3FAC]  }
0x2b: {  	s6 =	sld [smem:$0x3FAD]  }
0x2c: {  	s7 =	sld [smem:$0x3FAE]  }
0x2d: {  	s3 =	simm.s32 $0x108;
	s8 =	sld [smem:$0x3FAF]  }
0x2e: {  	s3 =	simm.s32 @!p0 $0x1082;
	s9 =	sld [smem:$0x3FB0]  }
0x2f: {  	lr =	sadd.s32 s0, s3;
	s0 =	sld [smem:$0x3FA7]  }
0x30: {  	s3 =	sld [smem:$0x3FAA]  }
0x31: {  	[smem:$0x3FB3] =	sst s10  }
0x32: {  	s10 =	sld [smem:$0x3FB1];
	_ =	sdelay $0x3  }
0x33: {  	p0 =	seq.s32 s10, $0x1;
	s10 =	sld [smem:$0x3FB3];
	_ =	sdelay $0x3  }
0x34: {  	[smem:$0x3FB3] =	sst s10  }
0x35: {  	s10 =	sld [smem:$0x3FB2];
	_ =	sdelay $0x3  }
0x36: {  	p1 =	seq.s32 s10, $0x1;
	s10 =	sld [smem:$0x3FB3];
	_ =	sdelay $0x3  }
0x37: {  	[smem:$0x3FB3] =	sst s10  }
0x38: {  	s10 =	sld [smem:$0x3FB4]  }
0x39: {  	_ = 	snop;
	(pc) =	sbr.ind lr, $3  }
0x3a: {  	_ = 	snop  }
0x3b: {  	_ = 	snop  }
0x3c: {  	p2 =	seq.s32 s10, $0x1;
	s10 =	sld [smem:$0x3FB3]  }
0x3d: {  	_ =	shalt  }
0x3e: {  	_ =	shalt  }
0x3f: {  	_ =	shalt  }
0x40: {  	_ =	shalt  }
0x41: {  	_ =	shalt  }
0x42: {  	_ =	shalt  }
0x43: {  	_ =	shalt  }
0x44: {  	_ =	shalt  }
0x45: {  	_ =	shalt  }
0x46: {  	_ =	shalt  }
0x47: {  	_ =	shalt  }
0x48: {  	_ =	shalt  }
0x49: {  	_ =	shalt  }
0x4a: {  	_ =	shalt  }
0x4b: {  	_ =	shalt  }
0x4c: {  	_ =	shalt  }
0x4d: {  	_ =	shalt  }
0x4e: {  	_ =	shalt  }
0x4f: {  	_ =	shalt  }
0x50: {  	_ =	shalt  }
0x51: {  	_ =	shalt  }
0x52: {  	_ =	shalt  }
0x53: {  	_ =	shalt  }
0x54: {  	_ =	shalt  }
0x55: {  	_ =	shalt  }
0x56: {  	_ =	shalt  }
0x57: {  	_ =	shalt  }
0x58: {  	_ =	shalt  }
0x59: {  	_ =	shalt  }
0x5a: {  	_ =	shalt  }
0x5b: {  	_ =	shalt  }
0x5c: {  	_ =	shalt  }
0x5d: {  	_ =	shalt  }
0x5e: {  	_ =	shalt  }
0x5f: {  	_ =	shalt  }
0x60: {  	_ =	shalt  }
0x61: {  	_ =	shalt  }
0x62: {  	_ =	shalt  }
0x63: {  	_ =	shalt  }
0x64: {  	_ =	shalt  }
0x65: {  	_ =	shalt  }
0x66: {  	_ =	shalt  }
0x67: {  	_ =	shalt  }
0x68: {  	_ =	shalt  }
0x69: {  	_ =	shalt  }
0x6a: {  	_ =	shalt  }
0x6b: {  	_ =	shalt  }
0x6c: {  	_ =	shalt  }
0x6d: {  	_ =	shalt  }
0x6e: {  	_ =	shalt  }
0x6f: {  	_ =	shalt  }
0x70: {  	_ =	shalt  }
0x71: {  	_ =	shalt  }
0x72: {  	_ =	shalt  }
0x73: {  	_ =	shalt  }
0x74: {  	_ =	shalt  }
0x75: {  	_ =	shalt  }
0x76: {  	_ =	shalt  }
0x77: {  	_ =	shalt  }
0x78: {  	_ =	shalt  }
0x79: {  	_ =	shalt  }
0x7a: {  	_ =	shalt  }
0x7b: {  	_ =	shalt  }
0x7c: {  	_ =	shalt  }
0x7d: {  	_ =	shalt  }
0x7e: {  	_ =	shalt  }
0x7f: {  	_ =	shalt  }
0x80: {  	_ =	shalt  }
0x81: {  	_ =	shalt  }
0x82: {  	_ =	shalt  }
0x83: {  	_ =	shalt  }
0x84: {  	_ =	shalt  }
0x85: {  	_ =	shalt  }
0x86: {  	_ =	shalt  }
0x87: {  	_ =	shalt  }
.Lfunc_end0:
.L_simem_size_0:
called_computation_lowered:
.L_overlay_start_0:
0x88: {  	s2 =	sld [smem:$0x3FD9]  }
0x89: {  	s3 =	sld [smem:$0x3FFE];
	_ =	sdelay $0x1  }
0x8a: {  	s1 =	srdreg.scid  }
0x8b: {  	s0 =	sand.u32 $0x1, s1  }
0x8c: {  	s17 =	sshll.u32 s0, $0xA;
	s2 =	sadd.s32 s3, s2  }
0x8d: {  	s2 =	sadd.s32 s2, s17  }
0x8e: {  	[smem:$0x3FBF] =	sst s2  }
0x8f: {  	_ = 	snop  }
0x90: {  	s2 =	sld [smem:$0x3FD0];
	(tm) =	ssettm $0x1  }
0x91: {  	s18 =	sld [smem:$0x3FFB];
	_ =	sdelay $0x3  }
0x92: {  	_ =	strace s18  }
0x93: {  	s3 =	sld [smem:$0x3FFC];
	_ =	sdelay $0x3  }
0x94: {  	_ =	strace s3  }
0x95: {  	s3 =	sld [smem:$0x3FFD];
	_ =	sdelay $0x3  }
0x96: {  	_ =	strace s3  }
0x97: {  	_ =	strace $0x8FFFFFFF  }
0x98: {  	s19 =	sld [smem:$0x3FDB];
	_ =	sdelay $0x1  }
0x99: {  	s4 =	simm.s32 $_scs_section_size  }
0x9a: {  	s5 =	simm.s32 $_size__tile_overlayer_lowered;
	s6 =	simm.s32 $_tile_overlayer_lowered  }
0x9b: {  	s22 =	simm.s32 $0x1BFF;
	s21 =	sshll.u32 s6, $0x1;
	s3 =	sadd.s32 s4, s19  }
0x9c: {  	s7 =	simm.s32 $0x0;
	s20 =	sshll.u32 s5, $0x1;
	s5 =	sadd.s32 s21, s3  }
0x9d: {  	[timem:s7], [sflag:s22] =	dma.local [hbm:s5], s20  }
0x9e: {  	_ =	swait.ge [sflag:s22], s20  }
0x9f: {  	s4 =	ssub.s32 $0x0, s20;
	[sflag:s22] =	ssyncset.done $0x0  }
0xa0: {  	[sflag:s22] =	ssyncadd.s32 s4;
	_ =	sdelay $0x1  }
0xa1: {  	s23 =	simm.s32 $0x1B8B  }
0xa2: {  	_ =	swait.ge [sflag:s23], $0x1  }
0xa3: {  	[sflag:s23] =	ssyncset.done $0x0  }
0xa4: {  	s25 =	simm.s32 $0x1B8E;
	s24 =	sld [smem:$0x3FFE];
	[sflag:s23] =	ssyncadd.s32 $0xFFFFFFFF  }
0xa5: {  	s26 =	simm.s32 $execute0_lowered;
	[smem:$0x3FD2] =	sst s25  }
0xa6: {  	s5 =	sshll.u32 s26, $0x1;
	_ =	strace $0x80000046;
	[dreg:$0x1] =	wrdreg $0xFFFFFFFF  }
0xa7: {  	s28 =	simm.s32 $_size_execute0_lowered;
	s3 =	sadd.s32 s3, s5;
	[dreg:$0x0] =	wrdreg $0x0  }
0xa8: {  	s5 =	sshll.u32 s28, $0x1;
	[dreg:$0x2] =	wrdreg s3  }
0xa9: {  	[dreg:$0x3] =	wrdreg s5  }
0xaa: {  	[dreg:$0x4] =	wrdreg $0xC0  }
0xab: {  	_ =	task [dreg:s7], $0x5FFFF  }
0xac: {  	[dreg:$0x1] =	wrdreg $0xFFFFFFFF  }
0xad: {  	[dreg:$0x0] =	wrdreg $0x60  }
0xae: {  	[dreg:$0x2] =	wrdreg s24  }
0xaf: {  	[dreg:$0x3] =	wrdreg s2  }
0xb0: {  	[dreg:$0x4] =	wrdreg $0x9  }
0xb1: {  	_ =	task.clear_ibuf [dreg:s7], $0x5FFFF;
	_ =	strace $0x90000046  }
0xb2: {  	s29 =	simm.s32 $0x9;
	_ =	strace $0x80000048  }
0xb3: {  	_ =	swait.ge [sflag:s29], $0x1  }
0xb4: {  	[sflag:s29] =	ssyncadd.s32 $0xFFFFFFFF  }
0xb5: {  	_ =	strace $0x90000048  }
0xb6: {  	_ =	sfence  }
0xb7: {  	s30 =	sld [smem:$0x0];
	_ =	sdelay $0x2  }
0xb8: {  	s31 =	sshll.u32 s1, $0xD;
	s1 =	sshrl.u32 s1, $0x2  }
0xb9: {  	s3 =	sand.u32 $0x4000, s31;
	s1 =	sadd.s32 s1, s30  }
0xba: {  	s0 =	sor.u32 s3, s0;
	s1 =	sshll.u32 s1, $0x11  }
0xbb: {  	s0 =	sor.u32 s1, s0  }
0xbc: {  	s0 =	sadd.s32 $0x8F2B, s0  }
0xbd: {  	[sflag:s0] =	ssyncadd.remote.s32 $0x1  }
0xbe: {  	_ =	sfence.sel $0xFFFF  }
0xbf: {  	[dreg:$0x0] =	wrdreg $0xFFFFFFFF;
	(pc) =	sbr.abs _section_cstart, $3  }
0xc0: {  	[dreg:$0x1] =	wrdreg $0xFFFFFFFF  }
0xc1: {  	_ =	task.clear_ibuf [dreg:s7], $0x2FFFF;
	_ =	strace $0x9FFFFFFF  }
0xc2: {  	(tm) =	ssettm $0x7FFFFFFF  }
0xc3: {  	_ =	shalt  }
tec
execute0_lowered:
.L_overlay_start_1:
0x0: {  	(tag) =	ssettag $0x1  }
0x1: {  	s4 =	rddreg [dreg:$0x0]  }
0x2: {  	s6 =	rddreg [dreg:$0x1];
	s2 =	srdreg.scid  }
0x3: {  	s0 =	rddreg [dreg:$0x2];
	s5 =	sand.u32 $0x1, s2;
	s2 =	simm.s32 $0x0  }
0x4: {  	s17 =	simm.s32 $0x480;
	[smem:$0x7FF] =	sst s2  }
0x5: {  	s18 =	simm.s32 $0x1480;
	_ =	strace $0x80000047;
	[dreg:$0x5] =	wrdreg s17  }
0x6: {  	s19 =	simm.s32 $0x500;
	[dreg:$0x6] =	wrdreg s18  }
0x7: {  	s20 =	simm.s32 $0x1500;
	[dreg:$0x7] =	wrdreg s19  }
0x8: {  	s21 =	simm.s32 $0x580;
	[dreg:$0x8] =	wrdreg s20  }
0x9: {  	s22 =	simm.s32 $0x1580;
	[dreg:$0x9] =	wrdreg s21  }
0xa: {  	s23 =	simm.s32 $0x600;
	[dreg:$0xa] =	wrdreg s22  }
0xb: {  	s24 =	simm.s32 $0x1600;
	[dreg:$0xb] =	wrdreg s23  }
0xc: {  	s25 =	simm.s32 $0x680;
	[dreg:$0xc] =	wrdreg s24  }
0xd: {  	s26 =	simm.s32 $0x1680;
	[dreg:$0xd] =	wrdreg s25  }
0xe: {  	s28 =	simm.s32 $0x700;
	[dreg:$0xe] =	wrdreg s26  }
0xf: {  	s29 =	simm.s32 $0x1700;
	[dreg:$0xf] =	wrdreg s28  }
0x10: {  	s30 =	simm.s32 $0x780;
	[dreg:$0x10] =	wrdreg s29  }
0x11: {  	s31 =	simm.s32 $0x1780;
	[dreg:$0x11] =	wrdreg s30  }
0x12: {  	s8 =	simm.s32 $0x1800;
	[dreg:$0x12] =	wrdreg s31  }
0x13: {  	s9 =	simm.s32 $0x880;
	[dreg:$0x14] =	wrdreg s8  }
0x14: {  	s10 =	simm.s32 $0x1880;
	[dreg:$0x15] =	wrdreg s9  }
0x15: {  	s11 =	simm.s32 $0x900;
	[dreg:$0x16] =	wrdreg s10  }
0x16: {  	s12 =	simm.s32 $0x1900;
	[dreg:$0x17] =	wrdreg s11  }
0x17: {  	s13 =	simm.s32 $0x980;
	[dreg:$0x18] =	wrdreg s12  }
0x18: {  	s14 =	simm.s32 $0x1980;
	[dreg:$0x19] =	wrdreg s13  }
0x19: {  	s15 =	simm.s32 $0xA00;
	[dreg:$0x1a] =	wrdreg s14  }
0x1a: {  	s16 =	simm.s32 $0x1A00;
	[dreg:$0x1b] =	wrdreg s15  }
0x1b: {  	[dreg:$0x1c] =	wrdreg s16;
	s17 =	simm.s32 $0xA80  }
0x1c: {  	s18 =	simm.s32 $0x1A80;
	[dreg:$0x1d] =	wrdreg s17  }
0x1d: {  	s19 =	simm.s32 $0xB00;
	[dreg:$0x1e] =	wrdreg s18  }
0x1e: {  	s20 =	simm.s32 $0x1B00;
	[dreg:$0x1f] =	wrdreg s19  }
0x1f: {  	s21 =	simm.s32 $0xB80;
	[smem:$0x7DB] =	sst s20  }
0x20: {  	s22 =	simm.s32 $0x1B80;
	[smem:$0x7DC] =	sst s21  }
0x21: {  	s23 =	simm.s32 $0xC00;
	[smem:$0x7DD] =	sst s22  }
0x22: {  	s24 =	simm.s32 $0x1C00;
	[smem:$0x7DE] =	sst s23  }
0x23: {  	s25 =	simm.s32 $0xC80;
	[smem:$0x7DF] =	sst s24  }
0x24: {  	s26 =	simm.s32 $0x1C80;
	[smem:$0x7E0] =	sst s25  }
0x25: {  	s28 =	simm.s32 $0xD00;
	[smem:$0x7E1] =	sst s26  }
0x26: {  	s29 =	simm.s32 $0x1D00;
	[smem:$0x7E2] =	sst s28  }
0x27: {  	s30 =	simm.s32 $0xD80;
	[smem:$0x7E3] =	sst s29  }
0x28: {  	s31 =	simm.s32 $0x1D80;
	[smem:$0x7E4] =	sst s30  }
0x29: {  	s8 =	simm.s32 $0x1E00;
	[smem:$0x7E5] =	sst s31  }
0x2a: {  	s9 =	simm.s32 $0xE80;
	[smem:$0x7E7] =	sst s8  }
0x2b: {  	s10 =	simm.s32 $0x1E80;
	[smem:$0x7E8] =	sst s9  }
0x2c: {  	s1 =	stileid.u32;
	s11 =	simm.s32 $0xF00;
	[smem:$0x7E9] =	sst s10  }
0x2d: {  	s3 =	sshll.u32 s1, $0xE;
	s12 =	simm.s32 $0x1F00;
	[smem:$0x7EA] =	sst s11  }
0x2e: {  	s3 =	sadd.s32 s3, s4;
	s13 =	simm.s32 $0xF80;
	[smem:$0x7EB] =	sst s12  }
0x2f: {  	s7 =	sshll.u32 s5, $0xD;
	s14 =	simm.s32 $0x1F80;
	[smem:$0x7EC] =	sst s13  }
0x30: {  	s3 =	sadd.s32 s7, s3;
	s15 =	simm.s32 $0x1000;
	[smem:$0x7ED] =	sst s14  }
0x31: {  	s7 =	sadd.s32 $0x1E86600, s3;
	[smem:$0x7EE] =	sst s15  }
0x32: {  	s3 =	sadd.s32 $0x1EC6600, s3;
	[dreg:$0x3] =	wrdreg s7  }
0x33: {  	s17 =	simm.s32 $0x2000;
	[dreg:$0x4] =	wrdreg s3  }
0x34: {  	s18 =	simm.s32 $0x1080;
	[smem:$0x7EF] =	sst s17  }
0x35: {  	s19 =	simm.s32 $0x2080;
	[smem:$0x7F0] =	sst s18  }
0x36: {  	s20 =	simm.s32 $0x1100;
	[smem:$0x7F1] =	sst s19  }
0x37: {  	s9 =	simm.s32 $0x2100;
	[smem:$0x7F2] =	sst s20  }
0x38: {  	s22 =	simm.s32 $0x1180;
	[smem:$0x7F3] =	sst s9  }
0x39: {  	s23 =	simm.s32 $0x2180;
	[smem:$0x7F4] =	sst s22  }
0x3a: {  	s24 =	simm.s32 $0x1200;
	[smem:$0x7F5] =	sst s23  }
0x3b: {  	s16 =	sshll.u32 s1, $0xA;
	s25 =	simm.s32 $0x2200;
	[smem:$0x7F6] =	sst s24  }
0x3c: {  	s8 =	sshll.u32 s5, $0x9;
	s26 =	simm.s32 $0x1280;
	[smem:$0x7F7] =	sst s25  }
0x3d: {  	s5 =	ssub.s32 $0x2, s5;
	s28 =	simm.s32 $0x2280;
	[smem:$0x7F8] =	sst s26  }
0x3e: {  	s29 =	simm.s32 $0x1300;
	s30 =	simm.s32 $0x2300;
	[smem:$0x7F9] =	sst s28  }
0x3f: {  	s31 =	simm.s32 $0x1380;
	s12 =	simm.s32 $0x2380;
	[smem:$0x7FA] =	sst s29  }
0x40: {  	s11 =	simm.s32 $0x1400;
	s13 =	simm.s32 $0x2;
	[smem:$0x7FB] =	sst s30  }
0x41: {  	s14 =	simm.s32 $0x0;
	s7 =	simm.s32 $0x800;
	[smem:$0x7FC] =	sst s31  }
0x42: {  	s3 =	sadd.s32 $0x1E00, s4;
	s10 =	sshrl.u32 s5, $0x1;
	[smem:$0x7FD] =	sst s12  }
0x43: {  	s9 =	simm.s32 $0x200;
	[dreg:$0x13] =	wrdreg s7;
	s7 =	simm.s32 $0xE00  }
0x44: {  	s12 =	simm.s32 $0x1;
	[smem:$0x7E6] =	sst s7;
	s7 =	sor.u32 s8, s16  }
0x45: {  	s10 =	ssub.s32 s5, s10;
	s8 =	simm.s32 $0x3;
	s7 =	sshrl.u32 s7, $0x3  }
0x46: {  	s21 =	sadd.s32 s7, s4;
	s4 =	sadd.s32 $0xF44200, s4;
	s6 =	sadd.s32 s6, s7  }
0x47: {  	s7 =	smax.u32 s10, $0x1;
	s10 =	simm.s32 $0x400;
	s5 =	sadd.s32 $0x1600, s21  }
.LBB2_1:
0x48: {  	[tilespmem:s2], [sflag:$0x3] =	stream.linear.gather [hbm4b:s5+s2], $0x200, $0x38;
	[tilespmem:$0x2400] =	vst v63  }
0x49: {  	_ =	swait.ge [sflag:s8], $0x200  }
0x4a: {  	[sflag:s8] =	ssyncset.done $0x0  }
0x4b: {  	[sflag:s8] =	ssyncadd.s32 $0xFFFFFE00  }
0x4c: {  	[tilespmem:s9], [sflag:$0x3] =	stream.linear.gather [hbm4b:s6+s2], $0x200, $0x38;
	[tilespmem:$0x2400] =	vst v63  }
0x4d: {  	_ =	swait.ge [sflag:s8], $0x200  }
0x4e: {  	s15 =	simm.s32 $0x210;
	[sflag:s8] =	ssyncset.done $0x0  }
0x4f: {  	s16 =	simm.s32 $0x10;
	s17 =	simm.s32 $0x0;
	[sflag:s8] =	ssyncadd.s32 $0xFFFFFE00  }
.LBB2_2:
0x50: {  	v0 =	vld [tilespmem:s16+$0xFFFFFFF0];
	_ =	sdelay $0x1  }
0x51: {  	v1 =	vld [tilespmem:s15+$0xFFFFFFF0];
	_ =	sdelay $0x2  }
0x52: {  	v3 =	vshll.u32 v0, $0x4  }
0x53: {  	(v2sf) =	vpush v3, $0x0  }
0x54: {  	v2 =	vshll.u32 v1, $0x4  }
0x55: {  	(v2sf) =	vpush v2, $0x0;
	_ =	sdelay $0x1  }
0x56: {  	(v2sf) =	vpush v3, $0x1;
	_ =	sdelay $0x2  }
0x57: {  	(v2sf) =	vpush v2, $0x1;
	_ =	sdelay $0x7  }
0x58: {  	s18 =	spop (v2sf);
	(v2sf) =	vpush v3, $0x2;
	_ =	sdelay $0x1  }
0x59: {  	s25 =	spop (v2sf);
	(v2sf) =	vpush v2, $0x2;
	_ =	sdelay $0x1  }
0x5a: {  	s26 =	spop (v2sf);
	(v2sf) =	vpush v3, $0x3;
	_ =	sdelay $0x2  }
0x5b: {  	s28 =	spop (v2sf);
	(v2sf) =	vpush v2, $0x3  }
0x5c: {  	s18 =	sand.u32 $0x1FFFFFF0, s18  }
0x5d: {  	v62 =	vld [tilespmem:s16+$0x0];
	s18 =	sadd.s32 s3, s18  }
0x5e: {  	v63 =	vld [tilespmem:s15+$0x0];
	[tilespmem:s10], [sflag:$0x1] =	stream.linear.gather [hbm4b:s18+s2], $0x80, $0x38  }
0x5f: {  	s18 =	sand.u32 $0x1FFFFFF0, s25  }
0x60: {  	s18 =	sadd.s32 s4, s18  }
0x61: {  	[tilespmem:s11], [sflag:$0x2] =	stream.linear.gather [hbm4b:s18+s2], $0x80, $0x38;
	[tilespmem:$0x2400] =	vst v63  }
0x62: {  	s18 =	sand.u32 $0x1FFFFFF0, s26  }
0x63: {  	s19 =	rddreg [dreg:$0x5];
	s18 =	sadd.s32 s3, s18;
	s30 =	spop (v2sf);
	(v2sf) =	vpush v3, $0x4  }
0x64: {  	[tilespmem:s19], [sflag:$0x1] =	stream.linear.gather [hbm4b:s18+s2], $0x80, $0x38;
	[tilespmem:$0x2400] =	vst v63  }
0x65: {  	s19 =	spop (v2sf);
	(v2sf) =	vpush v2, $0x4;
	_ =	sdelay $0x1  }
0x66: {  	s21 =	spop (v2sf);
	(v2sf) =	vpush v3, $0x5;
	_ =	sdelay $0x2  }
0x67: {  	s23 =	spop (v2sf);
	(v2sf) =	vpush v2, $0x5;
	_ =	sdelay $0x7  }
0x68: {  	s25 =	spop (v2sf);
	(v2sf) =	vpush v3, $0x6  }
0x69: {  	s18 =	sand.u32 $0x1FFFFFF0, s28  }
0x6a: {  	s29 =	rddreg [dreg:$0x6];
	s18 =	sadd.s32 s4, s18;
	s28 =	spop (v2sf);
	(v2sf) =	vpush v2, $0x6  }
0x6b: {  	[tilespmem:s29], [sflag:$0x2] =	stream.linear.gather [hbm4b:s18+s2], $0x80, $0x38;
	[tilespmem:$0x2400] =	vst v63  }
0x6c: {  	s18 =	sand.u32 $0x1FFFFFF0, s30;
	s30 =	spop (v2sf);
	(v2sf) =	vpush v3, $0x7  }
0x6d: {  	s31 =	rddreg [dreg:$0x7];
	s18 =	sadd.s32 s3, s18  }
0x6e: {  	[tilespmem:s31], [sflag:$0x1] =	stream.linear.gather [hbm4b:s18+s2], $0x80, $0x38;
	[tilespmem:$0x2400] =	vst v63  }
0x6f: {  	s18 =	sand.u32 $0x1FFFFFF0, s19;
	s19 =	spop (v2sf);
	(v2sf) =	vpush v2, $0x7;
	_ =	sdelay $0x2  }
0x70: {  	s20 =	rddreg [dreg:$0x8];
	s18 =	sadd.s32 s4, s18  }
0x71: {  	[tilespmem:s20], [sflag:$0x2] =	stream.linear.gather [hbm4b:s18+s2], $0x80, $0x38;
	[tilespmem:$0x2400] =	vst v63  }
0x72: {  	s18 =	sand.u32 $0x1FFFFFF0, s21  }
0x73: {  	s22 =	rddreg [dreg:$0x9];
	s18 =	sadd.s32 s3, s18  }
0x74: {  	[tilespmem:s22], [sflag:$0x1] =	stream.linear.gather [hbm4b:s18+s2], $0x80, $0x38;
	[tilespmem:$0x2400] =	vst v63  }
0x75: {  	s21 =	spop (v2sf);
	(v2sf) =	vpush v3, $0x8  }
0x76: {  	s18 =	sand.u32 $0x1FFFFFF0, s23  }
0x77: {  	s24 =	rddreg [dreg:$0xa];
	s18 =	sadd.s32 s4, s18;
	s23 =	spop (v2sf);
	(v2sf) =	vpush v2, $0x8  }
0x78: {  	[tilespmem:s24], [sflag:$0x2] =	stream.linear.gather [hbm4b:s18+s2], $0x80, $0x38;
	[tilespmem:$0x2400] =	vst v63  }
0x79: {  	s18 =	sand.u32 $0x1FFFFFF0, s25;
	s25 =	spop (v2sf);
	(v2sf) =	vpush v3, $0x9  }
0x7a: {  	s26 =	rddreg [dreg:$0xb];
	s18 =	sadd.s32 s3, s18  }
0x7b: {  	[tilespmem:s26], [sflag:$0x1] =	stream.linear.gather [hbm4b:s18+s2], $0x80, $0x38;
	[tilespmem:$0x2400] =	vst v63  }
0x7c: {  	s18 =	sand.u32 $0x1FFFFFF0, s28;
	s28 =	spop (v2sf);
	(v2sf) =	vpush v2, $0x9;
	_ =	sdelay $0x2  }
0x7d: {  	s29 =	rddreg [dreg:$0xc];
	s18 =	sadd.s32 s4, s18  }
0x7e: {  	[tilespmem:s29], [sflag:$0x2] =	stream.linear.gather [hbm4b:s18+s2], $0x80, $0x38;
	[tilespmem:$0x2400] =	vst v63  }
0x7f: {  	s18 =	sand.u32 $0x1FFFFFF0, s30  }
0x80: {  	s31 =	rddreg [dreg:$0xd];
	s18 =	sadd.s32 s3, s18  }
0x81: {  	[tilespmem:s31], [sflag:$0x1] =	stream.linear.gather [hbm4b:s18+s2], $0x80, $0x38;
	[tilespmem:$0x2400] =	vst v63  }
0x82: {  	s30 =	spop (v2sf);
	(v2sf) =	vpush v3, $0xA  }
0x83: {  	s18 =	sand.u32 $0x1FFFFFF0, s19  }
0x84: {  	s20 =	rddreg [dreg:$0xe];
	s18 =	sadd.s32 s4, s18;
	s19 =	spop (v2sf);
	(v2sf) =	vpush v2, $0xA  }
0x85: {  	[tilespmem:s20], [sflag:$0x2] =	stream.linear.gather [hbm4b:s18+s2], $0x80, $0x38;
	[tilespmem:$0x2400] =	vst v63  }
0x86: {  	s18 =	sand.u32 $0x1FFFFFF0, s21;
	s21 =	spop (v2sf);
	(v2sf) =	vpush v3, $0xB  }
0x87: {  	s22 =	rddreg [dreg:$0xf];
	s18 =	sadd.s32 s3, s18  }
0x88: {  	[tilespmem:s22], [sflag:$0x1] =	stream.linear.gather [hbm4b:s18+s2], $0x80, $0x38;
	[tilespmem:$0x2400] =	vst v63  }
0x89: {  	s18 =	sand.u32 $0x1FFFFFF0, s23;
	s23 =	spop (v2sf);
	(v2sf) =	vpush v2, $0xB;
	_ =	sdelay $0x2  }
0x8a: {  	s24 =	rddreg [dreg:$0x10];
	s18 =	sadd.s32 s4, s18  }
0x8b: {  	[tilespmem:s24], [sflag:$0x2] =	stream.linear.gather [hbm4b:s18+s2], $0x80, $0x38;
	[tilespmem:$0x2400] =	vst v63  }
0x8c: {  	s18 =	sand.u32 $0x1FFFFFF0, s25  }
0x8d: {  	s26 =	rddreg [dreg:$0x11];
	s18 =	sadd.s32 s3, s18  }
0x8e: {  	[tilespmem:s26], [sflag:$0x1] =	stream.linear.gather [hbm4b:s18+s2], $0x80, $0x38;
	[tilespmem:$0x2400] =	vst v63  }
0x8f: {  	s25 =	spop (v2sf);
	(v2sf) =	vpush v3, $0xC  }
0x90: {  	s18 =	sand.u32 $0x1FFFFFF0, s28  }
0x91: {  	s29 =	rddreg [dreg:$0x12];
	s18 =	sadd.s32 s4, s18;
	s28 =	spop (v2sf);
	(v2sf) =	vpush v2, $0xC  }
0x92: {  	[tilespmem:s29], [sflag:$0x2] =	stream.linear.gather [hbm4b:s18+s2], $0x80, $0x38;
	[tilespmem:$0x2400] =	vst v63  }
0x93: {  	s18 =	sand.u32 $0x1FFFFFF0, s30;
	s30 =	spop (v2sf);
	(v2sf) =	vpush v3, $0xD  }
0x94: {  	s31 =	rddreg [dreg:$0x13];
	s18 =	sadd.s32 s3, s18  }
0x95: {  	[tilespmem:s31], [sflag:$0x1] =	stream.linear.gather [hbm4b:s18+s2], $0x80, $0x38;
	[tilespmem:$0x2400] =	vst v63  }
0x96: {  	s18 =	sand.u32 $0x1FFFFFF0, s19;
	s19 =	spop (v2sf);
	(v2sf) =	vpush v2, $0xD;
	_ =	sdelay $0x1  }
0x97: {  	s20 =	rddreg [dreg:$0x14];
	s18 =	sadd.s32 s4, s18  }
0x98: {  	[tilespmem:s20], [sflag:$0x2] =	stream.linear.gather [hbm4b:s18+s2], $0x80, $0x38;
	[tilespmem:$0x2400] =	vst v63  }
0x99: {  	s18 =	sand.u32 $0x1FFFFFF0, s21  }
0x9a: {  	s22 =	rddreg [dreg:$0x15];
	s18 =	sadd.s32 s3, s18  }
0x9b: {  	[tilespmem:s22], [sflag:$0x1] =	stream.linear.gather [hbm4b:s18+s2], $0x80, $0x38;
	[tilespmem:$0x2400] =	vst v63  }
0x9c: {  	s18 =	sand.u32 $0x1FFFFFF0, s23  }
0x9d: {  	s24 =	rddreg [dreg:$0x16];
	s18 =	sadd.s32 s4, s18;
	s21 =	spop (v2sf);
	(v2sf) =	vpush v3, $0xE  }
0x9e: {  	[tilespmem:s24], [sflag:$0x2] =	stream.linear.gather [hbm4b:s18+s2], $0x80, $0x38;
	[tilespmem:$0x2400] =	vst v63  }
0x9f: {  	s23 =	spop (v2sf);
	(v2sf) =	vpush v2, $0xE  }
0xa0: {  	s18 =	sand.u32 $0x1FFFFFF0, s25  }
0xa1: {  	s26 =	rddreg [dreg:$0x17];
	s18 =	sadd.s32 s3, s18;
	s25 =	spop (v2sf);
	(v2sf) =	vpush v3, $0xF  }
0xa2: {  	[tilespmem:s26], [sflag:$0x1] =	stream.linear.gather [hbm4b:s18+s2], $0x80, $0x38;
	[tilespmem:$0x2400] =	vst v63  }
0xa3: {  	s18 =	sand.u32 $0x1FFFFFF0, s28  }
0xa4: {  	s29 =	rddreg [dreg:$0x18];
	s18 =	sadd.s32 s4, s18;
	s28 =	spop (v2sf);
	(v2sf) =	vpush v2, $0xF  }
0xa5: {  	[tilespmem:s29], [sflag:$0x2] =	stream.linear.gather [hbm4b:s18+s2], $0x80, $0x38;
	[tilespmem:$0x2400] =	vst v63  }
0xa6: {  	s18 =	sand.u32 $0x1FFFFFF0, s30  }
0xa7: {  	s31 =	rddreg [dreg:$0x19];
	s18 =	sadd.s32 s3, s18  }
0xa8: {  	[tilespmem:s31], [sflag:$0x1] =	stream.linear.gather [hbm4b:s18+s2], $0x80, $0x38;
	[tilespmem:$0x2400] =	vst v63  }
0xa9: {  	s18 =	sand.u32 $0x1FFFFFF0, s19  }
0xaa: {  	s20 =	rddreg [dreg:$0x1a];
	s18 =	sadd.s32 s4, s18  }
0xab: {  	v0 =	vshll.u32 v62, $0x4;
	[tilespmem:s20], [sflag:$0x2] =	stream.linear.gather [hbm4b:s18+s2], $0x80, $0x38;
	[tilespmem:$0x2400] =	vst v63  }
0xac: {  	s30 =	spop (v2sf);
	(v2sf) =	vpush v0, $0x0  }
0xad: {  	v1 =	vshll.u32 v63, $0x4;
	s18 =	sand.u32 $0x1FFFFFF0, s21  }
0xae: {  	s22 =	rddreg [dreg:$0x1b];
	s18 =	sadd.s32 s3, s18;
	s19 =	spop (v2sf);
	(v2sf) =	vpush v1, $0x0  }
0xaf: {  	[tilespmem:s22], [sflag:$0x1] =	stream.linear.gather [hbm4b:s18+s2], $0x80, $0x38;
	[tilespmem:$0x2400] =	vst v63  }
0xb0: {  	s18 =	sand.u32 $0x1FFFFFF0, s23;
	s21 =	spop (v2sf);
	(v2sf) =	vpush v0, $0x1  }
0xb1: {  	s24 =	rddreg [dreg:$0x1c];
	s18 =	sadd.s32 s4, s18  }
0xb2: {  	[tilespmem:s24], [sflag:$0x2] =	stream.linear.gather [hbm4b:s18+s2], $0x80, $0x38;
	[tilespmem:$0x2400] =	vst v63  }
0xb3: {  	s23 =	spop (v2sf);
	(v2sf) =	vpush v1, $0x1  }
0xb4: {  	s18 =	sand.u32 $0x1FFFFFF0, s25  }
0xb5: {  	s26 =	rddreg [dreg:$0x1d];
	s18 =	sadd.s32 s3, s18  }
0xb6: {  	[tilespmem:s26], [sflag:$0x1] =	stream.linear.gather [hbm4b:s18+s2], $0x80, $0x38;
	[tilespmem:$0x2400] =	vst v63  }
0xb7: {  	s18 =	sand.u32 $0x1FFFFFF0, s28  }
0xb8: {  	s29 =	rddreg [dreg:$0x1e];
	s18 =	sadd.s32 s4, s18  }
0xb9: {  	[tilespmem:s29], [sflag:$0x2] =	stream.linear.gather [hbm4b:s18+s2], $0x80, $0x38;
	[tilespmem:$0x2400] =	vst v63  }
0xba: {  	s18 =	sand.u32 $0x1FFFFFF0, s30  }
0xbb: {  	s31 =	rddreg [dreg:$0x1f];
	s18 =	sadd.s32 s3, s18;
	s25 =	spop (v2sf);
	(v2sf) =	vpush v0, $0x2  }
0xbc: {  	[tilespmem:s31], [sflag:$0x1] =	stream.linear.gather [hbm4b:s18+s2], $0x80, $0x38;
	[tilespmem:$0x2400] =	vst v63  }
0xbd: {  	s20 =	sld [smem:$0x7DB];
	s28 =	spop (v2sf);
	(v2sf) =	vpush v1, $0x2  }
0xbe: {  	s18 =	sand.u32 $0x1FFFFFF0, s19  }
0xbf: {  	s22 =	sld [smem:$0x7DC];
	s18 =	sadd.s32 s4, s18;
	s30 =	spop (v2sf);
	(v2sf) =	vpush v0, $0x3  }
0xc0: {  	[tilespmem:s20], [sflag:$0x2] =	stream.linear.gather [hbm4b:s18+s2], $0x80, $0x38;
	[tilespmem:$0x2400] =	vst v63  }
0xc1: {  	s18 =	sand.u32 $0x1FFFFFF0, s21  }
0xc2: {  	s24 =	sld [smem:$0x7DD];
	s18 =	sadd.s32 s3, s18;
	s19 =	spop (v2sf);
	(v2sf) =	vpush v1, $0x3  }
0xc3: {  	[tilespmem:s22], [sflag:$0x1] =	stream.linear.gather [hbm4b:s18+s2], $0x80, $0x38;
	[tilespmem:$0x2400] =	vst v63  }
0xc4: {  	s18 =	sand.u32 $0x1FFFFFF0, s23  }
0xc5: {  	s26 =	sld [smem:$0x7DE];
	s18 =	sadd.s32 s4, s18  }
0xc6: {  	[tilespmem:s24], [sflag:$0x2] =	stream.linear.gather [hbm4b:s18+s2], $0x80, $0x38;
	[tilespmem:$0x2400] =	vst v63  }
0xc7: {  	s18 =	sand.u32 $0x1FFFFFF0, s25  }
0xc8: {  	s18 =	sadd.s32 s3, s18  }
0xc9: {  	[tilespmem:s26], [sflag:$0x1] =	stream.linear.gather [hbm4b:s18+s2], $0x80, $0x38;
	[tilespmem:$0x2400] =	vst v63  }
0xca: {  	s29 =	sld [smem:$0x7DF];
	s21 =	spop (v2sf);
	(v2sf) =	vpush v0, $0x4  }
0xcb: {  	s18 =	sand.u32 $0x1FFFFFF0, s28  }
0xcc: {  	s31 =	sld [smem:$0x7E0];
	s18 =	sadd.s32 s4, s18;
	s23 =	spop (v2sf);
	(v2sf) =	vpush v1, $0x4  }
0xcd: {  	[tilespmem:s29], [sflag:$0x2] =	stream.linear.gather [hbm4b:s18+s2], $0x80, $0x38;
	[tilespmem:$0x2400] =	vst v63  }
0xce: {  	s18 =	sand.u32 $0x1FFFFFF0, s30;
	s25 =	spop (v2sf);
	(v2sf) =	vpush v0, $0x5  }
0xcf: {  	s18 =	sadd.s32 s3, s18  }
0xd0: {  	[tilespmem:s31], [sflag:$0x1] =	stream.linear.gather [hbm4b:s18+s2], $0x80, $0x38;
	[tilespmem:$0x2400] =	vst v63  }
0xd1: {  	s20 =	sld [smem:$0x7E1];
	s28 =	spop (v2sf);
	(v2sf) =	vpush v1, $0x5  }
0xd2: {  	s18 =	sand.u32 $0x1FFFFFF0, s19  }
0xd3: {  	s22 =	sld [smem:$0x7E2];
	s18 =	sadd.s32 s4, s18  }
0xd4: {  	[tilespmem:s20], [sflag:$0x2] =	stream.linear.gather [hbm4b:s18+s2], $0x80, $0x38;
	[tilespmem:$0x2400] =	vst v63  }
0xd5: {  	s18 =	sand.u32 $0x1FFFFFF0, s21  }
0xd6: {  	s24 =	sld [smem:$0x7E3];
	s18 =	sadd.s32 s3, s18  }
0xd7: {  	[tilespmem:s22], [sflag:$0x1] =	stream.linear.gather [hbm4b:s18+s2], $0x80, $0x38;
	[tilespmem:$0x2400] =	vst v63  }
0xd8: {  	s18 =	sand.u32 $0x1FFFFFF0, s23  }
0xd9: {  	s18 =	sadd.s32 s4, s18;
	s30 =	spop (v2sf);
	(v2sf) =	vpush v0, $0x6  }
0xda: {  	[tilespmem:s24], [sflag:$0x2] =	stream.linear.gather [hbm4b:s18+s2], $0x80, $0x38;
	[tilespmem:$0x2400] =	vst v63  }
0xdb: {  	s26 =	sld [smem:$0x7E4];
	s19 =	spop (v2sf);
	(v2sf) =	vpush v1, $0x6  }
0xdc: {  	s18 =	sand.u32 $0x1FFFFFF0, s25  }
0xdd: {  	s29 =	sld [smem:$0x7E5];
	s18 =	sadd.s32 s3, s18;
	s21 =	spop (v2sf);
	(v2sf) =	vpush v0, $0x7  }
0xde: {  	[tilespmem:s26], [sflag:$0x1] =	stream.linear.gather [hbm4b:s18+s2], $0x80, $0x38;
	[tilespmem:$0x2400] =	vst v63  }
0xdf: {  	s18 =	sand.u32 $0x1FFFFFF0, s28  }
0xe0: {  	s31 =	sld [smem:$0x7E6];
	s18 =	sadd.s32 s4, s18;
	s23 =	spop (v2sf);
	(v2sf) =	vpush v1, $0x7  }
0xe1: {  	[tilespmem:s29], [sflag:$0x2] =	stream.linear.gather [hbm4b:s18+s2], $0x80, $0x38;
	[tilespmem:$0x2400] =	vst v63  }
0xe2: {  	s18 =	sand.u32 $0x1FFFFFF0, s30  }
0xe3: {  	s20 =	sld [smem:$0x7E7];
	s18 =	sadd.s32 s3, s18  }
0xe4: {  	[tilespmem:s31], [sflag:$0x1] =	stream.linear.gather [hbm4b:s18+s2], $0x80, $0x38;
	[tilespmem:$0x2400] =	vst v63  }
0xe5: {  	s18 =	sand.u32 $0x1FFFFFF0, s19  }
0xe6: {  	s18 =	sadd.s32 s4, s18  }
0xe7: {  	[tilespmem:s20], [sflag:$0x2] =	stream.linear.gather [hbm4b:s18+s2], $0x80, $0x38;
	[tilespmem:$0x2400] =	vst v63  }
0xe8: {  	s22 =	sld [smem:$0x7E8];
	s25 =	spop (v2sf);
	(v2sf) =	vpush v0, $0x8  }
0xe9: {  	s18 =	sand.u32 $0x1FFFFFF0, s21  }
0xea: {  	s24 =	sld [smem:$0x7E9];
	s18 =	sadd.s32 s3, s18;
	s28 =	spop (v2sf);
	(v2sf) =	vpush v1, $0x8  }
0xeb: {  	[tilespmem:s22], [sflag:$0x1] =	stream.linear.gather [hbm4b:s18+s2], $0x80, $0x38;
	[tilespmem:$0x2400] =	vst v63  }
0xec: {  	s18 =	sand.u32 $0x1FFFFFF0, s23;
	s30 =	spop (v2sf);
	(v2sf) =	vpush v0, $0x9  }
0xed: {  	s18 =	sadd.s32 s4, s18  }
0xee: {  	[tilespmem:s24], [sflag:$0x2] =	stream.linear.gather [hbm4b:s18+s2], $0x80, $0x38;
	[tilespmem:$0x2400] =	vst v63  }
0xef: {  	s26 =	sld [smem:$0x7EA];
	s19 =	spop (v2sf);
	(v2sf) =	vpush v1, $0x9  }
0xf0: {  	s18 =	sand.u32 $0x1FFFFFF0, s25  }
0xf1: {  	s29 =	sld [smem:$0x7EB];
	s18 =	sadd.s32 s3, s18  }
0xf2: {  	[tilespmem:s26], [sflag:$0x1] =	stream.linear.gather [hbm4b:s18+s2], $0x80, $0x38;
	[tilespmem:$0x2400] =	vst v63  }
0xf3: {  	s18 =	sand.u32 $0x1FFFFFF0, s28  }
0xf4: {  	s31 =	sld [smem:$0x7EC];
	s18 =	sadd.s32 s4, s18  }
0xf5: {  	[tilespmem:s29], [sflag:$0x2] =	stream.linear.gather [hbm4b:s18+s2], $0x80, $0x38;
	[tilespmem:$0x2400] =	vst v63  }
0xf6: {  	s18 =	sand.u32 $0x1FFFFFF0, s30  }
0xf7: {  	s18 =	sadd.s32 s3, s18;
	s21 =	spop (v2sf);
	(v2sf) =	vpush v0, $0xA  }
0xf8: {  	[tilespmem:s31], [sflag:$0x1] =	stream.linear.gather [hbm4b:s18+s2], $0x80, $0x38;
	[tilespmem:$0x2400] =	vst v63  }
0xf9: {  	s20 =	sld [smem:$0x7ED];
	s23 =	spop (v2sf);
	(v2sf) =	vpush v1, $0xA  }
0xfa: {  	s18 =	sand.u32 $0x1FFFFFF0, s19  }
0xfb: {  	s22 =	sld [smem:$0x7EE];
	s18 =	sadd.s32 s4, s18;
	s25 =	spop (v2sf);
	(v2sf) =	vpush v0, $0xB  }
0xfc: {  	[tilespmem:s20], [sflag:$0x2] =	stream.linear.gather [hbm4b:s18+s2], $0x80, $0x38;
	[tilespmem:$0x2400] =	vst v63  }
0xfd: {  	s18 =	sand.u32 $0x1FFFFFF0, s21  }
0xfe: {  	s24 =	sld [smem:$0x7EF];
	s18 =	sadd.s32 s3, s18;
	s28 =	spop (v2sf);
	(v2sf) =	vpush v1, $0xB  }
0xff: {  	[tilespmem:s22], [sflag:$0x1] =	stream.linear.gather [hbm4b:s18+s2], $0x80, $0x38;
	[tilespmem:$0x2400] =	vst v63  }
0x100: {  	s18 =	sand.u32 $0x1FFFFFF0, s23  }
0x101: {  	s26 =	sld [smem:$0x7F0];
	s18 =	sadd.s32 s4, s18  }
0x102: {  	[tilespmem:s24], [sflag:$0x2] =	stream.linear.gather [hbm4b:s18+s2], $0x80, $0x38;
	[tilespmem:$0x2400] =	vst v63  }
0x103: {  	s18 =	sand.u32 $0x1FFFFFF0, s25  }
0x104: {  	s18 =	sadd.s32 s3, s18  }
0x105: {  	[tilespmem:s26], [sflag:$0x1] =	stream.linear.gather [hbm4b:s18+s2], $0x80, $0x38;
	[tilespmem:$0x2400] =	vst v63  }
0x106: {  	s29 =	sld [smem:$0x7F1];
	s30 =	spop (v2sf);
	(v2sf) =	vpush v0, $0xC  }
0x107: {  	s18 =	sand.u32 $0x1FFFFFF0, s28  }
0x108: {  	s31 =	sld [smem:$0x7F2];
	s18 =	sadd.s32 s4, s18;
	s19 =	spop (v2sf);
	(v2sf) =	vpush v1, $0xC  }
0x109: {  	[tilespmem:s29], [sflag:$0x2] =	stream.linear.gather [hbm4b:s18+s2], $0x80, $0x38;
	[tilespmem:$0x2400] =	vst v63  }
0x10a: {  	s18 =	sand.u32 $0x1FFFFFF0, s30;
	s21 =	spop (v2sf);
	(v2sf) =	vpush v0, $0xD  }
0x10b: {  	s18 =	sadd.s32 s3, s18  }
0x10c: {  	[tilespmem:s31], [sflag:$0x1] =	stream.linear.gather [hbm4b:s18+s2], $0x80, $0x38;
	[tilespmem:$0x2400] =	vst v63  }
0x10d: {  	s20 =	sld [smem:$0x7F3];
	s23 =	spop (v2sf);
	(v2sf) =	vpush v1, $0xD  }
0x10e: {  	s18 =	sand.u32 $0x1FFFFFF0, s19  }
0x10f: {  	s22 =	sld [smem:$0x7F4];
	s18 =	sadd.s32 s4, s18  }
0x110: {  	[tilespmem:s20], [sflag:$0x2] =	stream.linear.gather [hbm4b:s18+s2], $0x80, $0x38;
	[tilespmem:$0x2400] =	vst v63  }
0x111: {  	s18 =	sand.u32 $0x1FFFFFF0, s21  }
0x112: {  	s24 =	sld [smem:$0x7F5];
	s18 =	sadd.s32 s3, s18  }
0x113: {  	[tilespmem:s22], [sflag:$0x1] =	stream.linear.gather [hbm4b:s18+s2], $0x80, $0x38;
	[tilespmem:$0x2400] =	vst v63  }
0x114: {  	s18 =	sand.u32 $0x1FFFFFF0, s23  }
0x115: {  	s18 =	sadd.s32 s4, s18;
	s25 =	spop (v2sf);
	(v2sf) =	vpush v0, $0xE  }
0x116: {  	[tilespmem:s24], [sflag:$0x2] =	stream.linear.gather [hbm4b:s18+s2], $0x80, $0x38;
	[tilespmem:$0x2400] =	vst v63  }
0x117: {  	s26 =	sld [smem:$0x7F6];
	s28 =	spop (v2sf);
	(v2sf) =	vpush v1, $0xE  }
0x118: {  	s18 =	sand.u32 $0x1FFFFFF0, s25  }
0x119: {  	s29 =	sld [smem:$0x7F7];
	s18 =	sadd.s32 s3, s18;
	s30 =	spop (v2sf)  }
0x11a: {  	(v2sf) =	vpush v0, $0xF;
	[tilespmem:s26], [sflag:$0x1] =	stream.linear.gather [hbm4b:s18+s2], $0x80, $0x38;
	[tilespmem:$0x2400] =	vst v63  }
0x11b: {  	s18 =	sand.u32 $0x1FFFFFF0, s28  }
0x11c: {  	s31 =	sld [smem:$0x7F8];
	s19 =	spop (v2sf);
	s18 =	sadd.s32 s4, s18  }
0x11d: {  	(v2sf) =	vpush v1, $0xF;
	[tilespmem:s29], [sflag:$0x2] =	stream.linear.gather [hbm4b:s18+s2], $0x80, $0x38;
	[tilespmem:$0x2400] =	vst v63  }
0x11e: {  	s18 =	sand.u32 $0x1FFFFFF0, s30  }
0x11f: {  	s20 =	sld [smem:$0x7F9];
	s18 =	sadd.s32 s3, s18  }
0x120: {  	[tilespmem:s31], [sflag:$0x1] =	stream.linear.gather [hbm4b:s18+s2], $0x80, $0x38;
	[tilespmem:$0x2400] =	vst v63  }
0x121: {  	s18 =	sand.u32 $0x1FFFFFF0, s19  }
0x122: {  	s18 =	sadd.s32 s4, s18  }
0x123: {  	[tilespmem:s20], [sflag:$0x2] =	stream.linear.gather [hbm4b:s18+s2], $0x80, $0x38;
	[tilespmem:$0x2400] =	vst v63  }
0x124: {  	s22 =	sld [smem:$0x7FA];
	s21 =	spop (v2sf)  }
0x125: {  	s18 =	sand.u32 $0x1FFFFFF0, s21  }
0x126: {  	s24 =	sld [smem:$0x7FB];
	s23 =	spop (v2sf);
	s18 =	sadd.s32 s3, s18  }
0x127: {  	[tilespmem:s22], [sflag:$0x1] =	stream.linear.gather [hbm4b:s18+s2], $0x80, $0x38;
	[tilespmem:$0x2400] =	vst v63  }
0x128: {  	s18 =	sand.u32 $0x1FFFFFF0, s23  }
0x129: {  	s26 =	sld [smem:$0x7FC];
	s25 =	spop (v2sf);
	s18 =	sadd.s32 s4, s18  }
0x12a: {  	[tilespmem:s24], [sflag:$0x2] =	stream.linear.gather [hbm4b:s18+s2], $0x80, $0x38;
	[tilespmem:$0x2400] =	vst v63  }
0x12b: {  	s18 =	sand.u32 $0x1FFFFFF0, s25  }
0x12c: {  	s29 =	sld [smem:$0x7FD];
	s28 =	spop (v2sf);
	s18 =	sadd.s32 s3, s18  }
0x12d: {  	[tilespmem:s26], [sflag:$0x1] =	stream.linear.gather [hbm4b:s18+s2], $0x80, $0x38;
	[tilespmem:$0x2400] =	vst v63  }
0x12e: {  	s18 =	sand.u32 $0x1FFFFFF0, s28  }
0x12f: {  	s18 =	sadd.s32 s4, s18  }
0x130: {  	[tilespmem:s29], [sflag:$0x2] =	stream.linear.gather [hbm4b:s18+s2], $0x80, $0x38;
	[tilespmem:$0x2400] =	vst v63  }
0x131: {  	_ =	swait.ge [sflag:s12], $0x80  }
0x132: {  	[sflag:s12] =	ssyncset.done $0x0  }
0x133: {  	[sflag:s12] =	ssyncadd.s32 $0xFFFFFF80  }
0x134: {  	_ =	swait.ge [sflag:s13], $0x80  }
0x135: {  	[sflag:s13] =	ssyncset.done $0x0  }
0x136: {  	[sflag:s13] =	ssyncadd.s32 $0xFFFFFF80  }
0x137: {  	_ =	swait.ge [sflag:s12], $0x80  }
0x138: {  	[sflag:s12] =	ssyncset.done $0x0  }
0x139: {  	[sflag:s12] =	ssyncadd.s32 $0xFFFFFF80  }
0x13a: {  	_ =	swait.ge [sflag:s13], $0x80  }
0x13b: {  	[sflag:s13] =	ssyncset.done $0x0  }
0x13c: {  	[sflag:s13] =	ssyncadd.s32 $0xFFFFFF80  }
0x13d: {  	_ =	swait.ge [sflag:s12], $0x80  }
0x13e: {  	[sflag:s12] =	ssyncset.done $0x0  }
0x13f: {  	[sflag:s12] =	ssyncadd.s32 $0xFFFFFF80  }
0x140: {  	_ =	swait.ge [sflag:s13], $0x80  }
0x141: {  	[sflag:s13] =	ssyncset.done $0x0  }
0x142: {  	[sflag:s13] =	ssyncadd.s32 $0xFFFFFF80  }
0x143: {  	_ =	swait.ge [sflag:s12], $0x80  }
0x144: {  	[sflag:s12] =	ssyncset.done $0x0  }
0x145: {  	[sflag:s12] =	ssyncadd.s32 $0xFFFFFF80  }
0x146: {  	_ =	swait.ge [sflag:s13], $0x80  }
0x147: {  	[sflag:s13] =	ssyncset.done $0x0  }
0x148: {  	[sflag:s13] =	ssyncadd.s32 $0xFFFFFF80  }
0x149: {  	_ =	swait.ge [sflag:s12], $0x80  }
0x14a: {  	[sflag:s12] =	ssyncset.done $0x0  }
0x14b: {  	[sflag:s12] =	ssyncadd.s32 $0xFFFFFF80  }
0x14c: {  	_ =	swait.ge [sflag:s13], $0x80  }
0x14d: {  	[sflag:s13] =	ssyncset.done $0x0  }
0x14e: {  	[sflag:s13] =	ssyncadd.s32 $0xFFFFFF80  }
0x14f: {  	_ =	swait.ge [sflag:s12], $0x80  }
0x150: {  	[sflag:s12] =	ssyncset.done $0x0  }
0x151: {  	[sflag:s12] =	ssyncadd.s32 $0xFFFFFF80  }
0x152: {  	_ =	swait.ge [sflag:s13], $0x80  }
0x153: {  	[sflag:s13] =	ssyncset.done $0x0  }
0x154: {  	[sflag:s13] =	ssyncadd.s32 $0xFFFFFF80  }
0x155: {  	_ =	swait.ge [sflag:s12], $0x80  }
0x156: {  	[sflag:s12] =	ssyncset.done $0x0  }
0x157: {  	[sflag:s12] =	ssyncadd.s32 $0xFFFFFF80  }
0x158: {  	_ =	swait.ge [sflag:s13], $0x80  }
0x159: {  	[sflag:s13] =	ssyncset.done $0x0  }
0x15a: {  	[sflag:s13] =	ssyncadd.s32 $0xFFFFFF80  }
0x15b: {  	_ =	swait.ge [sflag:s12], $0x80  }
0x15c: {  	[sflag:s12] =	ssyncset.done $0x0  }
0x15d: {  	[sflag:s12] =	ssyncadd.s32 $0xFFFFFF80  }
0x15e: {  	_ =	swait.ge [sflag:s13], $0x80  }
0x15f: {  	[sflag:s13] =	ssyncset.done $0x0  }
0x160: {  	[sflag:s13] =	ssyncadd.s32 $0xFFFFFF80  }
0x161: {  	_ =	swait.ge [sflag:s12], $0x80  }
0x162: {  	[sflag:s12] =	ssyncset.done $0x0  }
0x163: {  	[sflag:s12] =	ssyncadd.s32 $0xFFFFFF80  }
0x164: {  	_ =	swait.ge [sflag:s13], $0x80  }
0x165: {  	[sflag:s13] =	ssyncset.done $0x0  }
0x166: {  	[sflag:s13] =	ssyncadd.s32 $0xFFFFFF80  }
0x167: {  	_ =	swait.ge [sflag:s12], $0x80  }
0x168: {  	[sflag:s12] =	ssyncset.done $0x0  }
0x169: {  	[sflag:s12] =	ssyncadd.s32 $0xFFFFFF80  }
0x16a: {  	_ =	swait.ge [sflag:s13], $0x80  }
0x16b: {  	[sflag:s13] =	ssyncset.done $0x0  }
0x16c: {  	[sflag:s13] =	ssyncadd.s32 $0xFFFFFF80  }
0x16d: {  	_ =	swait.ge [sflag:s12], $0x80  }
0x16e: {  	[sflag:s12] =	ssyncset.done $0x0  }
0x16f: {  	[sflag:s12] =	ssyncadd.s32 $0xFFFFFF80  }
0x170: {  	_ =	swait.ge [sflag:s13], $0x80  }
0x171: {  	[sflag:s13] =	ssyncset.done $0x0  }
0x172: {  	[sflag:s13] =	ssyncadd.s32 $0xFFFFFF80  }
0x173: {  	_ =	swait.ge [sflag:s12], $0x80  }
0x174: {  	[sflag:s12] =	ssyncset.done $0x0  }
0x175: {  	[sflag:s12] =	ssyncadd.s32 $0xFFFFFF80  }
0x176: {  	_ =	swait.ge [sflag:s13], $0x80  }
0x177: {  	[sflag:s13] =	ssyncset.done $0x0  }
0x178: {  	[sflag:s13] =	ssyncadd.s32 $0xFFFFFF80  }
0x179: {  	_ =	swait.ge [sflag:s12], $0x80  }
0x17a: {  	[sflag:s12] =	ssyncset.done $0x0  }
0x17b: {  	[sflag:s12] =	ssyncadd.s32 $0xFFFFFF80  }
0x17c: {  	_ =	swait.ge [sflag:s13], $0x80  }
0x17d: {  	[sflag:s13] =	ssyncset.done $0x0  }
0x17e: {  	[sflag:s13] =	ssyncadd.s32 $0xFFFFFF80  }
0x17f: {  	_ =	swait.ge [sflag:s12], $0x80  }
0x180: {  	[sflag:s12] =	ssyncset.done $0x0  }
0x181: {  	[sflag:s12] =	ssyncadd.s32 $0xFFFFFF80  }
0x182: {  	_ =	swait.ge [sflag:s13], $0x80  }
0x183: {  	[sflag:s13] =	ssyncset.done $0x0  }
0x184: {  	[sflag:s13] =	ssyncadd.s32 $0xFFFFFF80  }
0x185: {  	_ =	swait.ge [sflag:s12], $0x80  }
0x186: {  	[sflag:s12] =	ssyncset.done $0x0  }
0x187: {  	[sflag:s12] =	ssyncadd.s32 $0xFFFFFF80  }
0x188: {  	_ =	swait.ge [sflag:s13], $0x80  }
0x189: {  	[sflag:s13] =	ssyncset.done $0x0  }
0x18a: {  	[sflag:s13] =	ssyncadd.s32 $0xFFFFFF80  }
0x18b: {  	_ =	swait.ge [sflag:s12], $0x80  }
0x18c: {  	[sflag:s12] =	ssyncset.done $0x0  }
0x18d: {  	[sflag:s12] =	ssyncadd.s32 $0xFFFFFF80  }
0x18e: {  	_ =	swait.ge [sflag:s13], $0x80  }
0x18f: {  	[sflag:s13] =	ssyncset.done $0x0  }
0x190: {  	[sflag:s13] =	ssyncadd.s32 $0xFFFFFF80  }
0x191: {  	_ =	swait.ge [sflag:s12], $0x80  }
0x192: {  	[sflag:s12] =	ssyncset.done $0x0  }
0x193: {  	[sflag:s12] =	ssyncadd.s32 $0xFFFFFF80  }
0x194: {  	_ =	swait.ge [sflag:s13], $0x80  }
0x195: {  	[sflag:s13] =	ssyncset.done $0x0  }
0x196: {  	[sflag:s13] =	ssyncadd.s32 $0xFFFFFF80  }
0x197: {  	_ =	swait.ge [sflag:s12], $0x80  }
0x198: {  	[sflag:s12] =	ssyncset.done $0x0  }
0x199: {  	[sflag:s12] =	ssyncadd.s32 $0xFFFFFF80  }
0x19a: {  	_ =	swait.ge [sflag:s13], $0x80  }
0x19b: {  	[sflag:s13] =	ssyncset.done $0x0  }
0x19c: {  	[sflag:s13] =	ssyncadd.s32 $0xFFFFFF80  }
0x19d: {  	_ =	swait.ge [sflag:s12], $0x80  }
0x19e: {  	[sflag:s12] =	ssyncset.done $0x0  }
0x19f: {  	[sflag:s12] =	ssyncadd.s32 $0xFFFFFF80  }
0x1a0: {  	_ =	swait.ge [sflag:s13], $0x80  }
0x1a1: {  	[sflag:s13] =	ssyncset.done $0x0  }
0x1a2: {  	[sflag:s13] =	ssyncadd.s32 $0xFFFFFF80  }
0x1a3: {  	_ =	swait.ge [sflag:s12], $0x80  }
0x1a4: {  	[sflag:s12] =	ssyncset.done $0x0  }
0x1a5: {  	[sflag:s12] =	ssyncadd.s32 $0xFFFFFF80  }
0x1a6: {  	_ =	swait.ge [sflag:s13], $0x80  }
0x1a7: {  	[sflag:s13] =	ssyncset.done $0x0  }
0x1a8: {  	[sflag:s13] =	ssyncadd.s32 $0xFFFFFF80  }
0x1a9: {  	_ =	swait.ge [sflag:s12], $0x80  }
0x1aa: {  	[sflag:s12] =	ssyncset.done $0x0  }
0x1ab: {  	[sflag:s12] =	ssyncadd.s32 $0xFFFFFF80  }
0x1ac: {  	_ =	swait.ge [sflag:s13], $0x80  }
0x1ad: {  	[sflag:s13] =	ssyncset.done $0x0  }
0x1ae: {  	[sflag:s13] =	ssyncadd.s32 $0xFFFFFF80  }
0x1af: {  	_ =	swait.ge [sflag:s12], $0x80  }
0x1b0: {  	[sflag:s12] =	ssyncset.done $0x0  }
0x1b1: {  	[sflag:s12] =	ssyncadd.s32 $0xFFFFFF80  }
0x1b2: {  	_ =	swait.ge [sflag:s13], $0x80  }
0x1b3: {  	[sflag:s13] =	ssyncset.done $0x0  }
0x1b4: {  	[sflag:s13] =	ssyncadd.s32 $0xFFFFFF80  }
0x1b5: {  	_ =	swait.ge [sflag:s12], $0x80  }
0x1b6: {  	[sflag:s12] =	ssyncset.done $0x0  }
0x1b7: {  	[sflag:s12] =	ssyncadd.s32 $0xFFFFFF80  }
0x1b8: {  	_ =	swait.ge [sflag:s13], $0x80  }
0x1b9: {  	[sflag:s13] =	ssyncset.done $0x0  }
0x1ba: {  	[sflag:s13] =	ssyncadd.s32 $0xFFFFFF80  }
0x1bb: {  	_ =	swait.ge [sflag:s12], $0x80  }
0x1bc: {  	[sflag:s12] =	ssyncset.done $0x0  }
0x1bd: {  	[sflag:s12] =	ssyncadd.s32 $0xFFFFFF80  }
0x1be: {  	_ =	swait.ge [sflag:s13], $0x80  }
0x1bf: {  	[sflag:s13] =	ssyncset.done $0x0  }
0x1c0: {  	[sflag:s13] =	ssyncadd.s32 $0xFFFFFF80  }
0x1c1: {  	_ =	swait.ge [sflag:s12], $0x80  }
0x1c2: {  	[sflag:s12] =	ssyncset.done $0x0  }
0x1c3: {  	[sflag:s12] =	ssyncadd.s32 $0xFFFFFF80  }
0x1c4: {  	_ =	swait.ge [sflag:s13], $0x80  }
0x1c5: {  	[sflag:s13] =	ssyncset.done $0x0  }
0x1c6: {  	[sflag:s13] =	ssyncadd.s32 $0xFFFFFF80  }
0x1c7: {  	_ =	swait.ge [sflag:s12], $0x80  }
0x1c8: {  	[sflag:s12] =	ssyncset.done $0x0  }
0x1c9: {  	[sflag:s12] =	ssyncadd.s32 $0xFFFFFF80  }
0x1ca: {  	_ =	swait.ge [sflag:s13], $0x80  }
0x1cb: {  	[sflag:s13] =	ssyncset.done $0x0  }
0x1cc: {  	[sflag:s13] =	ssyncadd.s32 $0xFFFFFF80  }
0x1cd: {  	_ =	swait.ge [sflag:s12], $0x80  }
0x1ce: {  	[sflag:s12] =	ssyncset.done $0x0  }
0x1cf: {  	[sflag:s12] =	ssyncadd.s32 $0xFFFFFF80  }
0x1d0: {  	_ =	swait.ge [sflag:s13], $0x80  }
0x1d1: {  	[sflag:s13] =	ssyncset.done $0x0  }
0x1d2: {  	[sflag:s13] =	ssyncadd.s32 $0xFFFFFF80  }
0x1d3: {  	_ =	swait.ge [sflag:s12], $0x80  }
0x1d4: {  	[sflag:s12] =	ssyncset.done $0x0  }
0x1d5: {  	[sflag:s12] =	ssyncadd.s32 $0xFFFFFF80  }
0x1d6: {  	_ =	swait.ge [sflag:s13], $0x80  }
0x1d7: {  	[sflag:s13] =	ssyncset.done $0x0  }
0x1d8: {  	[sflag:s13] =	ssyncadd.s32 $0xFFFFFF80  }
0x1d9: {  	_ =	swait.ge [sflag:s12], $0x80  }
0x1da: {  	[sflag:s12] =	ssyncset.done $0x0  }
0x1db: {  	[sflag:s12] =	ssyncadd.s32 $0xFFFFFF80  }
0x1dc: {  	_ =	swait.ge [sflag:s13], $0x80  }
0x1dd: {  	[sflag:s13] =	ssyncset.done $0x0  }
0x1de: {  	[sflag:s13] =	ssyncadd.s32 $0xFFFFFF80  }
0x1df: {  	_ =	swait.ge [sflag:s12], $0x80  }
0x1e0: {  	[sflag:s12] =	ssyncset.done $0x0  }
0x1e1: {  	[sflag:s12] =	ssyncadd.s32 $0xFFFFFF80  }
0x1e2: {  	_ =	swait.ge [sflag:s13], $0x80  }
0x1e3: {  	[sflag:s13] =	ssyncset.done $0x0  }
0x1e4: {  	[sflag:s13] =	ssyncadd.s32 $0xFFFFFF80  }
0x1e5: {  	_ =	swait.ge [sflag:s12], $0x80  }
0x1e6: {  	[sflag:s12] =	ssyncset.done $0x0  }
0x1e7: {  	[sflag:s12] =	ssyncadd.s32 $0xFFFFFF80  }
0x1e8: {  	_ =	swait.ge [sflag:s13], $0x80  }
0x1e9: {  	[sflag:s13] =	ssyncset.done $0x0  }
0x1ea: {  	[sflag:s13] =	ssyncadd.s32 $0xFFFFFF80  }
0x1eb: {  	_ =	swait.ge [sflag:s12], $0x80  }
0x1ec: {  	[sflag:s12] =	ssyncset.done $0x0  }
0x1ed: {  	[sflag:s12] =	ssyncadd.s32 $0xFFFFFF80  }
0x1ee: {  	_ =	swait.ge [sflag:s13], $0x80  }
0x1ef: {  	s30 =	rddreg [dreg:$0x3];
	[sflag:s13] =	ssyncset.done $0x0  }
0x1f0: {  	[sflag:s13] =	ssyncadd.s32 $0xFFFFFF80;
	s18 =	sadd.s32 s17, s30  }
0x1f1: {  	[hbm4b:s18+s2] =	stream.linear.scatter [tilespmem:s10], [sflag:$0x3], $0x1000, $0x38;
	[tilespmem:$0x2400] =	vst v63  }
0x1f2: {  	_ =	swait.ge [sflag:s8], $0x1000  }
0x1f3: {  	p0 =	sne.s32 s17, $0x1E00;
	s31 =	rddreg [dreg:$0x4];
	[sflag:s8] =	ssyncset.done $0x0  }
.Ltmp0:
0x1f4: {  	[sflag:s8] =	ssyncadd.s32 $0xFFFFF000;
	s18 =	sadd.s32 s17, s31;
	(pc) =	sbr.rel @p0 .LBB2_2-.Ltmp0, $4  }
0x1f5: {  	[hbm4b:s18+s2] =	stream.linear.scatter [tilespmem:s11], [sflag:$0x3], $0x1000, $0x38;
	[tilespmem:$0x2400] =	vst v63  }
0x1f6: {  	_ =	swait.ge [sflag:s8], $0x1000  }
0x1f7: {  	s15 =	sadd.s32 $0x20, s15;
	[sflag:s8] =	ssyncset.done $0x0  }
0x1f8: {  	s16 =	sadd.s32 $0x20, s16;
	s17 =	sadd.s32 $0x200, s17;
	[sflag:s8] =	ssyncadd.s32 $0xFFFFF000  }
0x1f9: {  	s14 =	sadd.s32 $0x1, s14  }
0x1fa: {  	p0 =	sne.s32 s14, s7  }
.Ltmp1:
0x1fb: {  	_ = 	snop;
	(pc) =	sbr.rel @p0 .LBB2_1-.Ltmp1, $1  }
0x1fc: {  	_ =	sdelay $0x3  }
0x1fd: {  	_ =	sfence.sel $0x180000  }
0x1fe: {  	[bflag:$0x0] =	sbarrier.arrive $0xFFFF  }
0x1ff: {  	p0 =	sne.s32 s1, $0x0;
	_ =	strace $0x90000047  }
0x200: {  	s0 =	sadd.s32 @!p0 $0x100000, s0;
	[bflag:$0x2] =	sbarrier.arrive $0xFFFF  }
0x201: {  	[sflag:s0] =	ssyncadd.tile.s32 @!p0 $0x1;
	_ =	shalt  }
.Lfunc_end2:
_tile_overlayer_lowered:
.L_overlay_start_2:
0x202: {  	(tag) =	ssettag $0x2  }
0x203: {  	s0 =	rddreg [dreg:$0x0];
	s2 =	stileid.u32  }
0x204: {  	s1 =	rddreg [dreg:$0x1];
	p0 =	sne.s32 s2, $0x0  }
0x205: {  	s3 =	rddreg [dreg:$0x2];
	[bflag:$0x3] =	sbarrier.arrive $0xFFFF;
	s2 =	simm.s32 @!p0 $0x1C03  }
0x206: {  	[timem:s3], [sflag:s2] =	dma.local @!p0 [hbm:s0], s1  }
0x207: {  	s0 =	simm.s32 @!p0 $0x3  }
0x208: {  	_ =	swait.ge @!p0 [sflag:s0], s1  }
0x209: {  	s1 =	ssub.s32 @!p0 $0x0, s1;
	[sflag:s0] =	ssyncset.done @!p0 $0x0  }
0x20a: {  	[sflag:s0] =	ssyncadd.s32 @!p0 s1  }
0x20b: {  	[bflag:$0x3] =	sbarrier.arrive $0xFFFF  }
0x20c: {  	_ =	shalt  }

</sc_bundles>
